<compile_context>
chip_gen: v7x
topology: tpu7x:2x2x1
jax: 0.10.2.dev20260603
libtpu: 0.0.44.dev20260713+nightly
codegen_flags: <defaults>
</compile_context>

<pallas_src>
import functools

import jax
import jax.numpy as jnp
from jax import lax
from jax.experimental import pallas as pl
from jax.experimental.pallas import tpu as pltpu
from jax.experimental.pallas import tpu_sc as plsc
from jax._src.pallas import mpmd as _mpmd

EPS = 1e-10
NEG_BIG = -1e30
I32_BIG = 2**31 - 1

SC_NC = 2
SC_NS = 16
LANES = 16

BLK = 25088

_LN2 = 0.6931471805599453
_SQRT2 = 1.4142135623730951


def _main_body(vocab_len, x_ref, av_ref, dh_ref, yp_ref, w_ref, b_ref,
               out_ref, pp_ref, rmax_ref, rarg_ref,
               acc_pg, acc_max, acc_arg):
  j = pl.program_id(0)
  nblk = pl.num_programs(0)
  bs, blk = x_ref.shape

  @pl.when(j == 0)
  def _():
    w = w_ref[...]
    av = av_ref[...]
    dh = dh_ref[...]
    yp = yp_ref[...]
    n_av = av.shape[1]
    n_dh = dh.shape[1]
    s_av = jnp.sum(av * w[:, :n_av], axis=1, keepdims=True)
    s_dh = jnp.sum(dh * w[:, n_av:n_av + n_dh], axis=1, keepdims=True)
    s_yp = jnp.sum(yp * w[:, n_av + n_dh:], axis=1, keepdims=True)
    logit = s_av + s_dh + s_yp + b_ref[0, 0]
    pp = 1.0 / (1.0 + jnp.exp(-logit))
    pp_ref[...] = jnp.broadcast_to(pp, (bs, LANES))
    acc_pg[...] = 1.0 - pp

  x = x_ref[...]
  pg = acc_pg[...]
  out_ref[...] = jnp.log(pg * jnp.exp(x) + EPS)

  cid = j * blk + lax.broadcasted_iota(jnp.int32, (bs, blk), 1)
  xv = jnp.where(cid < vocab_len, x, NEG_BIG)
  bmax = jnp.max(xv, axis=1, keepdims=True)
  cands = jnp.where(xv == bmax, cid, I32_BIG)
  barg = jnp.min(cands, axis=1, keepdims=True)

  @pl.when(j == 0)
  def _():
    acc_max[...] = bmax
    acc_arg[...] = barg

  @pl.when(j > 0)
  def _():
    better = bmax > acc_max[...]
    acc_arg[...] = jnp.where(better, barg, acc_arg[...])
    acc_max[...] = jnp.maximum(bmax, acc_max[...])

  @pl.when(j == nblk - 1)
  def _():
    rmax_ref[...] = jnp.broadcast_to(acc_max[...], (bs, LANES))
    rarg_ref[...] = jnp.broadcast_to(acc_arg[...], (bs, LANES))


def _sc_log(y):
  bits = plsc.bitcast(y, jnp.int32)
  e = jnp.right_shift(bits, 23) - 127
  m = plsc.bitcast(
      jnp.bitwise_or(jnp.bitwise_and(bits, 0x7FFFFF), 0x3F800000),
      jnp.float32)
  big = m > _SQRT2
  m = jnp.where(big, m * 0.5, m)
  e = jnp.where(big, e + 1, e)
  r = m - 1.0
  s = r / (2.0 + r)
  s2 = s * s
  p = s2 * (2.0 / 7.0)
  p = (p + 2.0 / 5.0) * s2
  p = (p + 2.0 / 3.0) * s2
  lnm = (p + 2.0) * s
  return lnm + e.astype(jnp.float32) * _LN2


def _sc_fix_body(aij, idx, pp16, rmax16, rarg16, out2d,
                 out_alias, marg_out,
                 idx_v, aij_v, gx_v, sraw_v, tfin_v,
                 row_v, marg_v, stage_v, drain_v, sem):
  del out_alias
  src_len = idx.shape[1]
  bs = idx.shape[0]
  nchunk = src_len // LANES
  rows_per_w = bs // (SC_NC * SC_NS)
  wid = lax.axis_index("s") * SC_NC + lax.axis_index("c")
  for k in range(rows_per_w):
    r = wid * rows_per_w + k
    pltpu.sync_copy(out2d.at[r], row_v)
    pltpu.sync_copy(idx.at[r], idx_v)
    pltpu.sync_copy(aij.at[r], aij_v)
    def _dsl(i):
      return pl.ds(pl.multiple_of(i * LANES, LANES), LANES)

    def _gather(i, c):
      gx_v[_dsl(i)] = plsc.load_gather(row_v, [idx_v[_dsl(i)]])
      return c
    lax.fori_loop(0, nchunk, _gather, 0)
    def _zero(i, c):
      plsc.store_scatter(row_v, [idx_v[_dsl(i)]],
                         jnp.zeros((LANES,), jnp.float32))
      return c
    lax.fori_loop(0, nchunk, _zero, 0)
    def _add(i, c):
      plsc.addupdate_scatter(row_v, [idx_v[_dsl(i)]], aij_v[_dsl(i)])
      return c
    lax.fori_loop(0, nchunk, _add, 0)
    def _sums(i, c):
      sraw_v[_dsl(i)] = plsc.load_gather(row_v, [idx_v[_dsl(i)]])
      return c
    lax.fori_loop(0, nchunk, _sums, 0)
    pltpu.sync_copy(pp16.at[r], stage_v)
    ppvec = stage_v[...]
    pgvec = 1.0 - ppvec
    def _vals(i, tacc):
      sl = _dsl(i)
      tfin = jnp.exp(gx_v[sl]) + ppvec * sraw_v[sl]
      tfin_v[sl] = tfin
      plsc.store_scatter(row_v, [idx_v[sl]], _sc_log(tfin))
      return jnp.maximum(tacc, tfin)
    tacc = lax.fori_loop(0, nchunk, _vals,
                         jnp.full((LANES,), NEG_BIG, jnp.float32))
    tmax = jnp.max(tacc)
    tmax_b = jnp.full((LANES,), tmax, jnp.float32)
    def _pos(i, pacc):
      sl = _dsl(i)
      return jnp.minimum(pacc,
                         jnp.where(tfin_v[sl] == tmax_b, idx_v[sl], I32_BIG))
    pacc = lax.fori_loop(0, nchunk, _pos,
                         jnp.full((LANES,), I32_BIG, jnp.int32))
    tpos = jnp.min(pacc)

    def _wb(i, carry):
      @pl.when(i < nchunk)
      def _():
        gv = jnp.bitwise_and(idx_v[pl.ds(i * LANES, LANES)], ~(LANES - 1))
        for lane in range(LANES):
          g = pl.multiple_of(gv[lane], LANES)
          pltpu.async_copy(row_v.at[pl.ds(g, LANES)],
                           out2d.at[r].at[pl.ds(g, LANES)], sem)
      @pl.when(i >= 2)
      def _():
        for _ in range(LANES):
          pltpu.make_async_copy(out2d.at[r].at[pl.ds(0, LANES)],
                                drain_v, sem).wait()
      return carry

    lax.fori_loop(0, nchunk + 2, _wb, 0)
    pltpu.sync_copy(rmax16.at[r], stage_v)
    base_lin = pgvec * jnp.exp(stage_v[...]) + EPS
    pltpu.sync_copy(rarg16.at[r], marg_v)
    rarg_v = marg_v[...]
    tpos_b = jnp.full((LANES,), tpos, jnp.int32)
    marg_v[...] = jnp.where(tmax_b >= base_lin, tpos_b, rarg_v)
    pltpu.sync_copy(marg_v, marg_out.at[r])


def kernel(dec_outputs, dec_h, y_prev, att_vector, a_ij, enc_idx,
           current_enc_idx, vocab, W, b):
  del enc_idx
  bs, vocab_len = dec_outputs.shape
  src_len = a_ij.shape[1]
  nblk = (vocab_len + BLK - 1) // BLK

  dh0 = dec_h.reshape(bs, dec_h.shape[-1])
  b2 = b.reshape(1, 1)
  idx = current_enc_idx.astype(jnp.int32)

  out0, pp16, rmax16, rarg16 = pl.pallas_call(
      functools.partial(_main_body, vocab_len),
      grid=(nblk,),
      in_specs=[
          pl.BlockSpec((bs, BLK), lambda j: (0, j)),
          pl.BlockSpec(att_vector.shape, lambda j: (0, 0)),
          pl.BlockSpec(dh0.shape, lambda j: (0, 0)),
          pl.BlockSpec(y_prev.shape, lambda j: (0, 0)),
          pl.BlockSpec(W.shape, lambda j: (0, 0)),
          pl.BlockSpec((1, 1), lambda j: (0, 0)),
      ],
      out_specs=[
          pl.BlockSpec((bs, BLK), lambda j: (0, j)),
          pl.BlockSpec((bs, LANES), lambda j: (0, 0)),
          pl.BlockSpec((bs, LANES), lambda j: (0, 0)),
          pl.BlockSpec((bs, LANES), lambda j: (0, 0)),
      ],
      out_shape=[
          jax.ShapeDtypeStruct((bs, vocab_len), jnp.float32),
          jax.ShapeDtypeStruct((bs, LANES), jnp.float32),
          jax.ShapeDtypeStruct((bs, LANES), jnp.float32),
          jax.ShapeDtypeStruct((bs, LANES), jnp.int32),
      ],
      scratch_shapes=[
          pltpu.VMEM((bs, 1), jnp.float32),
          pltpu.VMEM((bs, 1), jnp.float32),
          pltpu.VMEM((bs, 1), jnp.int32),
      ],
  )(dec_outputs, att_vector, dh0, y_prev, W, b2)

  mesh = plsc.VectorSubcoreMesh(core_axis_name="c", subcore_axis_name="s",
                                num_cores=SC_NC, num_subcores=SC_NS)
  sc_params = pltpu.CompilerParams(needs_layout_passes=False)
  nrow128 = (src_len + 127) // 128

  fix = _mpmd._mpmd_map(
      [(mesh, _sc_fix_body)],
      [
          jax.ShapeDtypeStruct((bs, vocab_len), jnp.float32),
          jax.ShapeDtypeStruct((bs, LANES), jnp.int32),
      ],
      input_output_aliases={5: 0},
      compiler_params=sc_params,
      scratch_types=[
          pltpu.VMEM((src_len,), jnp.int32),
          pltpu.VMEM((src_len,), jnp.float32),
          pltpu.VMEM((src_len,), jnp.float32),
          pltpu.VMEM((src_len,), jnp.float32),
          pltpu.VMEM((src_len,), jnp.float32),
          pltpu.VMEM((vocab_len,), jnp.float32),
          pltpu.VMEM((LANES,), jnp.int32),
          pltpu.VMEM((LANES,), jnp.float32),
          pltpu.VMEM((LANES,), jnp.float32),
          pltpu.SemaphoreType.DMA,
      ],
  )
  out, marg16 = fix(a_ij, idx, pp16, rmax16, rarg16, out0)

  return out, marg16[:, 0]

# --- scband reference (transcript-rebuilt; emitter-appended) ---
"""Pipeline reference for scband-pointer-net-50594714747316 (READ-ONLY COPY).

The authoritative reference and input builder live on the scoring server;
editing this copy changes nothing except your own understanding.
"""

import jax, jax.numpy as jnp
import numpy as np

BS = 64
VOCAB = 100000
SRC_LEN = 400
HIDDEN = 512
EMB = 256
P_INPUT = 4 * HIDDEN + EMB  # 2304 = att_vector(1536) + dec_h(512) + y_prev(256)
EPS = 1e-10


def setup_inputs(seed: int = 0) -> dict:
    key = jax.random.key(seed)
    ks = jax.random.split(key, 10)
    dec_outputs = jax.random.normal(ks[0], (BS, VOCAB), dtype=jnp.float32)
    dec_h = jax.random.normal(ks[1], (1, BS, HIDDEN), dtype=jnp.float32)
    y_prev = jax.random.normal(ks[2], (BS, EMB), dtype=jnp.float32)
    att_vector = jax.random.uniform(ks[3], (BS, 3 * HIDDEN), dtype=jnp.float32)
    a_ij = jax.random.uniform(ks[4], (BS, SRC_LEN), dtype=jnp.float32)
    enc_idx = jax.random.randint(ks[5], (BS, SRC_LEN), 0, VOCAB, dtype=jnp.int64) if jax.config.jax_enable_x64 else jax.random.randint(ks[5], (BS, SRC_LEN), 0, VOCAB, dtype=jnp.int32)
    current_enc_idx = jax.random.randint(ks[6], (BS, SRC_LEN), 0, VOCAB, dtype=jnp.int32)
    vocab = jnp.zeros((VOCAB,), dtype=jnp.int32)
    # learned params: project_ptr2prob = Linear(P_INPUT, 1, bias=True)
    W = jax.random.normal(ks[7], (1, P_INPUT), dtype=jnp.float32) * (1.0 / np.sqrt(P_INPUT))
    b = jnp.zeros((1,), dtype=jnp.float32)
    return {
        'dec_outputs': dec_outputs, 'dec_h': dec_h, 'y_prev': y_prev,
        'att_vector': att_vector, 'a_ij': a_ij, 'enc_idx': enc_idx,
        'current_enc_idx': current_enc_idx, 'vocab': vocab, 'W': W, 'b': b,
    }


def mask_oov(idx, vocab_len):
    # replace out-of-vocabulary indices with UNK (id 0)
    return jnp.where(idx >= vocab_len, 0, idx)


def reference(dec_outputs, dec_h, y_prev, att_vector, a_ij, enc_idx, current_enc_idx, vocab, W, b):
    bs = y_prev.shape[0]
    vocab_len = vocab.shape[0]
    cat = jnp.concatenate([att_vector, dec_h[0], y_prev], axis=-1)  # [bs, P_INPUT]
    prob_ptr = jax.nn.sigmoid(cat @ W.T + b)  # [bs, 1]
    prob_gen = 1.0 - prob_ptr
    dec = prob_gen * jnp.exp(dec_outputs)
    att_dist = prob_ptr * a_ij
    # enc_idx is drawn in [0, VOCAB) and vocab_len == VOCAB, so the OOV pad
    # width is statically 0; the in-vocab condition (always true) is folded
    # into dec so the enc_idx dependence remains expressed.
    in_vocab = (jnp.max(enc_idx) < vocab_len).astype(dec.dtype)
    dec = dec * in_vocab
    row_idx = jnp.arange(bs)[:, None]
    dec = dec.at[row_idx, current_enc_idx].add(att_dist)
    max_outputs = jnp.argmax(dec, axis=1)
    max_outputs = mask_oov(max_outputs, vocab_len)
    dec = jnp.log(dec + EPS)
    return (dec, max_outputs)

if __name__ == "__main__":
    import jax
    _d = setup_inputs()
    print(jax.jit(kernel)(*tuple(_d.values())))

</pallas_src>

<mosaic_0001>
#map = affine_map<(d0, d1) -> (0, 0)>
module attributes {stable_mosaic.version = 14 : i64} {
  func.func @_sc_fix_body(%arg0: i32, %arg1: i32, %arg2: memref<64x400xf32, #tpu.memory_space<hbm>>, %arg3: memref<64x400xi32, #tpu.memory_space<hbm>>, %arg4: memref<64x16xf32, #tpu.memory_space<hbm>>, %arg5: memref<64x16xf32, #tpu.memory_space<hbm>>, %arg6: memref<64x16xi32, #tpu.memory_space<hbm>>, %arg7: memref<64x100000xf32, #tpu.memory_space<hbm>>, %arg8: memref<64x100000xf32, #tpu.memory_space<hbm>>, %arg9: memref<64x16xi32, #tpu.memory_space<hbm>>, %arg10: memref<400xi32, #tpu.memory_space<vmem>>, %arg11: memref<400xf32, #tpu.memory_space<vmem>>, %arg12: memref<400xf32, #tpu.memory_space<vmem>>, %arg13: memref<400xf32, #tpu.memory_space<vmem>>, %arg14: memref<400xf32, #tpu.memory_space<vmem>>, %arg15: memref<100000xf32, #tpu.memory_space<vmem>>, %arg16: memref<16xi32, #tpu.memory_space<vmem>>, %arg17: memref<16xf32, #tpu.memory_space<vmem>>, %arg18: memref<16xf32, #tpu.memory_space<vmem>>, %arg19: memref<!tpu.dma_semaphore, #tpu.memory_space<semaphore_mem>>) attributes {dimension_semantics = [#tpu.dimension_semantics<core_parallel>, #tpu.dimension_semantics<subcore_parallel>], iteration_bounds = array<i64: 2, 16>, scalar_prefetch = 0 : i64, scratch_operands = 10 : i64, tpu.core_type = #tpu.core_type<sc_vector_subcore>, window_params = [{transform_indices = #map}, {transform_indices = #map}, {transform_indices = #map}, {transform_indices = #map}, {transform_indices = #map}, {transform_indices = #map}, {transform_indices = #map}, {transform_indices = #map}]} {
    %mul3A = arith.constant 2 : i32
    %mul3A_0 = arith.muli %arg1, %mul3A : i32
    %add3A = arith.addi %mul3A_0, %arg0 : i32
    %mul3A_1 = arith.constant 2 : i32
    %mul3A_2 = arith.muli %add3A, %mul3A_1 : i32
    %add3A_3 = arith.constant 0 : i32
    %add3A_4 = arith.addi %mul3A_2, %add3A_3 : i32
    "tpu.region"() ({
      %run_scoped3A = tpu.sem_alloc : memref<!tpu.dma_semaphore, #tpu.memory_space<semaphore_mem>>
      %dma_start3A = arith.constant 0 : i32
      %dma_start3A_155 = tpu.memref_slice %arg7[%add3A_4, %dma_start3A] : memref<64x100000xf32, #tpu.memory_space<hbm>> -> memref<1x100000xf32, #tpu.memory_space<hbm>>
      %dma_start3A_156 = tpu.memref_squeeze %dma_start3A_155 : memref<1x100000xf32, #tpu.memory_space<hbm>> -> memref<100000xf32, #tpu.memory_space<hbm>>
      %dma_start3A_157 = arith.constant 0 : i32
      %dma_start3A_158 = tpu.memref_slice %arg7[%add3A_4, %dma_start3A_157] : memref<64x100000xf32, #tpu.memory_space<hbm>> -> memref<1x100000xf32, #tpu.memory_space<hbm>>
      %dma_start3A_159 = tpu.memref_squeeze %dma_start3A_158 : memref<1x100000xf32, #tpu.memory_space<hbm>> -> memref<100000xf32, #tpu.memory_space<hbm>>
      tpu.enqueue_dma source(%dma_start3A_159 : memref<100000xf32, #tpu.memory_space<hbm>>) target(%arg15 : memref<100000xf32, #tpu.memory_space<vmem>>) target_semaphore(%run_scoped3A : memref<!tpu.dma_semaphore, #tpu.memory_space<semaphore_mem>>)
      %dma_wait3A = arith.constant 0 : i32
      %dma_wait3A_160 = tpu.memref_slice %arg7[%add3A_4, %dma_wait3A] : memref<64x100000xf32, #tpu.memory_space<hbm>> -> memref<1x100000xf32, #tpu.memory_space<hbm>>
      %dma_wait3A_161 = tpu.memref_squeeze %dma_wait3A_160 : memref<1x100000xf32, #tpu.memory_space<hbm>> -> memref<100000xf32, #tpu.memory_space<hbm>>
      %dma_wait3A_162 = arith.constant 0 : i32
      %dma_wait3A_163 = tpu.memref_slice %arg7[%add3A_4, %dma_wait3A_162] : memref<64x100000xf32, #tpu.memory_space<hbm>> -> memref<1x100000xf32, #tpu.memory_space<hbm>>
      %dma_wait3A_164 = tpu.memref_squeeze %dma_wait3A_163 : memref<1x100000xf32, #tpu.memory_space<hbm>> -> memref<100000xf32, #tpu.memory_space<hbm>>
      tpu.wait_dma2 semaphore(%run_scoped3A : memref<!tpu.dma_semaphore, #tpu.memory_space<semaphore_mem>>) src(%dma_wait3A_164 : memref<100000xf32, #tpu.memory_space<hbm>>) dst(%arg15 : memref<100000xf32, #tpu.memory_space<vmem>>)
      tpu.yield
    }) : () -> ()
    "tpu.region"() ({
      %run_scoped3A = tpu.sem_alloc : memref<!tpu.dma_semaphore, #tpu.memory_space<semaphore_mem>>
      %dma_start3A = arith.constant 0 : i32
      %dma_start3A_155 = tpu.memref_slice %arg3[%add3A_4, %dma_start3A] : memref<64x400xi32, #tpu.memory_space<hbm>> -> memref<1x400xi32, #tpu.memory_space<hbm>>
      %dma_start3A_156 = tpu.memref_squeeze %dma_start3A_155 : memref<1x400xi32, #tpu.memory_space<hbm>> -> memref<400xi32, #tpu.memory_space<hbm>>
      %dma_start3A_157 = arith.constant 0 : i32
      %dma_start3A_158 = tpu.memref_slice %arg3[%add3A_4, %dma_start3A_157] : memref<64x400xi32, #tpu.memory_space<hbm>> -> memref<1x400xi32, #tpu.memory_space<hbm>>
      %dma_start3A_159 = tpu.memref_squeeze %dma_start3A_158 : memref<1x400xi32, #tpu.memory_space<hbm>> -> memref<400xi32, #tpu.memory_space<hbm>>
      tpu.enqueue_dma source(%dma_start3A_159 : memref<400xi32, #tpu.memory_space<hbm>>) target(%arg10 : memref<400xi32, #tpu.memory_space<vmem>>) target_semaphore(%run_scoped3A : memref<!tpu.dma_semaphore, #tpu.memory_space<semaphore_mem>>)
      %dma_wait3A = arith.constant 0 : i32
      %dma_wait3A_160 = tpu.memref_slice %arg3[%add3A_4, %dma_wait3A] : memref<64x400xi32, #tpu.memory_space<hbm>> -> memref<1x400xi32, #tpu.memory_space<hbm>>
      %dma_wait3A_161 = tpu.memref_squeeze %dma_wait3A_160 : memref<1x400xi32, #tpu.memory_space<hbm>> -> memref<400xi32, #tpu.memory_space<hbm>>
      %dma_wait3A_162 = arith.constant 0 : i32
      %dma_wait3A_163 = tpu.memref_slice %arg3[%add3A_4, %dma_wait3A_162] : memref<64x400xi32, #tpu.memory_space<hbm>> -> memref<1x400xi32, #tpu.memory_space<hbm>>
      %dma_wait3A_164 = tpu.memref_squeeze %dma_wait3A_163 : memref<1x400xi32, #tpu.memory_space<hbm>> -> memref<400xi32, #tpu.memory_space<hbm>>
      tpu.wait_dma2 semaphore(%run_scoped3A : memref<!tpu.dma_semaphore, #tpu.memory_space<semaphore_mem>>) src(%dma_wait3A_164 : memref<400xi32, #tpu.memory_space<hbm>>) dst(%arg10 : memref<400xi32, #tpu.memory_space<vmem>>)
      tpu.yield
    }) : () -> ()
    "tpu.region"() ({
      %run_scoped3A = tpu.sem_alloc : memref<!tpu.dma_semaphore, #tpu.memory_space<semaphore_mem>>
      %dma_start3A = arith.constant 0 : i32
      %dma_start3A_155 = tpu.memref_slice %arg2[%add3A_4, %dma_start3A] : memref<64x400xf32, #tpu.memory_space<hbm>> -> memref<1x400xf32, #tpu.memory_space<hbm>>
      %dma_start3A_156 = tpu.memref_squeeze %dma_start3A_155 : memref<1x400xf32, #tpu.memory_space<hbm>> -> memref<400xf32, #tpu.memory_space<hbm>>
      %dma_start3A_157 = arith.constant 0 : i32
      %dma_start3A_158 = tpu.memref_slice %arg2[%add3A_4, %dma_start3A_157] : memref<64x400xf32, #tpu.memory_space<hbm>> -> memref<1x400xf32, #tpu.memory_space<hbm>>
      %dma_start3A_159 = tpu.memref_squeeze %dma_start3A_158 : memref<1x400xf32, #tpu.memory_space<hbm>> -> memref<400xf32, #tpu.memory_space<hbm>>
      tpu.enqueue_dma source(%dma_start3A_159 : memref<400xf32, #tpu.memory_space<hbm>>) target(%arg11 : memref<400xf32, #tpu.memory_space<vmem>>) target_semaphore(%run_scoped3A : memref<!tpu.dma_semaphore, #tpu.memory_space<semaphore_mem>>)
      %dma_wait3A = arith.constant 0 : i32
      %dma_wait3A_160 = tpu.memref_slice %arg2[%add3A_4, %dma_wait3A] : memref<64x400xf32, #tpu.memory_space<hbm>> -> memref<1x400xf32, #tpu.memory_space<hbm>>
      %dma_wait3A_161 = tpu.memref_squeeze %dma_wait3A_160 : memref<1x400xf32, #tpu.memory_space<hbm>> -> memref<400xf32, #tpu.memory_space<hbm>>
      %dma_wait3A_162 = arith.constant 0 : i32
      %dma_wait3A_163 = tpu.memref_slice %arg2[%add3A_4, %dma_wait3A_162] : memref<64x400xf32, #tpu.memory_space<hbm>> -> memref<1x400xf32, #tpu.memory_space<hbm>>
      %dma_wait3A_164 = tpu.memref_squeeze %dma_wait3A_163 : memref<1x400xf32, #tpu.memory_space<hbm>> -> memref<400xf32, #tpu.memory_space<hbm>>
      tpu.wait_dma2 semaphore(%run_scoped3A : memref<!tpu.dma_semaphore, #tpu.memory_space<semaphore_mem>>) src(%dma_wait3A_164 : memref<400xf32, #tpu.memory_space<hbm>>) dst(%arg11 : memref<400xf32, #tpu.memory_space<vmem>>)
      tpu.yield
    }) : () -> ()
    %scan3A = arith.constant 0 : i32
    %scan3A_5 = arith.constant 0 : i32
    %scan3A_6 = arith.constant 25 : i32
    %scan3A_7 = arith.addi %scan3A_5, %scan3A_6 : i32
    %scan3A_8 = arith.constant 1 : i32
    scf.for %scan3A_155 = %scan3A_5 to %scan3A_7 step %scan3A_8  : i32 {
      %mul3A_156 = arith.constant 16 : i32
      %mul3A_157 = arith.muli %scan3A_155, %mul3A_156 : i32
      %multiple_of3A = tpu.assume_multiple %mul3A_157, 16 : i32
      %get3A_158 = arith.index_cast %multiple_of3A : i32 to index
      %get3A_159 = tpu.vector_load %arg10[%get3A_158] {strides = array<i32>} : memref<400xi32, #tpu.memory_space<vmem>>, vector<16xi32>,
      %gather3A = tpu.vector_load_idx %arg15[%get3A_159] : memref<100000xf32, #tpu.memory_space<vmem>>[vector<16xi32>], vector<16xf32>,
      %mul3A_160 = arith.constant 16 : i32
      %mul3A_161 = arith.muli %scan3A_155, %mul3A_160 : i32
      %multiple_of3A_162 = tpu.assume_multiple %mul3A_161, 16 : i32
      %swap3A_163 = arith.index_cast %multiple_of3A_162 : i32 to index
      %swap3A_164 = tpu.vector_load %arg12[%swap3A_163] {strides = array<i32>} : memref<400xf32, #tpu.memory_space<vmem>>, vector<16xf32>,
      tpu.vector_store %arg12[%swap3A_163], %gather3A {strides = array<i32>} : memref<400xf32, #tpu.memory_space<vmem>>, vector<16xf32>,
    }
    %scan3A_9 = arith.constant 25 : i32
    %scan3A_10 = arith.constant 0 : i32
    %scan3A_11 = arith.constant 0 : i32
    %scan3A_12 = arith.constant 25 : i32
    %scan3A_13 = arith.addi %scan3A_11, %scan3A_12 : i32
    %scan3A_14 = arith.constant 1 : i32
    scf.for %scan3A_155 = %scan3A_11 to %scan3A_13 step %scan3A_14  : i32 {
      %mul3A_156 = arith.constant 16 : i32
      %mul3A_157 = arith.muli %scan3A_155, %mul3A_156 : i32
      %multiple_of3A = tpu.assume_multiple %mul3A_157, 16 : i32
      %get3A_158 = arith.index_cast %multiple_of3A : i32 to index
      %get3A_159 = tpu.vector_load %arg10[%get3A_158] {strides = array<i32>} : memref<400xi32, #tpu.memory_space<vmem>>, vector<16xi32>,
      %broadcast_in_dim3A_160 = arith.constant 0.000000e+00 : f32
      %broadcast_in_dim3A_161 = vector.broadcast %broadcast_in_dim3A_160 : f32 to vector<16xf32>
      tpu.vector_store_idx %arg15[%get3A_159], %broadcast_in_dim3A_161 : memref<100000xf32, #tpu.memory_space<vmem>>[vector<16xi32>], vector<16xf32>,
    }
    %scan3A_15 = arith.constant 25 : i32
    %scan3A_16 = arith.constant 0 : i32
    %scan3A_17 = arith.constant 0 : i32
    %scan3A_18 = arith.constant 25 : i32
    %scan3A_19 = arith.addi %scan3A_17, %scan3A_18 : i32
    %scan3A_20 = arith.constant 1 : i32
    scf.for %scan3A_155 = %scan3A_17 to %scan3A_19 step %scan3A_20  : i32 {
      %mul3A_156 = arith.constant 16 : i32
      %mul3A_157 = arith.muli %scan3A_155, %mul3A_156 : i32
      %multiple_of3A = tpu.assume_multiple %mul3A_157, 16 : i32
      %get3A_158 = arith.index_cast %multiple_of3A : i32 to index
      %get3A_159 = tpu.vector_load %arg10[%get3A_158] {strides = array<i32>} : memref<400xi32, #tpu.memory_space<vmem>>, vector<16xi32>,
      %mul3A_160 = arith.constant 16 : i32
      %mul3A_161 = arith.muli %scan3A_155, %mul3A_160 : i32
      %multiple_of3A_162 = tpu.assume_multiple %mul3A_161, 16 : i32
      %get3A_163 = arith.index_cast %multiple_of3A_162 : i32 to index
      %get3A_164 = tpu.vector_load %arg11[%get3A_163] {strides = array<i32>} : memref<400xf32, #tpu.memory_space<vmem>>, vector<16xf32>,
      tpu.vector_store_idx %arg15[%get3A_159], %get3A_164 {add = true} : memref<100000xf32, #tpu.memory_space<vmem>>[vector<16xi32>], vector<16xf32>,
    }
    %scan3A_21 = arith.constant 25 : i32
    %scan3A_22 = arith.constant 0 : i32
    %scan3A_23 = arith.constant 0 : i32
    %scan3A_24 = arith.constant 25 : i32
    %scan3A_25 = arith.addi %scan3A_23, %scan3A_24 : i32
    %scan3A_26 = arith.constant 1 : i32
    scf.for %scan3A_155 = %scan3A_23 to %scan3A_25 step %scan3A_26  : i32 {
      %mul3A_156 = arith.constant 16 : i32
      %mul3A_157 = arith.muli %scan3A_155, %mul3A_156 : i32
      %multiple_of3A = tpu.assume_multiple %mul3A_157, 16 : i32
      %get3A_158 = arith.index_cast %multiple_of3A : i32 to index
      %get3A_159 = tpu.vector_load %arg10[%get3A_158] {strides = array<i32>} : memref<400xi32, #tpu.memory_space<vmem>>, vector<16xi32>,
      %gather3A = tpu.vector_load_idx %arg15[%get3A_159] : memref<100000xf32, #tpu.memory_space<vmem>>[vector<16xi32>], vector<16xf32>,
      %mul3A_160 = arith.constant 16 : i32
      %mul3A_161 = arith.muli %scan3A_155, %mul3A_160 : i32
      %multiple_of3A_162 = tpu.assume_multiple %mul3A_161, 16 : i32
      %swap3A_163 = arith.index_cast %multiple_of3A_162 : i32 to index
      %swap3A_164 = tpu.vector_load %arg13[%swap3A_163] {strides = array<i32>} : memref<400xf32, #tpu.memory_space<vmem>>, vector<16xf32>,
      tpu.vector_store %arg13[%swap3A_163], %gather3A {strides = array<i32>} : memref<400xf32, #tpu.memory_space<vmem>>, vector<16xf32>,
    }
    %scan3A_27 = arith.constant 25 : i32
    "tpu.region"() ({
      %run_scoped3A = tpu.sem_alloc : memref<!tpu.dma_semaphore, #tpu.memory_space<semaphore_mem>>
      %dma_start3A = arith.constant 0 : i32
      %dma_start3A_155 = tpu.memref_slice %arg4[%add3A_4, %dma_start3A] : memref<64x16xf32, #tpu.memory_space<hbm>> -> memref<1x16xf32, #tpu.memory_space<hbm>>
      %dma_start3A_156 = tpu.memref_squeeze %dma_start3A_155 : memref<1x16xf32, #tpu.memory_space<hbm>> -> memref<16xf32, #tpu.memory_space<hbm>>
      %dma_start3A_157 = arith.constant 0 : i32
      %dma_start3A_158 = tpu.memref_slice %arg4[%add3A_4, %dma_start3A_157] : memref<64x16xf32, #tpu.memory_space<hbm>> -> memref<1x16xf32, #tpu.memory_space<hbm>>
      %dma_start3A_159 = tpu.memref_squeeze %dma_start3A_158 : memref<1x16xf32, #tpu.memory_space<hbm>> -> memref<16xf32, #tpu.memory_space<hbm>>
      tpu.enqueue_dma source(%dma_start3A_159 : memref<16xf32, #tpu.memory_space<hbm>>) target(%arg17 : memref<16xf32, #tpu.memory_space<vmem>>) target_semaphore(%run_scoped3A : memref<!tpu.dma_semaphore, #tpu.memory_space<semaphore_mem>>)
      %dma_wait3A = arith.constant 0 : i32
      %dma_wait3A_160 = tpu.memref_slice %arg4[%add3A_4, %dma_wait3A] : memref<64x16xf32, #tpu.memory_space<hbm>> -> memref<1x16xf32, #tpu.memory_space<hbm>>
      %dma_wait3A_161 = tpu.memref_squeeze %dma_wait3A_160 : memref<1x16xf32, #tpu.memory_space<hbm>> -> memref<16xf32, #tpu.memory_space<hbm>>
      %dma_wait3A_162 = arith.constant 0 : i32
      %dma_wait3A_163 = tpu.memref_slice %arg4[%add3A_4, %dma_wait3A_162] : memref<64x16xf32, #tpu.memory_space<hbm>> -> memref<1x16xf32, #tpu.memory_space<hbm>>
      %dma_wait3A_164 = tpu.memref_squeeze %dma_wait3A_163 : memref<1x16xf32, #tpu.memory_space<hbm>> -> memref<16xf32, #tpu.memory_space<hbm>>
      tpu.wait_dma2 semaphore(%run_scoped3A : memref<!tpu.dma_semaphore, #tpu.memory_space<semaphore_mem>>) src(%dma_wait3A_164 : memref<16xf32, #tpu.memory_space<hbm>>) dst(%arg17 : memref<16xf32, #tpu.memory_space<vmem>>)
      tpu.yield
    }) : () -> ()
    %get3A = arith.constant 0 : index
    %get3A_28 = tpu.vector_load %arg17[%get3A] {strides = array<i32>} : memref<16xf32, #tpu.memory_space<vmem>>, vector<16xf32>,
    %sub3A = arith.constant 1.000000e+00 : f32
    %sub3A_29 = vector.broadcast %sub3A : f32 to vector<16xf32>
    %sub3A_30 = arith.subf %sub3A_29, %get3A_28 : vector<16xf32>
    %broadcast_in_dim3A = arith.constant -1.000000e+30 : f32
    %broadcast_in_dim3A_31 = vector.broadcast %broadcast_in_dim3A : f32 to vector<16xf32>
    %scan3A_32 = arith.constant 0 : i32
    %scan3A_33 = arith.constant 25 : i32
    %scan3A_34 = arith.addi %scan3A_32, %scan3A_33 : i32
    %scan3A_35 = arith.constant 1 : i32
    %scan3A_36 = scf.for %scan3A_155 = %scan3A_32 to %scan3A_34 step %scan3A_35 iter_args(%scan3A_156 = %broadcast_in_dim3A_31) -> (vector<16xf32>)  : i32 {
      %mul3A_157 = arith.constant 16 : i32
      %mul3A_158 = arith.muli %scan3A_155, %mul3A_157 : i32
      %multiple_of3A = tpu.assume_multiple %mul3A_158, 16 : i32
      %get3A_159 = arith.index_cast %multiple_of3A : i32 to index
      %get3A_160 = tpu.vector_load %arg12[%get3A_159] {strides = array<i32>} : memref<400xf32, #tpu.memory_space<vmem>>, vector<16xf32>,
      %exp3A_161 = math.exp %get3A_160 : vector<16xf32>
      %get3A_162 = arith.index_cast %multiple_of3A : i32 to index
      %get3A_163 = tpu.vector_load %arg13[%get3A_162] {strides = array<i32>} : memref<400xf32, #tpu.memory_space<vmem>>, vector<16xf32>,
      %mul3A_164 = arith.mulf %get3A_28, %get3A_163 : vector<16xf32>
      %add3A_165 = arith.addf %exp3A_161, %mul3A_164 : vector<16xf32>
      %swap3A_166 = arith.index_cast %multiple_of3A : i32 to index
      %swap3A_167 = tpu.vector_load %arg14[%swap3A_166] {strides = array<i32>} : memref<400xf32, #tpu.memory_space<vmem>>, vector<16xf32>,
      tpu.vector_store %arg14[%swap3A_166], %add3A_165 {strides = array<i32>} : memref<400xf32, #tpu.memory_space<vmem>>, vector<16xf32>,
      %get3A_168 = arith.index_cast %multiple_of3A : i32 to index
      %get3A_169 = tpu.vector_load %arg10[%get3A_168] {strides = array<i32>} : memref<400xi32, #tpu.memory_space<vmem>>, vector<16xi32>,
      %bitcast3A = vector.bitcast %add3A_165 : vector<16xf32> to vector<16xi32>
      %shift_right_arithmetic3A = arith.constant 23 : i32
      %shift_right_arithmetic3A_170 = vector.broadcast %shift_right_arithmetic3A : i32 to vector<16xi32>
      %shift_right_arithmetic3A_171 = arith.shrsi %bitcast3A, %shift_right_arithmetic3A_170 : vector<16xi32>
      %sub3A_172 = arith.constant 127 : i32
      %sub3A_173 = vector.broadcast %sub3A_172 : i32 to vector<16xi32>
      %sub3A_174 = arith.subi %shift_right_arithmetic3A_171, %sub3A_173 : vector<16xi32>
      %and3A = arith.constant 8388607 : i32
      %and3A_175 = vector.broadcast %and3A : i32 to vector<16xi32>
      %and3A_176 = arith.andi %bitcast3A, %and3A_175 : vector<16xi32>
      %or3A = arith.constant 1065353216 : i32
      %or3A_177 = vector.broadcast %or3A : i32 to vector<16xi32>
      %or3A_178 = arith.ori %and3A_176, %or3A_177 : vector<16xi32>
      %bitcast3A_179 = vector.bitcast %or3A_178 : vector<16xi32> to vector<16xf32>
      %gt3A = arith.constant 1.41421354 : f32
      %gt3A_180 = vector.broadcast %gt3A : f32 to vector<16xf32>
      %gt3A_181 = arith.cmpf ogt, %bitcast3A_179, %gt3A_180 : vector<16xf32>
      %mul3A_182 = arith.constant 5.000000e-01 : f32
      %mul3A_183 = vector.broadcast %mul3A_182 : f32 to vector<16xf32>
      %mul3A_184 = arith.mulf %bitcast3A_179, %mul3A_183 : vector<16xf32>
      %select_n3A_185 = arith.select %gt3A_181, %mul3A_184, %bitcast3A_179 : vector<16xi1>, vector<16xf32>
      %add3A_186 = arith.constant 1 : i32
      %add3A_187 = vector.broadcast %add3A_186 : i32 to vector<16xi32>
      %add3A_188 = arith.addi %sub3A_174, %add3A_187 : vector<16xi32>
      %select_n3A_189 = arith.select %gt3A_181, %add3A_188, %sub3A_174 : vector<16xi1>, vector<16xi32>
      %sub3A_190 = arith.constant 1.000000e+00 : f32
      %sub3A_191 = vector.broadcast %sub3A_190 : f32 to vector<16xf32>
      %sub3A_192 = arith.subf %select_n3A_185, %sub3A_191 : vector<16xf32>
      %add3A_193 = arith.constant 2.000000e+00 : f32
      %add3A_194 = vector.broadcast %add3A_193 : f32 to vector<16xf32>
      %add3A_195 = arith.addf %add3A_194, %sub3A_192 : vector<16xf32>
      %div3A = arith.divf %sub3A_192, %add3A_195 : vector<16xf32>
      %mul3A_196 = arith.mulf %div3A, %div3A : vector<16xf32>
      %mul3A_197 = arith.constant 0.285714298 : f32
      %mul3A_198 = vector.broadcast %mul3A_197 : f32 to vector<16xf32>
      %mul3A_199 = arith.mulf %mul3A_196, %mul3A_198 : vector<16xf32>
      %add3A_200 = arith.constant 4.000000e-01 : f32
      %add3A_201 = vector.broadcast %add3A_200 : f32 to vector<16xf32>
      %add3A_202 = arith.addf %mul3A_199, %add3A_201 : vector<16xf32>
      %mul3A_203 = arith.mulf %add3A_202, %mul3A_196 : vector<16xf32>
      %add3A_204 = arith.constant 0.666666686 : f32
      %add3A_205 = vector.broadcast %add3A_204 : f32 to vector<16xf32>
      %add3A_206 = arith.addf %mul3A_203, %add3A_205 : vector<16xf32>
      %mul3A_207 = arith.mulf %add3A_206, %mul3A_196 : vector<16xf32>
      %add3A_208 = arith.constant 2.000000e+00 : f32
      %add3A_209 = vector.broadcast %add3A_208 : f32 to vector<16xf32>
      %add3A_210 = arith.addf %mul3A_207, %add3A_209 : vector<16xf32>
      %mul3A_211 = arith.mulf %add3A_210, %div3A : vector<16xf32>
      %convert_element_type3A = arith.sitofp %select_n3A_189 : vector<16xi32> to vector<16xf32>
      %mul3A_212 = arith.constant 0.693147182 : f32
      %mul3A_213 = vector.broadcast %mul3A_212 : f32 to vector<16xf32>
      %mul3A_214 = arith.mulf %convert_element_type3A, %mul3A_213 : vector<16xf32>
      %add3A_215 = arith.addf %mul3A_211, %mul3A_214 : vector<16xf32>
      tpu.vector_store_idx %arg15[%get3A_169], %add3A_215 : memref<100000xf32, #tpu.memory_space<vmem>>[vector<16xi32>], vector<16xf32>,
      %max3A = arith.maximumf %scan3A_156, %add3A_165 : vector<16xf32>
      scf.yield %max3A : vector<16xf32>
    }
    %scan3A_37 = arith.constant 25 : i32
    %reduce_max3A = arith.constant true
    %reduce_max3A_38 = vector.broadcast %reduce_max3A : i1 to vector<16xi1>
    %reduce_max3A_39 = tpu.scan <max>, %scan3A_36 masked %reduce_max3A_38 : vector<16xf32>, vector<16xi1> -> vector<16xf32>
    %reduce_max3A_40 = vector.extract %reduce_max3A_39[15] : f32 from vector<16xf32>
    %broadcast_in_dim3A_41 = vector.broadcast %reduce_max3A_40 : f32 to vector<16xf32>
    %broadcast_in_dim3A_42 = arith.constant 2147483647 : i32
    %broadcast_in_dim3A_43 = vector.broadcast %broadcast_in_dim3A_42 : i32 to vector<16xi32>
    %scan3A_44 = arith.constant 0 : i32
    %scan3A_45 = arith.constant 25 : i32
    %scan3A_46 = arith.addi %scan3A_44, %scan3A_45 : i32
    %scan3A_47 = arith.constant 1 : i32
    %scan3A_48 = scf.for %scan3A_155 = %scan3A_44 to %scan3A_46 step %scan3A_47 iter_args(%scan3A_156 = %broadcast_in_dim3A_43) -> (vector<16xi32>)  : i32 {
      %mul3A_157 = arith.constant 16 : i32
      %mul3A_158 = arith.muli %scan3A_155, %mul3A_157 : i32
      %multiple_of3A = tpu.assume_multiple %mul3A_158, 16 : i32
      %get3A_159 = arith.index_cast %multiple_of3A : i32 to index
      %get3A_160 = tpu.vector_load %arg14[%get3A_159] {strides = array<i32>} : memref<400xf32, #tpu.memory_space<vmem>>, vector<16xf32>,
      %eq3A = arith.cmpf oeq, %get3A_160, %broadcast_in_dim3A_41 : vector<16xf32>
      %get3A_161 = arith.index_cast %multiple_of3A : i32 to index
      %get3A_162 = tpu.vector_load %arg10[%get3A_161] {strides = array<i32>} : memref<400xi32, #tpu.memory_space<vmem>>, vector<16xi32>,
      %jit3A = arith.constant 2147483647 : i32
      %broadcast_in_dim3A_163 = vector.broadcast %jit3A : i32 to vector<16xi32>
      %select_n3A_164 = arith.select %eq3A, %get3A_162, %broadcast_in_dim3A_163 : vector<16xi1>, vector<16xi32>
      %min3A = arith.minsi %scan3A_156, %select_n3A_164 : vector<16xi32>
      scf.yield %min3A : vector<16xi32>
    }
    %scan3A_49 = arith.constant 25 : i32
    %reduce_min3A = arith.constant true
    %reduce_min3A_50 = vector.broadcast %reduce_min3A : i1 to vector<16xi1>
    %reduce_min3A_51 = arith.constant -2147483648 : i32
    %reduce_min3A_52 = vector.broadcast %reduce_min3A_51 : i32 to vector<16xi32>
    %reduce_min3A_53 = arith.xori %scan3A_48, %reduce_min3A_52 : vector<16xi32>
    %reduce_min3A_54 = tpu.scan <min>, %reduce_min3A_53 masked %reduce_min3A_50 : vector<16xi32>, vector<16xi1> -> vector<16xi32>
    %reduce_min3A_55 = arith.xori %reduce_min3A_54, %reduce_min3A_52 : vector<16xi32>
    %reduce_min3A_56 = vector.extract %reduce_min3A_55[15] : i32 from vector<16xi32>
    %scan3A_57 = arith.constant 0 : i32
    %scan3A_58 = arith.constant 0 : i32
    %scan3A_59 = arith.constant 27 : i32
    %scan3A_60 = arith.addi %scan3A_58, %scan3A_59 : i32
    %scan3A_61 = arith.constant 1 : i32
    scf.for %scan3A_155 = %scan3A_58 to %scan3A_60 step %scan3A_61  : i32 {
      %lt3A = arith.constant 25 : i32
      %lt3A_156 = arith.cmpi slt, %scan3A_155, %lt3A : i32
      %convert_element_type3A = arith.extui %lt3A_156 : i1 to i32
      %cond3A = arith.constant 0 : i32
      %cond3A_157 = arith.cmpi ne, %convert_element_type3A, %cond3A : i32
      scf.if %cond3A_157 {
        %mul3A_163 = arith.constant 16 : i32
        %mul3A_164 = arith.muli %scan3A_155, %mul3A_163 : i32
        %get3A_165 = arith.index_cast %mul3A_164 : i32 to index
        %get3A_166 = tpu.vector_load %arg10[%get3A_165] {strides = array<i32>} : memref<400xi32, #tpu.memory_space<vmem>>, vector<16xi32>,
        %and3A = arith.constant -16 : i32
        %and3A_167 = vector.broadcast %and3A : i32 to vector<16xi32>
        %and3A_168 = arith.andi %get3A_166, %and3A_167 : vector<16xi32>
        %slice3A = vector.extract_strided_slice %and3A_168 {offsets = [0], sizes = [1], strides = [1]} : vector<16xi32> to vector<1xi32>
        %squeeze3A = vector.extract %slice3A[0] : i32 from vector<1xi32>
        %multiple_of3A = tpu.assume_multiple %squeeze3A, 16 : i32
        %dma_start3A = tpu.memref_slice %arg15[%multiple_of3A] : memref<100000xf32, #tpu.memory_space<vmem>> -> memref<16xf32, #tpu.memory_space<vmem>>
        %dma_start3A_169 = arith.constant 0 : i32
        %dma_start3A_170 = tpu.memref_slice %arg7[%add3A_4, %dma_start3A_169] : memref<64x100000xf32, #tpu.memory_space<hbm>> -> memref<1x100000xf32, #tpu.memory_space<hbm>>
        %dma_start3A_171 = tpu.memref_squeeze %dma_start3A_170 : memref<1x100000xf32, #tpu.memory_space<hbm>> -> memref<100000xf32, #tpu.memory_space<hbm>>
        %dma_start3A_172 = tpu.memref_slice %dma_start3A_171[%multiple_of3A] : memref<100000xf32, #tpu.memory_space<hbm>> -> memref<16xf32, #tpu.memory_space<hbm>>
        %dma_start3A_173 = arith.constant 0 : i32
        %dma_start3A_174 = tpu.memref_slice %arg7[%add3A_4, %dma_start3A_173] : memref<64x100000xf32, #tpu.memory_space<hbm>> -> memref<1x100000xf32, #tpu.memory_space<hbm>>
        %dma_start3A_175 = tpu.memref_squeeze %dma_start3A_174 : memref<1x100000xf32, #tpu.memory_space<hbm>> -> memref<100000xf32, #tpu.memory_space<hbm>>
        %dma_start3A_176 = tpu.memref_slice %dma_start3A_175[%multiple_of3A] : memref<100000xf32, #tpu.memory_space<hbm>> -> memref<16xf32, #tpu.memory_space<hbm>>
        %dma_start3A_177 = tpu.memref_slice %arg15[%multiple_of3A] : memref<100000xf32, #tpu.memory_space<vmem>> -> memref<16xf32, #tpu.memory_space<vmem>>
        tpu.enqueue_dma source(%dma_start3A_177 : memref<16xf32, #tpu.memory_space<vmem>>) target(%dma_start3A_176 : memref<16xf32, #tpu.memory_space<hbm>>) target_semaphore(%arg19 : memref<!tpu.dma_semaphore, #tpu.memory_space<semaphore_mem>>)
        %slice3A_178 = vector.extract_strided_slice %and3A_168 {offsets = [1], sizes = [1], strides = [1]} : vector<16xi32> to vector<1xi32>
        %squeeze3A_179 = vector.extract %slice3A_178[0] : i32 from vector<1xi32>
        %multiple_of3A_180 = tpu.assume_multiple %squeeze3A_179, 16 : i32
        %dma_start3A_181 = tpu.memref_slice %arg15[%multiple_of3A_180] : memref<100000xf32, #tpu.memory_space<vmem>> -> memref<16xf32, #tpu.memory_space<vmem>>
        %dma_start3A_182 = arith.constant 0 : i32
        %dma_start3A_183 = tpu.memref_slice %arg7[%add3A_4, %dma_start3A_182] : memref<64x100000xf32, #tpu.memory_space<hbm>> -> memref<1x100000xf32, #tpu.memory_space<hbm>>
        %dma_start3A_184 = tpu.memref_squeeze %dma_start3A_183 : memref<1x100000xf32, #tpu.memory_space<hbm>> -> memref<100000xf32, #tpu.memory_space<hbm>>
        %dma_start3A_185 = tpu.memref_slice %dma_start3A_184[%multiple_of3A_180] : memref<100000xf32, #tpu.memory_space<hbm>> -> memref<16xf32, #tpu.memory_space<hbm>>
        %dma_start3A_186 = arith.constant 0 : i32
        %dma_start3A_187 = tpu.memref_slice %arg7[%add3A_4, %dma_start3A_186] : memref<64x100000xf32, #tpu.memory_space<hbm>> -> memref<1x100000xf32, #tpu.memory_space<hbm>>
        %dma_start3A_188 = tpu.memref_squeeze %dma_start3A_187 : memref<1x100000xf32, #tpu.memory_space<hbm>> -> memref<100000xf32, #tpu.memory_space<hbm>>
        %dma_start3A_189 = tpu.memref_slice %dma_start3A_188[%multiple_of3A_180] : memref<100000xf32, #tpu.memory_space<hbm>> -> memref<16xf32, #tpu.memory_space<hbm>>
        %dma_start3A_190 = tpu.memref_slice %arg15[%multiple_of3A_180] : memref<100000xf32, #tpu.memory_space<vmem>> -> memref<16xf32, #tpu.memory_space<vmem>>
        tpu.enqueue_dma source(%dma_start3A_190 : memref<16xf32, #tpu.memory_space<vmem>>) target(%dma_start3A_189 : memref<16xf32, #tpu.memory_space<hbm>>) target_semaphore(%arg19 : memref<!tpu.dma_semaphore, #tpu.memory_space<semaphore_mem>>)
        %slice3A_191 = vector.extract_strided_slice %and3A_168 {offsets = [2], sizes = [1], strides = [1]} : vector<16xi32> to vector<1xi32>
        %squeeze3A_192 = vector.extract %slice3A_191[0] : i32 from vector<1xi32>
        %multiple_of3A_193 = tpu.assume_multiple %squeeze3A_192, 16 : i32
        %dma_start3A_194 = tpu.memref_slice %arg15[%multiple_of3A_193] : memref<100000xf32, #tpu.memory_space<vmem>> -> memref<16xf32, #tpu.memory_space<vmem>>
        %dma_start3A_195 = arith.constant 0 : i32
        %dma_start3A_196 = tpu.memref_slice %arg7[%add3A_4, %dma_start3A_195] : memref<64x100000xf32, #tpu.memory_space<hbm>> -> memref<1x100000xf32, #tpu.memory_space<hbm>>
        %dma_start3A_197 = tpu.memref_squeeze %dma_start3A_196 : memref<1x100000xf32, #tpu.memory_space<hbm>> -> memref<100000xf32, #tpu.memory_space<hbm>>
        %dma_start3A_198 = tpu.memref_slice %dma_start3A_197[%multiple_of3A_193] : memref<100000xf32, #tpu.memory_space<hbm>> -> memref<16xf32, #tpu.memory_space<hbm>>
        %dma_start3A_199 = arith.constant 0 : i32
        %dma_start3A_200 = tpu.memref_slice %arg7[%add3A_4, %dma_start3A_199] : memref<64x100000xf32, #tpu.memory_space<hbm>> -> memref<1x100000xf32, #tpu.memory_space<hbm>>
        %dma_start3A_201 = tpu.memref_squeeze %dma_start3A_200 : memref<1x100000xf32, #tpu.memory_space<hbm>> -> memref<100000xf32, #tpu.memory_space<hbm>>
        %dma_start3A_202 = tpu.memref_slice %dma_start3A_201[%multiple_of3A_193] : memref<100000xf32, #tpu.memory_space<hbm>> -> memref<16xf32, #tpu.memory_space<hbm>>
        %dma_start3A_203 = tpu.memref_slice %arg15[%multiple_of3A_193] : memref<100000xf32, #tpu.memory_space<vmem>> -> memref<16xf32, #tpu.memory_space<vmem>>
        tpu.enqueue_dma source(%dma_start3A_203 : memref<16xf32, #tpu.memory_space<vmem>>) target(%dma_start3A_202 : memref<16xf32, #tpu.memory_space<hbm>>) target_semaphore(%arg19 : memref<!tpu.dma_semaphore, #tpu.memory_space<semaphore_mem>>)
        %slice3A_204 = vector.extract_strided_slice %and3A_168 {offsets = [3], sizes = [1], strides = [1]} : vector<16xi32> to vector<1xi32>
        %squeeze3A_205 = vector.extract %slice3A_204[0] : i32 from vector<1xi32>
        %multiple_of3A_206 = tpu.assume_multiple %squeeze3A_205, 16 : i32
        %dma_start3A_207 = tpu.memref_slice %arg15[%multiple_of3A_206] : memref<100000xf32, #tpu.memory_space<vmem>> -> memref<16xf32, #tpu.memory_space<vmem>>
        %dma_start3A_208 = arith.constant 0 : i32
        %dma_start3A_209 = tpu.memref_slice %arg7[%add3A_4, %dma_start3A_208] : memref<64x100000xf32, #tpu.memory_space<hbm>> -> memref<1x100000xf32, #tpu.memory_space<hbm>>
        %dma_start3A_210 = tpu.memref_squeeze %dma_start3A_209 : memref<1x100000xf32, #tpu.memory_space<hbm>> -> memref<100000xf32, #tpu.memory_space<hbm>>
        %dma_start3A_211 = tpu.memref_slice %dma_start3A_210[%multiple_of3A_206] : memref<100000xf32, #tpu.memory_space<hbm>> -> memref<16xf32, #tpu.memory_space<hbm>>
        %dma_start3A_212 = arith.constant 0 : i32
        %dma_start3A_213 = tpu.memref_slice %arg7[%add3A_4, %dma_start3A_212] : memref<64x100000xf32, #tpu.memory_space<hbm>> -> memref<1x100000xf32, #tpu.memory_space<hbm>>
        %dma_start3A_214 = tpu.memref_squeeze %dma_start3A_213 : memref<1x100000xf32, #tpu.memory_space<hbm>> -> memref<100000xf32, #tpu.memory_space<hbm>>
        %dma_start3A_215 = tpu.memref_slice %dma_start3A_214[%multiple_of3A_206] : memref<100000xf32, #tpu.memory_space<hbm>> -> memref<16xf32, #tpu.memory_space<hbm>>
        %dma_start3A_216 = tpu.memref_slice %arg15[%multiple_of3A_206] : memref<100000xf32, #tpu.memory_space<vmem>> -> memref<16xf32, #tpu.memory_space<vmem>>
        tpu.enqueue_dma source(%dma_start3A_216 : memref<16xf32, #tpu.memory_space<vmem>>) target(%dma_start3A_215 : memref<16xf32, #tpu.memory_space<hbm>>) target_semaphore(%arg19 : memref<!tpu.dma_semaphore, #tpu.memory_space<semaphore_mem>>)
        %slice3A_217 = vector.extract_strided_slice %and3A_168 {offsets = [4], sizes = [1], strides = [1]} : vector<16xi32> to vector<1xi32>
        %squeeze3A_218 = vector.extract %slice3A_217[0] : i32 from vector<1xi32>
        %multiple_of3A_219 = tpu.assume_multiple %squeeze3A_218, 16 : i32
        %dma_start3A_220 = tpu.memref_slice %arg15[%multiple_of3A_219] : memref<100000xf32, #tpu.memory_space<vmem>> -> memref<16xf32, #tpu.memory_space<vmem>>
        %dma_start3A_221 = arith.constant 0 : i32
        %dma_start3A_222 = tpu.memref_slice %arg7[%add3A_4, %dma_start3A_221] : memref<64x100000xf32, #tpu.memory_space<hbm>> -> memref<1x100000xf32, #tpu.memory_space<hbm>>
        %dma_start3A_223 = tpu.memref_squeeze %dma_start3A_222 : memref<1x100000xf32, #tpu.memory_space<hbm>> -> memref<100000xf32, #tpu.memory_space<hbm>>
        %dma_start3A_224 = tpu.memref_slice %dma_start3A_223[%multiple_of3A_219] : memref<100000xf32, #tpu.memory_space<hbm>> -> memref<16xf32, #tpu.memory_space<hbm>>
        %dma_start3A_225 = arith.constant 0 : i32
        %dma_start3A_226 = tpu.memref_slice %arg7[%add3A_4, %dma_start3A_225] : memref<64x100000xf32, #tpu.memory_space<hbm>> -> memref<1x100000xf32, #tpu.memory_space<hbm>>
        %dma_start3A_227 = tpu.memref_squeeze %dma_start3A_226 : memref<1x100000xf32, #tpu.memory_space<hbm>> -> memref<100000xf32, #tpu.memory_space<hbm>>
        %dma_start3A_228 = tpu.memref_slice %dma_start3A_227[%multiple_of3A_219] : memref<100000xf32, #tpu.memory_space<hbm>> -> memref<16xf32, #tpu.memory_space<hbm>>
        %dma_start3A_229 = tpu.memref_slice %arg15[%multiple_of3A_219] : memref<100000xf32, #tpu.memory_space<vmem>> -> memref<16xf32, #tpu.memory_space<vmem>>
        tpu.enqueue_dma source(%dma_start3A_229 : memref<16xf32, #tpu.memory_space<vmem>>) target(%dma_start3A_228 : memref<16xf32, #tpu.memory_space<hbm>>) target_semaphore(%arg19 : memref<!tpu.dma_semaphore, #tpu.memory_space<semaphore_mem>>)
        %slice3A_230 = vector.extract_strided_slice %and3A_168 {offsets = [5], sizes = [1], strides = [1]} : vector<16xi32> to vector<1xi32>
        %squeeze3A_231 = vector.extract %slice3A_230[0] : i32 from vector<1xi32>
        %multiple_of3A_232 = tpu.assume_multiple %squeeze3A_231, 16 : i32
        %dma_start3A_233 = tpu.memref_slice %arg15[%multiple_of3A_232] : memref<100000xf32, #tpu.memory_space<vmem>> -> memref<16xf32, #tpu.memory_space<vmem>>
        %dma_start3A_234 = arith.constant 0 : i32
        %dma_start3A_235 = tpu.memref_slice %arg7[%add3A_4, %dma_start3A_234] : memref<64x100000xf32, #tpu.memory_space<hbm>> -> memref<1x100000xf32, #tpu.memory_space<hbm>>
        %dma_start3A_236 = tpu.memref_squeeze %dma_start3A_235 : memref<1x100000xf32, #tpu.memory_space<hbm>> -> memref<100000xf32, #tpu.memory_space<hbm>>
        %dma_start3A_237 = tpu.memref_slice %dma_start3A_236[%multiple_of3A_232] : memref<100000xf32, #tpu.memory_space<hbm>> -> memref<16xf32, #tpu.memory_space<hbm>>
        %dma_start3A_238 = arith.constant 0 : i32
        %dma_start3A_239 = tpu.memref_slice %arg7[%add3A_4, %dma_start3A_238] : memref<64x100000xf32, #tpu.memory_space<hbm>> -> memref<1x100000xf32, #tpu.memory_space<hbm>>
        %dma_start3A_240 = tpu.memref_squeeze %dma_start3A_239 : memref<1x100000xf32, #tpu.memory_space<hbm>> -> memref<100000xf32, #tpu.memory_space<hbm>>
        %dma_start3A_241 = tpu.memref_slice %dma_start3A_240[%multiple_of3A_232] : memref<100000xf32, #tpu.memory_space<hbm>> -> memref<16xf32, #tpu.memory_space<hbm>>
        %dma_start3A_242 = tpu.memref_slice %arg15[%multiple_of3A_232] : memref<100000xf32, #tpu.memory_space<vmem>> -> memref<16xf32, #tpu.memory_space<vmem>>
        tpu.enqueue_dma source(%dma_start3A_242 : memref<16xf32, #tpu.memory_space<vmem>>) target(%dma_start3A_241 : memref<16xf32, #tpu.memory_space<hbm>>) target_semaphore(%arg19 : memref<!tpu.dma_semaphore, #tpu.memory_space<semaphore_mem>>)
        %slice3A_243 = vector.extract_strided_slice %and3A_168 {offsets = [6], sizes = [1], strides = [1]} : vector<16xi32> to vector<1xi32>
        %squeeze3A_244 = vector.extract %slice3A_243[0] : i32 from vector<1xi32>
        %multiple_of3A_245 = tpu.assume_multiple %squeeze3A_244, 16 : i32
        %dma_start3A_246 = tpu.memref_slice %arg15[%multiple_of3A_245] : memref<100000xf32, #tpu.memory_space<vmem>> -> memref<16xf32, #tpu.memory_space<vmem>>
        %dma_start3A_247 = arith.constant 0 : i32
        %dma_start3A_248 = tpu.memref_slice %arg7[%add3A_4, %dma_start3A_247] : memref<64x100000xf32, #tpu.memory_space<hbm>> -> memref<1x100000xf32, #tpu.memory_space<hbm>>
        %dma_start3A_249 = tpu.memref_squeeze %dma_start3A_248 : memref<1x100000xf32, #tpu.memory_space<hbm>> -> memref<100000xf32, #tpu.memory_space<hbm>>
        %dma_start3A_250 = tpu.memref_slice %dma_start3A_249[%multiple_of3A_245] : memref<100000xf32, #tpu.memory_space<hbm>> -> memref<16xf32, #tpu.memory_space<hbm>>
        %dma_start3A_251 = arith.constant 0 : i32
        %dma_start3A_252 = tpu.memref_slice %arg7[%add3A_4, %dma_start3A_251] : memref<64x100000xf32, #tpu.memory_space<hbm>> -> memref<1x100000xf32, #tpu.memory_space<hbm>>
        %dma_start3A_253 = tpu.memref_squeeze %dma_start3A_252 : memref<1x100000xf32, #tpu.memory_space<hbm>> -> memref<100000xf32, #tpu.memory_space<hbm>>
        %dma_start3A_254 = tpu.memref_slice %dma_start3A_253[%multiple_of3A_245] : memref<100000xf32, #tpu.memory_space<hbm>> -> memref<16xf32, #tpu.memory_space<hbm>>
        %dma_start3A_255 = tpu.memref_slice %arg15[%multiple_of3A_245] : memref<100000xf32, #tpu.memory_space<vmem>> -> memref<16xf32, #tpu.memory_space<vmem>>
        tpu.enqueue_dma source(%dma_start3A_255 : memref<16xf32, #tpu.memory_space<vmem>>) target(%dma_start3A_254 : memref<16xf32, #tpu.memory_space<hbm>>) target_semaphore(%arg19 : memref<!tpu.dma_semaphore, #tpu.memory_space<semaphore_mem>>)
        %slice3A_256 = vector.extract_strided_slice %and3A_168 {offsets = [7], sizes = [1], strides = [1]} : vector<16xi32> to vector<1xi32>
        %squeeze3A_257 = vector.extract %slice3A_256[0] : i32 from vector<1xi32>
        %multiple_of3A_258 = tpu.assume_multiple %squeeze3A_257, 16 : i32
        %dma_start3A_259 = tpu.memref_slice %arg15[%multiple_of3A_258] : memref<100000xf32, #tpu.memory_space<vmem>> -> memref<16xf32, #tpu.memory_space<vmem>>
        %dma_start3A_260 = arith.constant 0 : i32
        %dma_start3A_261 = tpu.memref_slice %arg7[%add3A_4, %dma_start3A_260] : memref<64x100000xf32, #tpu.memory_space<hbm>> -> memref<1x100000xf32, #tpu.memory_space<hbm>>
        %dma_start3A_262 = tpu.memref_squeeze %dma_start3A_261 : memref<1x100000xf32, #tpu.memory_space<hbm>> -> memref<100000xf32, #tpu.memory_space<hbm>>
        %dma_start3A_263 = tpu.memref_slice %dma_start3A_262[%multiple_of3A_258] : memref<100000xf32, #tpu.memory_space<hbm>> -> memref<16xf32, #tpu.memory_space<hbm>>
        %dma_start3A_264 = arith.constant 0 : i32
        %dma_start3A_265 = tpu.memref_slice %arg7[%add3A_4, %dma_start3A_264] : memref<64x100000xf32, #tpu.memory_space<hbm>> -> memref<1x100000xf32, #tpu.memory_space<hbm>>
        %dma_start3A_266 = tpu.memref_squeeze %dma_start3A_265 : memref<1x100000xf32, #tpu.memory_space<hbm>> -> memref<100000xf32, #tpu.memory_space<hbm>>
        %dma_start3A_267 = tpu.memref_slice %dma_start3A_266[%multiple_of3A_258] : memref<100000xf32, #tpu.memory_space<hbm>> -> memref<16xf32, #tpu.memory_space<hbm>>
        %dma_start3A_268 = tpu.memref_slice %arg15[%multiple_of3A_258] : memref<100000xf32, #tpu.memory_space<vmem>> -> memref<16xf32, #tpu.memory_space<vmem>>
        tpu.enqueue_dma source(%dma_start3A_268 : memref<16xf32, #tpu.memory_space<vmem>>) target(%dma_start3A_267 : memref<16xf32, #tpu.memory_space<hbm>>) target_semaphore(%arg19 : memref<!tpu.dma_semaphore, #tpu.memory_space<semaphore_mem>>)
        %slice3A_269 = vector.extract_strided_slice %and3A_168 {offsets = [8], sizes = [1], strides = [1]} : vector<16xi32> to vector<1xi32>
        %squeeze3A_270 = vector.extract %slice3A_269[0] : i32 from vector<1xi32>
        %multiple_of3A_271 = tpu.assume_multiple %squeeze3A_270, 16 : i32
        %dma_start3A_272 = tpu.memref_slice %arg15[%multiple_of3A_271] : memref<100000xf32, #tpu.memory_space<vmem>> -> memref<16xf32, #tpu.memory_space<vmem>>
        %dma_start3A_273 = arith.constant 0 : i32
        %dma_start3A_274 = tpu.memref_slice %arg7[%add3A_4, %dma_start3A_273] : memref<64x100000xf32, #tpu.memory_space<hbm>> -> memref<1x100000xf32, #tpu.memory_space<hbm>>
        %dma_start3A_275 = tpu.memref_squeeze %dma_start3A_274 : memref<1x100000xf32, #tpu.memory_space<hbm>> -> memref<100000xf32, #tpu.memory_space<hbm>>
        %dma_start3A_276 = tpu.memref_slice %dma_start3A_275[%multiple_of3A_271] : memref<100000xf32, #tpu.memory_space<hbm>> -> memref<16xf32, #tpu.memory_space<hbm>>
        %dma_start3A_277 = arith.constant 0 : i32
        %dma_start3A_278 = tpu.memref_slice %arg7[%add3A_4, %dma_start3A_277] : memref<64x100000xf32, #tpu.memory_space<hbm>> -> memref<1x100000xf32, #tpu.memory_space<hbm>>
        %dma_start3A_279 = tpu.memref_squeeze %dma_start3A_278 : memref<1x100000xf32, #tpu.memory_space<hbm>> -> memref<100000xf32, #tpu.memory_space<hbm>>
        %dma_start3A_280 = tpu.memref_slice %dma_start3A_279[%multiple_of3A_271] : memref<100000xf32, #tpu.memory_space<hbm>> -> memref<16xf32, #tpu.memory_space<hbm>>
        %dma_start3A_281 = tpu.memref_slice %arg15[%multiple_of3A_271] : memref<100000xf32, #tpu.memory_space<vmem>> -> memref<16xf32, #tpu.memory_space<vmem>>
        tpu.enqueue_dma source(%dma_start3A_281 : memref<16xf32, #tpu.memory_space<vmem>>) target(%dma_start3A_280 : memref<16xf32, #tpu.memory_space<hbm>>) target_semaphore(%arg19 : memref<!tpu.dma_semaphore, #tpu.memory_space<semaphore_mem>>)
        %slice3A_282 = vector.extract_strided_slice %and3A_168 {offsets = [9], sizes = [1], strides = [1]} : vector<16xi32> to vector<1xi32>
        %squeeze3A_283 = vector.extract %slice3A_282[0] : i32 from vector<1xi32>
        %multiple_of3A_284 = tpu.assume_multiple %squeeze3A_283, 16 : i32
        %dma_start3A_285 = tpu.memref_slice %arg15[%multiple_of3A_284] : memref<100000xf32, #tpu.memory_space<vmem>> -> memref<16xf32, #tpu.memory_space<vmem>>
        %dma_start3A_286 = arith.constant 0 : i32
        %dma_start3A_287 = tpu.memref_slice %arg7[%add3A_4, %dma_start3A_286] : memref<64x100000xf32, #tpu.memory_space<hbm>> -> memref<1x100000xf32, #tpu.memory_space<hbm>>
        %dma_start3A_288 = tpu.memref_squeeze %dma_start3A_287 : memref<1x100000xf32, #tpu.memory_space<hbm>> -> memref<100000xf32, #tpu.memory_space<hbm>>
        %dma_start3A_289 = tpu.memref_slice %dma_start3A_288[%multiple_of3A_284] : memref<100000xf32, #tpu.memory_space<hbm>> -> memref<16xf32, #tpu.memory_space<hbm>>
        %dma_start3A_290 = arith.constant 0 : i32
        %dma_start3A_291 = tpu.memref_slice %arg7[%add3A_4, %dma_start3A_290] : memref<64x100000xf32, #tpu.memory_space<hbm>> -> memref<1x100000xf32, #tpu.memory_space<hbm>>
        %dma_start3A_292 = tpu.memref_squeeze %dma_start3A_291 : memref<1x100000xf32, #tpu.memory_space<hbm>> -> memref<100000xf32, #tpu.memory_space<hbm>>
        %dma_start3A_293 = tpu.memref_slice %dma_start3A_292[%multiple_of3A_284] : memref<100000xf32, #tpu.memory_space<hbm>> -> memref<16xf32, #tpu.memory_space<hbm>>
        %dma_start3A_294 = tpu.memref_slice %arg15[%multiple_of3A_284] : memref<100000xf32, #tpu.memory_space<vmem>> -> memref<16xf32, #tpu.memory_space<vmem>>
        tpu.enqueue_dma source(%dma_start3A_294 : memref<16xf32, #tpu.memory_space<vmem>>) target(%dma_start3A_293 : memref<16xf32, #tpu.memory_space<hbm>>) target_semaphore(%arg19 : memref<!tpu.dma_semaphore, #tpu.memory_space<semaphore_mem>>)
        %slice3A_295 = vector.extract_strided_slice %and3A_168 {offsets = [10], sizes = [1], strides = [1]} : vector<16xi32> to vector<1xi32>
        %squeeze3A_296 = vector.extract %slice3A_295[0] : i32 from vector<1xi32>
        %multiple_of3A_297 = tpu.assume_multiple %squeeze3A_296, 16 : i32
        %dma_start3A_298 = tpu.memref_slice %arg15[%multiple_of3A_297] : memref<100000xf32, #tpu.memory_space<vmem>> -> memref<16xf32, #tpu.memory_space<vmem>>
        %dma_start3A_299 = arith.constant 0 : i32
        %dma_start3A_300 = tpu.memref_slice %arg7[%add3A_4, %dma_start3A_299] : memref<64x100000xf32, #tpu.memory_space<hbm>> -> memref<1x100000xf32, #tpu.memory_space<hbm>>
        %dma_start3A_301 = tpu.memref_squeeze %dma_start3A_300 : memref<1x100000xf32, #tpu.memory_space<hbm>> -> memref<100000xf32, #tpu.memory_space<hbm>>
        %dma_start3A_302 = tpu.memref_slice %dma_start3A_301[%multiple_of3A_297] : memref<100000xf32, #tpu.memory_space<hbm>> -> memref<16xf32, #tpu.memory_space<hbm>>
        %dma_start3A_303 = arith.constant 0 : i32
        %dma_start3A_304 = tpu.memref_slice %arg7[%add3A_4, %dma_start3A_303] : memref<64x100000xf32, #tpu.memory_space<hbm>> -> memref<1x100000xf32, #tpu.memory_space<hbm>>
        %dma_start3A_305 = tpu.memref_squeeze %dma_start3A_304 : memref<1x100000xf32, #tpu.memory_space<hbm>> -> memref<100000xf32, #tpu.memory_space<hbm>>
        %dma_start3A_306 = tpu.memref_slice %dma_start3A_305[%multiple_of3A_297] : memref<100000xf32, #tpu.memory_space<hbm>> -> memref<16xf32, #tpu.memory_space<hbm>>
        %dma_start3A_307 = tpu.memref_slice %arg15[%multiple_of3A_297] : memref<100000xf32, #tpu.memory_space<vmem>> -> memref<16xf32, #tpu.memory_space<vmem>>
        tpu.enqueue_dma source(%dma_start3A_307 : memref<16xf32, #tpu.memory_space<vmem>>) target(%dma_start3A_306 : memref<16xf32, #tpu.memory_space<hbm>>) target_semaphore(%arg19 : memref<!tpu.dma_semaphore, #tpu.memory_space<semaphore_mem>>)
        %slice3A_308 = vector.extract_strided_slice %and3A_168 {offsets = [11], sizes = [1], strides = [1]} : vector<16xi32> to vector<1xi32>
        %squeeze3A_309 = vector.extract %slice3A_308[0] : i32 from vector<1xi32>
        %multiple_of3A_310 = tpu.assume_multiple %squeeze3A_309, 16 : i32
        %dma_start3A_311 = tpu.memref_slice %arg15[%multiple_of3A_310] : memref<100000xf32, #tpu.memory_space<vmem>> -> memref<16xf32, #tpu.memory_space<vmem>>
        %dma_start3A_312 = arith.constant 0 : i32
        %dma_start3A_313 = tpu.memref_slice %arg7[%add3A_4, %dma_start3A_312] : memref<64x100000xf32, #tpu.memory_space<hbm>> -> memref<1x100000xf32, #tpu.memory_space<hbm>>
        %dma_start3A_314 = tpu.memref_squeeze %dma_start3A_313 : memref<1x100000xf32, #tpu.memory_space<hbm>> -> memref<100000xf32, #tpu.memory_space<hbm>>
        %dma_start3A_315 = tpu.memref_slice %dma_start3A_314[%multiple_of3A_310] : memref<100000xf32, #tpu.memory_space<hbm>> -> memref<16xf32, #tpu.memory_space<hbm>>
        %dma_start3A_316 = arith.constant 0 : i32
        %dma_start3A_317 = tpu.memref_slice %arg7[%add3A_4, %dma_start3A_316] : memref<64x100000xf32, #tpu.memory_space<hbm>> -> memref<1x100000xf32, #tpu.memory_space<hbm>>
        %dma_start3A_318 = tpu.memref_squeeze %dma_start3A_317 : memref<1x100000xf32, #tpu.memory_space<hbm>> -> memref<100000xf32, #tpu.memory_space<hbm>>
        %dma_start3A_319 = tpu.memref_slice %dma_start3A_318[%multiple_of3A_310] : memref<100000xf32, #tpu.memory_space<hbm>> -> memref<16xf32, #tpu.memory_space<hbm>>
        %dma_start3A_320 = tpu.memref_slice %arg15[%multiple_of3A_310] : memref<100000xf32, #tpu.memory_space<vmem>> -> memref<16xf32, #tpu.memory_space<vmem>>
        tpu.enqueue_dma source(%dma_start3A_320 : memref<16xf32, #tpu.memory_space<vmem>>) target(%dma_start3A_319 : memref<16xf32, #tpu.memory_space<hbm>>) target_semaphore(%arg19 : memref<!tpu.dma_semaphore, #tpu.memory_space<semaphore_mem>>)
        %slice3A_321 = vector.extract_strided_slice %and3A_168 {offsets = [12], sizes = [1], strides = [1]} : vector<16xi32> to vector<1xi32>
        %squeeze3A_322 = vector.extract %slice3A_321[0] : i32 from vector<1xi32>
        %multiple_of3A_323 = tpu.assume_multiple %squeeze3A_322, 16 : i32
        %dma_start3A_324 = tpu.memref_slice %arg15[%multiple_of3A_323] : memref<100000xf32, #tpu.memory_space<vmem>> -> memref<16xf32, #tpu.memory_space<vmem>>
        %dma_start3A_325 = arith.constant 0 : i32
        %dma_start3A_326 = tpu.memref_slice %arg7[%add3A_4, %dma_start3A_325] : memref<64x100000xf32, #tpu.memory_space<hbm>> -> memref<1x100000xf32, #tpu.memory_space<hbm>>
        %dma_start3A_327 = tpu.memref_squeeze %dma_start3A_326 : memref<1x100000xf32, #tpu.memory_space<hbm>> -> memref<100000xf32, #tpu.memory_space<hbm>>
        %dma_start3A_328 = tpu.memref_slice %dma_start3A_327[%multiple_of3A_323] : memref<100000xf32, #tpu.memory_space<hbm>> -> memref<16xf32, #tpu.memory_space<hbm>>
        %dma_start3A_329 = arith.constant 0 : i32
        %dma_start3A_330 = tpu.memref_slice %arg7[%add3A_4, %dma_start3A_329] : memref<64x100000xf32, #tpu.memory_space<hbm>> -> memref<1x100000xf32, #tpu.memory_space<hbm>>
        %dma_start3A_331 = tpu.memref_squeeze %dma_start3A_330 : memref<1x100000xf32, #tpu.memory_space<hbm>> -> memref<100000xf32, #tpu.memory_space<hbm>>
        %dma_start3A_332 = tpu.memref_slice %dma_start3A_331[%multiple_of3A_323] : memref<100000xf32, #tpu.memory_space<hbm>> -> memref<16xf32, #tpu.memory_space<hbm>>
        %dma_start3A_333 = tpu.memref_slice %arg15[%multiple_of3A_323] : memref<100000xf32, #tpu.memory_space<vmem>> -> memref<16xf32, #tpu.memory_space<vmem>>
        tpu.enqueue_dma source(%dma_start3A_333 : memref<16xf32, #tpu.memory_space<vmem>>) target(%dma_start3A_332 : memref<16xf32, #tpu.memory_space<hbm>>) target_semaphore(%arg19 : memref<!tpu.dma_semaphore, #tpu.memory_space<semaphore_mem>>)
        %slice3A_334 = vector.extract_strided_slice %and3A_168 {offsets = [13], sizes = [1], strides = [1]} : vector<16xi32> to vector<1xi32>
        %squeeze3A_335 = vector.extract %slice3A_334[0] : i32 from vector<1xi32>
        %multiple_of3A_336 = tpu.assume_multiple %squeeze3A_335, 16 : i32
        %dma_start3A_337 = tpu.memref_slice %arg15[%multiple_of3A_336] : memref<100000xf32, #tpu.memory_space<vmem>> -> memref<16xf32, #tpu.memory_space<vmem>>
        %dma_start3A_338 = arith.constant 0 : i32
        %dma_start3A_339 = tpu.memref_slice %arg7[%add3A_4, %dma_start3A_338] : memref<64x100000xf32, #tpu.memory_space<hbm>> -> memref<1x100000xf32, #tpu.memory_space<hbm>>
        %dma_start3A_340 = tpu.memref_squeeze %dma_start3A_339 : memref<1x100000xf32, #tpu.memory_space<hbm>> -> memref<100000xf32, #tpu.memory_space<hbm>>
        %dma_start3A_341 = tpu.memref_slice %dma_start3A_340[%multiple_of3A_336] : memref<100000xf32, #tpu.memory_space<hbm>> -> memref<16xf32, #tpu.memory_space<hbm>>
        %dma_start3A_342 = arith.constant 0 : i32
        %dma_start3A_343 = tpu.memref_slice %arg7[%add3A_4, %dma_start3A_342] : memref<64x100000xf32, #tpu.memory_space<hbm>> -> memref<1x100000xf32, #tpu.memory_space<hbm>>
        %dma_start3A_344 = tpu.memref_squeeze %dma_start3A_343 : memref<1x100000xf32, #tpu.memory_space<hbm>> -> memref<100000xf32, #tpu.memory_space<hbm>>
        %dma_start3A_345 = tpu.memref_slice %dma_start3A_344[%multiple_of3A_336] : memref<100000xf32, #tpu.memory_space<hbm>> -> memref<16xf32, #tpu.memory_space<hbm>>
        %dma_start3A_346 = tpu.memref_slice %arg15[%multiple_of3A_336] : memref<100000xf32, #tpu.memory_space<vmem>> -> memref<16xf32, #tpu.memory_space<vmem>>
        tpu.enqueue_dma source(%dma_start3A_346 : memref<16xf32, #tpu.memory_space<vmem>>) target(%dma_start3A_345 : memref<16xf32, #tpu.memory_space<hbm>>) target_semaphore(%arg19 : memref<!tpu.dma_semaphore, #tpu.memory_space<semaphore_mem>>)
        %slice3A_347 = vector.extract_strided_slice %and3A_168 {offsets = [14], sizes = [1], strides = [1]} : vector<16xi32> to vector<1xi32>
        %squeeze3A_348 = vector.extract %slice3A_347[0] : i32 from vector<1xi32>
        %multiple_of3A_349 = tpu.assume_multiple %squeeze3A_348, 16 : i32
        %dma_start3A_350 = tpu.memref_slice %arg15[%multiple_of3A_349] : memref<100000xf32, #tpu.memory_space<vmem>> -> memref<16xf32, #tpu.memory_space<vmem>>
        %dma_start3A_351 = arith.constant 0 : i32
        %dma_start3A_352 = tpu.memref_slice %arg7[%add3A_4, %dma_start3A_351] : memref<64x100000xf32, #tpu.memory_space<hbm>> -> memref<1x100000xf32, #tpu.memory_space<hbm>>
        %dma_start3A_353 = tpu.memref_squeeze %dma_start3A_352 : memref<1x100000xf32, #tpu.memory_space<hbm>> -> memref<100000xf32, #tpu.memory_space<hbm>>
        %dma_start3A_354 = tpu.memref_slice %dma_start3A_353[%multiple_of3A_349] : memref<100000xf32, #tpu.memory_space<hbm>> -> memref<16xf32, #tpu.memory_space<hbm>>
        %dma_start3A_355 = arith.constant 0 : i32
        %dma_start3A_356 = tpu.memref_slice %arg7[%add3A_4, %dma_start3A_355] : memref<64x100000xf32, #tpu.memory_space<hbm>> -> memref<1x100000xf32, #tpu.memory_space<hbm>>
        %dma_start3A_357 = tpu.memref_squeeze %dma_start3A_356 : memref<1x100000xf32, #tpu.memory_space<hbm>> -> memref<100000xf32, #tpu.memory_space<hbm>>
        %dma_start3A_358 = tpu.memref_slice %dma_start3A_357[%multiple_of3A_349] : memref<100000xf32, #tpu.memory_space<hbm>> -> memref<16xf32, #tpu.memory_space<hbm>>
        %dma_start3A_359 = tpu.memref_slice %arg15[%multiple_of3A_349] : memref<100000xf32, #tpu.memory_space<vmem>> -> memref<16xf32, #tpu.memory_space<vmem>>
        tpu.enqueue_dma source(%dma_start3A_359 : memref<16xf32, #tpu.memory_space<vmem>>) target(%dma_start3A_358 : memref<16xf32, #tpu.memory_space<hbm>>) target_semaphore(%arg19 : memref<!tpu.dma_semaphore, #tpu.memory_space<semaphore_mem>>)
        %slice3A_360 = vector.extract_strided_slice %and3A_168 {offsets = [15], sizes = [1], strides = [1]} : vector<16xi32> to vector<1xi32>
        %squeeze3A_361 = vector.extract %slice3A_360[0] : i32 from vector<1xi32>
        %multiple_of3A_362 = tpu.assume_multiple %squeeze3A_361, 16 : i32
        %dma_start3A_363 = tpu.memref_slice %arg15[%multiple_of3A_362] : memref<100000xf32, #tpu.memory_space<vmem>> -> memref<16xf32, #tpu.memory_space<vmem>>
        %dma_start3A_364 = arith.constant 0 : i32
        %dma_start3A_365 = tpu.memref_slice %arg7[%add3A_4, %dma_start3A_364] : memref<64x100000xf32, #tpu.memory_space<hbm>> -> memref<1x100000xf32, #tpu.memory_space<hbm>>
        %dma_start3A_366 = tpu.memref_squeeze %dma_start3A_365 : memref<1x100000xf32, #tpu.memory_space<hbm>> -> memref<100000xf32, #tpu.memory_space<hbm>>
        %dma_start3A_367 = tpu.memref_slice %dma_start3A_366[%multiple_of3A_362] : memref<100000xf32, #tpu.memory_space<hbm>> -> memref<16xf32, #tpu.memory_space<hbm>>
        %dma_start3A_368 = arith.constant 0 : i32
        %dma_start3A_369 = tpu.memref_slice %arg7[%add3A_4, %dma_start3A_368] : memref<64x100000xf32, #tpu.memory_space<hbm>> -> memref<1x100000xf32, #tpu.memory_space<hbm>>
        %dma_start3A_370 = tpu.memref_squeeze %dma_start3A_369 : memref<1x100000xf32, #tpu.memory_space<hbm>> -> memref<100000xf32, #tpu.memory_space<hbm>>
        %dma_start3A_371 = tpu.memref_slice %dma_start3A_370[%multiple_of3A_362] : memref<100000xf32, #tpu.memory_space<hbm>> -> memref<16xf32, #tpu.memory_space<hbm>>
        %dma_start3A_372 = tpu.memref_slice %arg15[%multiple_of3A_362] : memref<100000xf32, #tpu.memory_space<vmem>> -> memref<16xf32, #tpu.memory_space<vmem>>
        tpu.enqueue_dma source(%dma_start3A_372 : memref<16xf32, #tpu.memory_space<vmem>>) target(%dma_start3A_371 : memref<16xf32, #tpu.memory_space<hbm>>) target_semaphore(%arg19 : memref<!tpu.dma_semaphore, #tpu.memory_space<semaphore_mem>>)
      } else {
      }
      %ge3A_158 = arith.constant 2 : i32
      %ge3A_159 = arith.cmpi sge, %scan3A_155, %ge3A_158 : i32
      %convert_element_type3A_160 = arith.extui %ge3A_159 : i1 to i32
      %cond3A_161 = arith.constant 0 : i32
      %cond3A_162 = arith.cmpi ne, %convert_element_type3A_160, %cond3A_161 : i32
      scf.if %cond3A_162 {
        %dma_wait3A = arith.constant 0 : i32
        %dma_wait3A_163 = tpu.memref_slice %arg7[%add3A_4, %dma_wait3A] : memref<64x100000xf32, #tpu.memory_space<hbm>> -> memref<1x100000xf32, #tpu.memory_space<hbm>>
        %dma_wait3A_164 = tpu.memref_squeeze %dma_wait3A_163 : memref<1x100000xf32, #tpu.memory_space<hbm>> -> memref<100000xf32, #tpu.memory_space<hbm>>
        %dma_wait3A_165 = arith.constant 0 : i32
        %dma_wait3A_166 = tpu.memref_slice %dma_wait3A_164[%dma_wait3A_165] : memref<100000xf32, #tpu.memory_space<hbm>> -> memref<16xf32, #tpu.memory_space<hbm>>
        %dma_wait3A_167 = arith.constant 0 : i32
        %dma_wait3A_168 = tpu.memref_slice %arg7[%add3A_4, %dma_wait3A_167] : memref<64x100000xf32, #tpu.memory_space<hbm>> -> memref<1x100000xf32, #tpu.memory_space<hbm>>
        %dma_wait3A_169 = tpu.memref_squeeze %dma_wait3A_168 : memref<1x100000xf32, #tpu.memory_space<hbm>> -> memref<100000xf32, #tpu.memory_space<hbm>>
        %dma_wait3A_170 = arith.constant 0 : i32
        %dma_wait3A_171 = tpu.memref_slice %dma_wait3A_169[%dma_wait3A_170] : memref<100000xf32, #tpu.memory_space<hbm>> -> memref<16xf32, #tpu.memory_space<hbm>>
        tpu.wait_dma2 semaphore(%arg19 : memref<!tpu.dma_semaphore, #tpu.memory_space<semaphore_mem>>) src(%dma_wait3A_171 : memref<16xf32, #tpu.memory_space<hbm>>) dst(%arg18 : memref<16xf32, #tpu.memory_space<vmem>>)
        %dma_wait3A_172 = arith.constant 0 : i32
        %dma_wait3A_173 = tpu.memref_slice %arg7[%add3A_4, %dma_wait3A_172] : memref<64x100000xf32, #tpu.memory_space<hbm>> -> memref<1x100000xf32, #tpu.memory_space<hbm>>
        %dma_wait3A_174 = tpu.memref_squeeze %dma_wait3A_173 : memref<1x100000xf32, #tpu.memory_space<hbm>> -> memref<100000xf32, #tpu.memory_space<hbm>>
        %dma_wait3A_175 = arith.constant 0 : i32
        %dma_wait3A_176 = tpu.memref_slice %dma_wait3A_174[%dma_wait3A_175] : memref<100000xf32, #tpu.memory_space<hbm>> -> memref<16xf32, #tpu.memory_space<hbm>>
        %dma_wait3A_177 = arith.constant 0 : i32
        %dma_wait3A_178 = tpu.memref_slice %arg7[%add3A_4, %dma_wait3A_177] : memref<64x100000xf32, #tpu.memory_space<hbm>> -> memref<1x100000xf32, #tpu.memory_space<hbm>>
        %dma_wait3A_179 = tpu.memref_squeeze %dma_wait3A_178 : memref<1x100000xf32, #tpu.memory_space<hbm>> -> memref<100000xf32, #tpu.memory_space<hbm>>
        %dma_wait3A_180 = arith.constant 0 : i32
        %dma_wait3A_181 = tpu.memref_slice %dma_wait3A_179[%dma_wait3A_180] : memref<100000xf32, #tpu.memory_space<hbm>> -> memref<16xf32, #tpu.memory_space<hbm>>
        tpu.wait_dma2 semaphore(%arg19 : memref<!tpu.dma_semaphore, #tpu.memory_space<semaphore_mem>>) src(%dma_wait3A_181 : memref<16xf32, #tpu.memory_space<hbm>>) dst(%arg18 : memref<16xf32, #tpu.memory_space<vmem>>)
        %dma_wait3A_182 = arith.constant 0 : i32
        %dma_wait3A_183 = tpu.memref_slice %arg7[%add3A_4, %dma_wait3A_182] : memref<64x100000xf32, #tpu.memory_space<hbm>> -> memref<1x100000xf32, #tpu.memory_space<hbm>>
        %dma_wait3A_184 = tpu.memref_squeeze %dma_wait3A_183 : memref<1x100000xf32, #tpu.memory_space<hbm>> -> memref<100000xf32, #tpu.memory_space<hbm>>
        %dma_wait3A_185 = arith.constant 0 : i32
        %dma_wait3A_186 = tpu.memref_slice %dma_wait3A_184[%dma_wait3A_185] : memref<100000xf32, #tpu.memory_space<hbm>> -> memref<16xf32, #tpu.memory_space<hbm>>
        %dma_wait3A_187 = arith.constant 0 : i32
        %dma_wait3A_188 = tpu.memref_slice %arg7[%add3A_4, %dma_wait3A_187] : memref<64x100000xf32, #tpu.memory_space<hbm>> -> memref<1x100000xf32, #tpu.memory_space<hbm>>
        %dma_wait3A_189 = tpu.memref_squeeze %dma_wait3A_188 : memref<1x100000xf32, #tpu.memory_space<hbm>> -> memref<100000xf32, #tpu.memory_space<hbm>>
        %dma_wait3A_190 = arith.constant 0 : i32
        %dma_wait3A_191 = tpu.memref_slice %dma_wait3A_189[%dma_wait3A_190] : memref<100000xf32, #tpu.memory_space<hbm>> -> memref<16xf32, #tpu.memory_space<hbm>>
        tpu.wait_dma2 semaphore(%arg19 : memref<!tpu.dma_semaphore, #tpu.memory_space<semaphore_mem>>) src(%dma_wait3A_191 : memref<16xf32, #tpu.memory_space<hbm>>) dst(%arg18 : memref<16xf32, #tpu.memory_space<vmem>>)
        %dma_wait3A_192 = arith.constant 0 : i32
        %dma_wait3A_193 = tpu.memref_slice %arg7[%add3A_4, %dma_wait3A_192] : memref<64x100000xf32, #tpu.memory_space<hbm>> -> memref<1x100000xf32, #tpu.memory_space<hbm>>
        %dma_wait3A_194 = tpu.memref_squeeze %dma_wait3A_193 : memref<1x100000xf32, #tpu.memory_space<hbm>> -> memref<100000xf32, #tpu.memory_space<hbm>>
        %dma_wait3A_195 = arith.constant 0 : i32
        %dma_wait3A_196 = tpu.memref_slice %dma_wait3A_194[%dma_wait3A_195] : memref<100000xf32, #tpu.memory_space<hbm>> -> memref<16xf32, #tpu.memory_space<hbm>>
        %dma_wait3A_197 = arith.constant 0 : i32
        %dma_wait3A_198 = tpu.memref_slice %arg7[%add3A_4, %dma_wait3A_197] : memref<64x100000xf32, #tpu.memory_space<hbm>> -> memref<1x100000xf32, #tpu.memory_space<hbm>>
        %dma_wait3A_199 = tpu.memref_squeeze %dma_wait3A_198 : memref<1x100000xf32, #tpu.memory_space<hbm>> -> memref<100000xf32, #tpu.memory_space<hbm>>
        %dma_wait3A_200 = arith.constant 0 : i32
        %dma_wait3A_201 = tpu.memref_slice %dma_wait3A_199[%dma_wait3A_200] : memref<100000xf32, #tpu.memory_space<hbm>> -> memref<16xf32, #tpu.memory_space<hbm>>
        tpu.wait_dma2 semaphore(%arg19 : memref<!tpu.dma_semaphore, #tpu.memory_space<semaphore_mem>>) src(%dma_wait3A_201 : memref<16xf32, #tpu.memory_space<hbm>>) dst(%arg18 : memref<16xf32, #tpu.memory_space<vmem>>)
        %dma_wait3A_202 = arith.constant 0 : i32
        %dma_wait3A_203 = tpu.memref_slice %arg7[%add3A_4, %dma_wait3A_202] : memref<64x100000xf32, #tpu.memory_space<hbm>> -> memref<1x100000xf32, #tpu.memory_space<hbm>>
        %dma_wait3A_204 = tpu.memref_squeeze %dma_wait3A_203 : memref<1x100000xf32, #tpu.memory_space<hbm>> -> memref<100000xf32, #tpu.memory_space<hbm>>
        %dma_wait3A_205 = arith.constant 0 : i32
        %dma_wait3A_206 = tpu.memref_slice %dma_wait3A_204[%dma_wait3A_205] : memref<100000xf32, #tpu.memory_space<hbm>> -> memref<16xf32, #tpu.memory_space<hbm>>
        %dma_wait3A_207 = arith.constant 0 : i32
        %dma_wait3A_208 = tpu.memref_slice %arg7[%add3A_4, %dma_wait3A_207] : memref<64x100000xf32, #tpu.memory_space<hbm>> -> memref<1x100000xf32, #tpu.memory_space<hbm>>
        %dma_wait3A_209 = tpu.memref_squeeze %dma_wait3A_208 : memref<1x100000xf32, #tpu.memory_space<hbm>> -> memref<100000xf32, #tpu.memory_space<hbm>>
        %dma_wait3A_210 = arith.constant 0 : i32
        %dma_wait3A_211 = tpu.memref_slice %dma_wait3A_209[%dma_wait3A_210] : memref<100000xf32, #tpu.memory_space<hbm>> -> memref<16xf32, #tpu.memory_space<hbm>>
        tpu.wait_dma2 semaphore(%arg19 : memref<!tpu.dma_semaphore, #tpu.memory_space<semaphore_mem>>) src(%dma_wait3A_211 : memref<16xf32, #tpu.memory_space<hbm>>) dst(%arg18 : memref<16xf32, #tpu.memory_space<vmem>>)
        %dma_wait3A_212 = arith.constant 0 : i32
        %dma_wait3A_213 = tpu.memref_slice %arg7[%add3A_4, %dma_wait3A_212] : memref<64x100000xf32, #tpu.memory_space<hbm>> -> memref<1x100000xf32, #tpu.memory_space<hbm>>
        %dma_wait3A_214 = tpu.memref_squeeze %dma_wait3A_213 : memref<1x100000xf32, #tpu.memory_space<hbm>> -> memref<100000xf32, #tpu.memory_space<hbm>>
        %dma_wait3A_215 = arith.constant 0 : i32
        %dma_wait3A_216 = tpu.memref_slice %dma_wait3A_214[%dma_wait3A_215] : memref<100000xf32, #tpu.memory_space<hbm>> -> memref<16xf32, #tpu.memory_space<hbm>>
        %dma_wait3A_217 = arith.constant 0 : i32
        %dma_wait3A_218 = tpu.memref_slice %arg7[%add3A_4, %dma_wait3A_217] : memref<64x100000xf32, #tpu.memory_space<hbm>> -> memref<1x100000xf32, #tpu.memory_space<hbm>>
        %dma_wait3A_219 = tpu.memref_squeeze %dma_wait3A_218 : memref<1x100000xf32, #tpu.memory_space<hbm>> -> memref<100000xf32, #tpu.memory_space<hbm>>
        %dma_wait3A_220 = arith.constant 0 : i32
        %dma_wait3A_221 = tpu.memref_slice %dma_wait3A_219[%dma_wait3A_220] : memref<100000xf32, #tpu.memory_space<hbm>> -> memref<16xf32, #tpu.memory_space<hbm>>
        tpu.wait_dma2 semaphore(%arg19 : memref<!tpu.dma_semaphore, #tpu.memory_space<semaphore_mem>>) src(%dma_wait3A_221 : memref<16xf32, #tpu.memory_space<hbm>>) dst(%arg18 : memref<16xf32, #tpu.memory_space<vmem>>)
        %dma_wait3A_222 = arith.constant 0 : i32
        %dma_wait3A_223 = tpu.memref_slice %arg7[%add3A_4, %dma_wait3A_222] : memref<64x100000xf32, #tpu.memory_space<hbm>> -> memref<1x100000xf32, #tpu.memory_space<hbm>>
        %dma_wait3A_224 = tpu.memref_squeeze %dma_wait3A_223 : memref<1x100000xf32, #tpu.memory_space<hbm>> -> memref<100000xf32, #tpu.memory_space<hbm>>
        %dma_wait3A_225 = arith.constant 0 : i32
        %dma_wait3A_226 = tpu.memref_slice %dma_wait3A_224[%dma_wait3A_225] : memref<100000xf32, #tpu.memory_space<hbm>> -> memref<16xf32, #tpu.memory_space<hbm>>
        %dma_wait3A_227 = arith.constant 0 : i32
        %dma_wait3A_228 = tpu.memref_slice %arg7[%add3A_4, %dma_wait3A_227] : memref<64x100000xf32, #tpu.memory_space<hbm>> -> memref<1x100000xf32, #tpu.memory_space<hbm>>
        %dma_wait3A_229 = tpu.memref_squeeze %dma_wait3A_228 : memref<1x100000xf32, #tpu.memory_space<hbm>> -> memref<100000xf32, #tpu.memory_space<hbm>>
        %dma_wait3A_230 = arith.constant 0 : i32
        %dma_wait3A_231 = tpu.memref_slice %dma_wait3A_229[%dma_wait3A_230] : memref<100000xf32, #tpu.memory_space<hbm>> -> memref<16xf32, #tpu.memory_space<hbm>>
        tpu.wait_dma2 semaphore(%arg19 : memref<!tpu.dma_semaphore, #tpu.memory_space<semaphore_mem>>) src(%dma_wait3A_231 : memref<16xf32, #tpu.memory_space<hbm>>) dst(%arg18 : memref<16xf32, #tpu.memory_space<vmem>>)
        %dma_wait3A_232 = arith.constant 0 : i32
        %dma_wait3A_233 = tpu.memref_slice %arg7[%add3A_4, %dma_wait3A_232] : memref<64x100000xf32, #tpu.memory_space<hbm>> -> memref<1x100000xf32, #tpu.memory_space<hbm>>
        %dma_wait3A_234 = tpu.memref_squeeze %dma_wait3A_233 : memref<1x100000xf32, #tpu.memory_space<hbm>> -> memref<100000xf32, #tpu.memory_space<hbm>>
        %dma_wait3A_235 = arith.constant 0 : i32
        %dma_wait3A_236 = tpu.memref_slice %dma_wait3A_234[%dma_wait3A_235] : memref<100000xf32, #tpu.memory_space<hbm>> -> memref<16xf32, #tpu.memory_space<hbm>>
        %dma_wait3A_237 = arith.constant 0 : i32
        %dma_wait3A_238 = tpu.memref_slice %arg7[%add3A_4, %dma_wait3A_237] : memref<64x100000xf32, #tpu.memory_space<hbm>> -> memref<1x100000xf32, #tpu.memory_space<hbm>>
        %dma_wait3A_239 = tpu.memref_squeeze %dma_wait3A_238 : memref<1x100000xf32, #tpu.memory_space<hbm>> -> memref<100000xf32, #tpu.memory_space<hbm>>
        %dma_wait3A_240 = arith.constant 0 : i32
        %dma_wait3A_241 = tpu.memref_slice %dma_wait3A_239[%dma_wait3A_240] : memref<100000xf32, #tpu.memory_space<hbm>> -> memref<16xf32, #tpu.memory_space<hbm>>
        tpu.wait_dma2 semaphore(%arg19 : memref<!tpu.dma_semaphore, #tpu.memory_space<semaphore_mem>>) src(%dma_wait3A_241 : memref<16xf32, #tpu.memory_space<hbm>>) dst(%arg18 : memref<16xf32, #tpu.memory_space<vmem>>)
        %dma_wait3A_242 = arith.constant 0 : i32
        %dma_wait3A_243 = tpu.memref_slice %arg7[%add3A_4, %dma_wait3A_242] : memref<64x100000xf32, #tpu.memory_space<hbm>> -> memref<1x100000xf32, #tpu.memory_space<hbm>>
        %dma_wait3A_244 = tpu.memref_squeeze %dma_wait3A_243 : memref<1x100000xf32, #tpu.memory_space<hbm>> -> memref<100000xf32, #tpu.memory_space<hbm>>
        %dma_wait3A_245 = arith.constant 0 : i32
        %dma_wait3A_246 = tpu.memref_slice %dma_wait3A_244[%dma_wait3A_245] : memref<100000xf32, #tpu.memory_space<hbm>> -> memref<16xf32, #tpu.memory_space<hbm>>
        %dma_wait3A_247 = arith.constant 0 : i32
        %dma_wait3A_248 = tpu.memref_slice %arg7[%add3A_4, %dma_wait3A_247] : memref<64x100000xf32, #tpu.memory_space<hbm>> -> memref<1x100000xf32, #tpu.memory_space<hbm>>
        %dma_wait3A_249 = tpu.memref_squeeze %dma_wait3A_248 : memref<1x100000xf32, #tpu.memory_space<hbm>> -> memref<100000xf32, #tpu.memory_space<hbm>>
        %dma_wait3A_250 = arith.constant 0 : i32
        %dma_wait3A_251 = tpu.memref_slice %dma_wait3A_249[%dma_wait3A_250] : memref<100000xf32, #tpu.memory_space<hbm>> -> memref<16xf32, #tpu.memory_space<hbm>>
        tpu.wait_dma2 semaphore(%arg19 : memref<!tpu.dma_semaphore, #tpu.memory_space<semaphore_mem>>) src(%dma_wait3A_251 : memref<16xf32, #tpu.memory_space<hbm>>) dst(%arg18 : memref<16xf32, #tpu.memory_space<vmem>>)
        %dma_wait3A_252 = arith.constant 0 : i32
        %dma_wait3A_253 = tpu.memref_slice %arg7[%add3A_4, %dma_wait3A_252] : memref<64x100000xf32, #tpu.memory_space<hbm>> -> memref<1x100000xf32, #tpu.memory_space<hbm>>
        %dma_wait3A_254 = tpu.memref_squeeze %dma_wait3A_253 : memref<1x100000xf32, #tpu.memory_space<hbm>> -> memref<100000xf32, #tpu.memory_space<hbm>>
        %dma_wait3A_255 = arith.constant 0 : i32
        %dma_wait3A_256 = tpu.memref_slice %dma_wait3A_254[%dma_wait3A_255] : memref<100000xf32, #tpu.memory_space<hbm>> -> memref<16xf32, #tpu.memory_space<hbm>>
        %dma_wait3A_257 = arith.constant 0 : i32
        %dma_wait3A_258 = tpu.memref_slice %arg7[%add3A_4, %dma_wait3A_257] : memref<64x100000xf32, #tpu.memory_space<hbm>> -> memref<1x100000xf32, #tpu.memory_space<hbm>>
        %dma_wait3A_259 = tpu.memref_squeeze %dma_wait3A_258 : memref<1x100000xf32, #tpu.memory_space<hbm>> -> memref<100000xf32, #tpu.memory_space<hbm>>
        %dma_wait3A_260 = arith.constant 0 : i32
        %dma_wait3A_261 = tpu.memref_slice %dma_wait3A_259[%dma_wait3A_260] : memref<100000xf32, #tpu.memory_space<hbm>> -> memref<16xf32, #tpu.memory_space<hbm>>
        tpu.wait_dma2 semaphore(%arg19 : memref<!tpu.dma_semaphore, #tpu.memory_space<semaphore_mem>>) src(%dma_wait3A_261 : memref<16xf32, #tpu.memory_space<hbm>>) dst(%arg18 : memref<16xf32, #tpu.memory_space<vmem>>)
        %dma_wait3A_262 = arith.constant 0 : i32
        %dma_wait3A_263 = tpu.memref_slice %arg7[%add3A_4, %dma_wait3A_262] : memref<64x100000xf32, #tpu.memory_space<hbm>> -> memref<1x100000xf32, #tpu.memory_space<hbm>>
        %dma_wait3A_264 = tpu.memref_squeeze %dma_wait3A_263 : memref<1x100000xf32, #tpu.memory_space<hbm>> -> memref<100000xf32, #tpu.memory_space<hbm>>
        %dma_wait3A_265 = arith.constant 0 : i32
        %dma_wait3A_266 = tpu.memref_slice %dma_wait3A_264[%dma_wait3A_265] : memref<100000xf32, #tpu.memory_space<hbm>> -> memref<16xf32, #tpu.memory_space<hbm>>
        %dma_wait3A_267 = arith.constant 0 : i32
        %dma_wait3A_268 = tpu.memref_slice %arg7[%add3A_4, %dma_wait3A_267] : memref<64x100000xf32, #tpu.memory_space<hbm>> -> memref<1x100000xf32, #tpu.memory_space<hbm>>
        %dma_wait3A_269 = tpu.memref_squeeze %dma_wait3A_268 : memref<1x100000xf32, #tpu.memory_space<hbm>> -> memref<100000xf32, #tpu.memory_space<hbm>>
        %dma_wait3A_270 = arith.constant 0 : i32
        %dma_wait3A_271 = tpu.memref_slice %dma_wait3A_269[%dma_wait3A_270] : memref<100000xf32, #tpu.memory_space<hbm>> -> memref<16xf32, #tpu.memory_space<hbm>>
        tpu.wait_dma2 semaphore(%arg19 : memref<!tpu.dma_semaphore, #tpu.memory_space<semaphore_mem>>) src(%dma_wait3A_271 : memref<16xf32, #tpu.memory_space<hbm>>) dst(%arg18 : memref<16xf32, #tpu.memory_space<vmem>>)
        %dma_wait3A_272 = arith.constant 0 : i32
        %dma_wait3A_273 = tpu.memref_slice %arg7[%add3A_4, %dma_wait3A_272] : memref<64x100000xf32, #tpu.memory_space<hbm>> -> memref<1x100000xf32, #tpu.memory_space<hbm>>
        %dma_wait3A_274 = tpu.memref_squeeze %dma_wait3A_273 : memref<1x100000xf32, #tpu.memory_space<hbm>> -> memref<100000xf32, #tpu.memory_space<hbm>>
        %dma_wait3A_275 = arith.constant 0 : i32
        %dma_wait3A_276 = tpu.memref_slice %dma_wait3A_274[%dma_wait3A_275] : memref<100000xf32, #tpu.memory_space<hbm>> -> memref<16xf32, #tpu.memory_space<hbm>>
        %dma_wait3A_277 = arith.constant 0 : i32
        %dma_wait3A_278 = tpu.memref_slice %arg7[%add3A_4, %dma_wait3A_277] : memref<64x100000xf32, #tpu.memory_space<hbm>> -> memref<1x100000xf32, #tpu.memory_space<hbm>>
        %dma_wait3A_279 = tpu.memref_squeeze %dma_wait3A_278 : memref<1x100000xf32, #tpu.memory_space<hbm>> -> memref<100000xf32, #tpu.memory_space<hbm>>
        %dma_wait3A_280 = arith.constant 0 : i32
        %dma_wait3A_281 = tpu.memref_slice %dma_wait3A_279[%dma_wait3A_280] : memref<100000xf32, #tpu.memory_space<hbm>> -> memref<16xf32, #tpu.memory_space<hbm>>
        tpu.wait_dma2 semaphore(%arg19 : memref<!tpu.dma_semaphore, #tpu.memory_space<semaphore_mem>>) src(%dma_wait3A_281 : memref<16xf32, #tpu.memory_space<hbm>>) dst(%arg18 : memref<16xf32, #tpu.memory_space<vmem>>)
        %dma_wait3A_282 = arith.constant 0 : i32
        %dma_wait3A_283 = tpu.memref_slice %arg7[%add3A_4, %dma_wait3A_282] : memref<64x100000xf32, #tpu.memory_space<hbm>> -> memref<1x100000xf32, #tpu.memory_space<hbm>>
        %dma_wait3A_284 = tpu.memref_squeeze %dma_wait3A_283 : memref<1x100000xf32, #tpu.memory_space<hbm>> -> memref<100000xf32, #tpu.memory_space<hbm>>
        %dma_wait3A_285 = arith.constant 0 : i32
        %dma_wait3A_286 = tpu.memref_slice %dma_wait3A_284[%dma_wait3A_285] : memref<100000xf32, #tpu.memory_space<hbm>> -> memref<16xf32, #tpu.memory_space<hbm>>
        %dma_wait3A_287 = arith.constant 0 : i32
        %dma_wait3A_288 = tpu.memref_slice %arg7[%add3A_4, %dma_wait3A_287] : memref<64x100000xf32, #tpu.memory_space<hbm>> -> memref<1x100000xf32, #tpu.memory_space<hbm>>
        %dma_wait3A_289 = tpu.memref_squeeze %dma_wait3A_288 : memref<1x100000xf32, #tpu.memory_space<hbm>> -> memref<100000xf32, #tpu.memory_space<hbm>>
        %dma_wait3A_290 = arith.constant 0 : i32
        %dma_wait3A_291 = tpu.memref_slice %dma_wait3A_289[%dma_wait3A_290] : memref<100000xf32, #tpu.memory_space<hbm>> -> memref<16xf32, #tpu.memory_space<hbm>>
        tpu.wait_dma2 semaphore(%arg19 : memref<!tpu.dma_semaphore, #tpu.memory_space<semaphore_mem>>) src(%dma_wait3A_291 : memref<16xf32, #tpu.memory_space<hbm>>) dst(%arg18 : memref<16xf32, #tpu.memory_space<vmem>>)
        %dma_wait3A_292 = arith.constant 0 : i32
        %dma_wait3A_293 = tpu.memref_slice %arg7[%add3A_4, %dma_wait3A_292] : memref<64x100000xf32, #tpu.memory_space<hbm>> -> memref<1x100000xf32, #tpu.memory_space<hbm>>
        %dma_wait3A_294 = tpu.memref_squeeze %dma_wait3A_293 : memref<1x100000xf32, #tpu.memory_space<hbm>> -> memref<100000xf32, #tpu.memory_space<hbm>>
        %dma_wait3A_295 = arith.constant 0 : i32
        %dma_wait3A_296 = tpu.memref_slice %dma_wait3A_294[%dma_wait3A_295] : memref<100000xf32, #tpu.memory_space<hbm>> -> memref<16xf32, #tpu.memory_space<hbm>>
        %dma_wait3A_297 = arith.constant 0 : i32
        %dma_wait3A_298 = tpu.memref_slice %arg7[%add3A_4, %dma_wait3A_297] : memref<64x100000xf32, #tpu.memory_space<hbm>> -> memref<1x100000xf32, #tpu.memory_space<hbm>>
        %dma_wait3A_299 = tpu.memref_squeeze %dma_wait3A_298 : memref<1x100000xf32, #tpu.memory_space<hbm>> -> memref<100000xf32, #tpu.memory_space<hbm>>
        %dma_wait3A_300 = arith.constant 0 : i32
        %dma_wait3A_301 = tpu.memref_slice %dma_wait3A_299[%dma_wait3A_300] : memref<100000xf32, #tpu.memory_space<hbm>> -> memref<16xf32, #tpu.memory_space<hbm>>
        tpu.wait_dma2 semaphore(%arg19 : memref<!tpu.dma_semaphore, #tpu.memory_space<semaphore_mem>>) src(%dma_wait3A_301 : memref<16xf32, #tpu.memory_space<hbm>>) dst(%arg18 : memref<16xf32, #tpu.memory_space<vmem>>)
        %dma_wait3A_302 = arith.constant 0 : i32
        %dma_wait3A_303 = tpu.memref_slice %arg7[%add3A_4, %dma_wait3A_302] : memref<64x100000xf32, #tpu.memory_space<hbm>> -> memref<1x100000xf32, #tpu.memory_space<hbm>>
        %dma_wait3A_304 = tpu.memref_squeeze %dma_wait3A_303 : memref<1x100000xf32, #tpu.memory_space<hbm>> -> memref<100000xf32, #tpu.memory_space<hbm>>
        %dma_wait3A_305 = arith.constant 0 : i32
        %dma_wait3A_306 = tpu.memref_slice %dma_wait3A_304[%dma_wait3A_305] : memref<100000xf32, #tpu.memory_space<hbm>> -> memref<16xf32, #tpu.memory_space<hbm>>
        %dma_wait3A_307 = arith.constant 0 : i32
        %dma_wait3A_308 = tpu.memref_slice %arg7[%add3A_4, %dma_wait3A_307] : memref<64x100000xf32, #tpu.memory_space<hbm>> -> memref<1x100000xf32, #tpu.memory_space<hbm>>
        %dma_wait3A_309 = tpu.memref_squeeze %dma_wait3A_308 : memref<1x100000xf32, #tpu.memory_space<hbm>> -> memref<100000xf32, #tpu.memory_space<hbm>>
        %dma_wait3A_310 = arith.constant 0 : i32
        %dma_wait3A_311 = tpu.memref_slice %dma_wait3A_309[%dma_wait3A_310] : memref<100000xf32, #tpu.memory_space<hbm>> -> memref<16xf32, #tpu.memory_space<hbm>>
        tpu.wait_dma2 semaphore(%arg19 : memref<!tpu.dma_semaphore, #tpu.memory_space<semaphore_mem>>) src(%dma_wait3A_311 : memref<16xf32, #tpu.memory_space<hbm>>) dst(%arg18 : memref<16xf32, #tpu.memory_space<vmem>>)
        %dma_wait3A_312 = arith.constant 0 : i32
        %dma_wait3A_313 = tpu.memref_slice %arg7[%add3A_4, %dma_wait3A_312] : memref<64x100000xf32, #tpu.memory_space<hbm>> -> memref<1x100000xf32, #tpu.memory_space<hbm>>
        %dma_wait3A_314 = tpu.memref_squeeze %dma_wait3A_313 : memref<1x100000xf32, #tpu.memory_space<hbm>> -> memref<100000xf32, #tpu.memory_space<hbm>>
        %dma_wait3A_315 = arith.constant 0 : i32
        %dma_wait3A_316 = tpu.memref_slice %dma_wait3A_314[%dma_wait3A_315] : memref<100000xf32, #tpu.memory_space<hbm>> -> memref<16xf32, #tpu.memory_space<hbm>>
        %dma_wait3A_317 = arith.constant 0 : i32
        %dma_wait3A_318 = tpu.memref_slice %arg7[%add3A_4, %dma_wait3A_317] : memref<64x100000xf32, #tpu.memory_space<hbm>> -> memref<1x100000xf32, #tpu.memory_space<hbm>>
        %dma_wait3A_319 = tpu.memref_squeeze %dma_wait3A_318 : memref<1x100000xf32, #tpu.memory_space<hbm>> -> memref<100000xf32, #tpu.memory_space<hbm>>
        %dma_wait3A_320 = arith.constant 0 : i32
        %dma_wait3A_321 = tpu.memref_slice %dma_wait3A_319[%dma_wait3A_320] : memref<100000xf32, #tpu.memory_space<hbm>> -> memref<16xf32, #tpu.memory_space<hbm>>
        tpu.wait_dma2 semaphore(%arg19 : memref<!tpu.dma_semaphore, #tpu.memory_space<semaphore_mem>>) src(%dma_wait3A_321 : memref<16xf32, #tpu.memory_space<hbm>>) dst(%arg18 : memref<16xf32, #tpu.memory_space<vmem>>)
      } else {
      }
    }
    %scan3A_62 = arith.constant 27 : i32
    "tpu.region"() ({
      %run_scoped3A = tpu.sem_alloc : memref<!tpu.dma_semaphore, #tpu.memory_space<semaphore_mem>>
      %dma_start3A = arith.constant 0 : i32
      %dma_start3A_155 = tpu.memref_slice %arg5[%add3A_4, %dma_start3A] : memref<64x16xf32, #tpu.memory_space<hbm>> -> memref<1x16xf32, #tpu.memory_space<hbm>>
      %dma_start3A_156 = tpu.memref_squeeze %dma_start3A_155 : memref<1x16xf32, #tpu.memory_space<hbm>> -> memref<16xf32, #tpu.memory_space<hbm>>
      %dma_start3A_157 = arith.constant 0 : i32
      %dma_start3A_158 = tpu.memref_slice %arg5[%add3A_4, %dma_start3A_157] : memref<64x16xf32, #tpu.memory_space<hbm>> -> memref<1x16xf32, #tpu.memory_space<hbm>>
      %dma_start3A_159 = tpu.memref_squeeze %dma_start3A_158 : memref<1x16xf32, #tpu.memory_space<hbm>> -> memref<16xf32, #tpu.memory_space<hbm>>
      tpu.enqueue_dma source(%dma_start3A_159 : memref<16xf32, #tpu.memory_space<hbm>>) target(%arg17 : memref<16xf32, #tpu.memory_space<vmem>>) target_semaphore(%run_scoped3A : memref<!tpu.dma_semaphore, #tpu.memory_space<semaphore_mem>>)
      %dma_wait3A = arith.constant 0 : i32
      %dma_wait3A_160 = tpu.memref_slice %arg5[%add3A_4, %dma_wait3A] : memref<64x16xf32, #tpu.memory_space<hbm>> -> memref<1x16xf32, #tpu.memory_space<hbm>>
      %dma_wait3A_161 = tpu.memref_squeeze %dma_wait3A_160 : memref<1x16xf32, #tpu.memory_space<hbm>> -> memref<16xf32, #tpu.memory_space<hbm>>
      %dma_wait3A_162 = arith.constant 0 : i32
      %dma_wait3A_163 = tpu.memref_slice %arg5[%add3A_4, %dma_wait3A_162] : memref<64x16xf32, #tpu.memory_space<hbm>> -> memref<1x16xf32, #tpu.memory_space<hbm>>
      %dma_wait3A_164 = tpu.memref_squeeze %dma_wait3A_163 : memref<1x16xf32, #tpu.memory_space<hbm>> -> memref<16xf32, #tpu.memory_space<hbm>>
      tpu.wait_dma2 semaphore(%run_scoped3A : memref<!tpu.dma_semaphore, #tpu.memory_space<semaphore_mem>>) src(%dma_wait3A_164 : memref<16xf32, #tpu.memory_space<hbm>>) dst(%arg17 : memref<16xf32, #tpu.memory_space<vmem>>)
      tpu.yield
    }) : () -> ()
    %get3A_63 = arith.constant 0 : index
    %get3A_64 = tpu.vector_load %arg17[%get3A_63] {strides = array<i32>} : memref<16xf32, #tpu.memory_space<vmem>>, vector<16xf32>,
    %exp3A = math.exp %get3A_64 : vector<16xf32>
    %mul3A_65 = arith.mulf %sub3A_30, %exp3A : vector<16xf32>
    %add3A_66 = arith.constant 1.000000e-10 : f32
    %add3A_67 = vector.broadcast %add3A_66 : f32 to vector<16xf32>
    %add3A_68 = arith.addf %mul3A_65, %add3A_67 : vector<16xf32>
    "tpu.region"() ({
      %run_scoped3A = tpu.sem_alloc : memref<!tpu.dma_semaphore, #tpu.memory_space<semaphore_mem>>
      %dma_start3A = arith.constant 0 : i32
      %dma_start3A_155 = tpu.memref_slice %arg6[%add3A_4, %dma_start3A] : memref<64x16xi32, #tpu.memory_space<hbm>> -> memref<1x16xi32, #tpu.memory_space<hbm>>
      %dma_start3A_156 = tpu.memref_squeeze %dma_start3A_155 : memref<1x16xi32, #tpu.memory_space<hbm>> -> memref<16xi32, #tpu.memory_space<hbm>>
      %dma_start3A_157 = arith.constant 0 : i32
      %dma_start3A_158 = tpu.memref_slice %arg6[%add3A_4, %dma_start3A_157] : memref<64x16xi32, #tpu.memory_space<hbm>> -> memref<1x16xi32, #tpu.memory_space<hbm>>
      %dma_start3A_159 = tpu.memref_squeeze %dma_start3A_158 : memref<1x16xi32, #tpu.memory_space<hbm>> -> memref<16xi32, #tpu.memory_space<hbm>>
      tpu.enqueue_dma source(%dma_start3A_159 : memref<16xi32, #tpu.memory_space<hbm>>) target(%arg16 : memref<16xi32, #tpu.memory_space<vmem>>) target_semaphore(%run_scoped3A : memref<!tpu.dma_semaphore, #tpu.memory_space<semaphore_mem>>)
      %dma_wait3A = arith.constant 0 : i32
      %dma_wait3A_160 = tpu.memref_slice %arg6[%add3A_4, %dma_wait3A] : memref<64x16xi32, #tpu.memory_space<hbm>> -> memref<1x16xi32, #tpu.memory_space<hbm>>
      %dma_wait3A_161 = tpu.memref_squeeze %dma_wait3A_160 : memref<1x16xi32, #tpu.memory_space<hbm>> -> memref<16xi32, #tpu.memory_space<hbm>>
      %dma_wait3A_162 = arith.constant 0 : i32
      %dma_wait3A_163 = tpu.memref_slice %arg6[%add3A_4, %dma_wait3A_162] : memref<64x16xi32, #tpu.memory_space<hbm>> -> memref<1x16xi32, #tpu.memory_space<hbm>>
      %dma_wait3A_164 = tpu.memref_squeeze %dma_wait3A_163 : memref<1x16xi32, #tpu.memory_space<hbm>> -> memref<16xi32, #tpu.memory_space<hbm>>
      tpu.wait_dma2 semaphore(%run_scoped3A : memref<!tpu.dma_semaphore, #tpu.memory_space<semaphore_mem>>) src(%dma_wait3A_164 : memref<16xi32, #tpu.memory_space<hbm>>) dst(%arg16 : memref<16xi32, #tpu.memory_space<vmem>>)
      tpu.yield
    }) : () -> ()
    %get3A_69 = arith.constant 0 : index
    %get3A_70 = tpu.vector_load %arg16[%get3A_69] {strides = array<i32>} : memref<16xi32, #tpu.memory_space<vmem>>, vector<16xi32>,
    %broadcast_in_dim3A_71 = vector.broadcast %reduce_min3A_56 : i32 to vector<16xi32>
    %ge3A = arith.cmpf oge, %broadcast_in_dim3A_41, %add3A_68 : vector<16xf32>
    %select_n3A = arith.select %ge3A, %broadcast_in_dim3A_71, %get3A_70 : vector<16xi1>, vector<16xi32>
    %swap3A = arith.constant 0 : index
    %swap3A_72 = tpu.vector_load %arg16[%swap3A] {strides = array<i32>} : memref<16xi32, #tpu.memory_space<vmem>>, vector<16xi32>,
    tpu.vector_store %arg16[%swap3A], %select_n3A {strides = array<i32>} : memref<16xi32, #tpu.memory_space<vmem>>, vector<16xi32>,
    "tpu.region"() ({
      %run_scoped3A = tpu.sem_alloc : memref<!tpu.dma_semaphore, #tpu.memory_space<semaphore_mem>>
      %dma_start3A = arith.constant 0 : i32
      %dma_start3A_155 = tpu.memref_slice %arg9[%add3A_4, %dma_start3A] : memref<64x16xi32, #tpu.memory_space<hbm>> -> memref<1x16xi32, #tpu.memory_space<hbm>>
      %dma_start3A_156 = tpu.memref_squeeze %dma_start3A_155 : memref<1x16xi32, #tpu.memory_space<hbm>> -> memref<16xi32, #tpu.memory_space<hbm>>
      %dma_start3A_157 = arith.constant 0 : i32
      %dma_start3A_158 = tpu.memref_slice %arg9[%add3A_4, %dma_start3A_157] : memref<64x16xi32, #tpu.memory_space<hbm>> -> memref<1x16xi32, #tpu.memory_space<hbm>>
      %dma_start3A_159 = tpu.memref_squeeze %dma_start3A_158 : memref<1x16xi32, #tpu.memory_space<hbm>> -> memref<16xi32, #tpu.memory_space<hbm>>
      tpu.enqueue_dma source(%arg16 : memref<16xi32, #tpu.memory_space<vmem>>) target(%dma_start3A_159 : memref<16xi32, #tpu.memory_space<hbm>>) target_semaphore(%run_scoped3A : memref<!tpu.dma_semaphore, #tpu.memory_space<semaphore_mem>>)
      %dma_wait3A = arith.constant 0 : i32
      %dma_wait3A_160 = tpu.memref_slice %arg9[%add3A_4, %dma_wait3A] : memref<64x16xi32, #tpu.memory_space<hbm>> -> memref<1x16xi32, #tpu.memory_space<hbm>>
      %dma_wait3A_161 = tpu.memref_squeeze %dma_wait3A_160 : memref<1x16xi32, #tpu.memory_space<hbm>> -> memref<16xi32, #tpu.memory_space<hbm>>
      %dma_wait3A_162 = arith.constant 0 : i32
      %dma_wait3A_163 = tpu.memref_slice %arg9[%add3A_4, %dma_wait3A_162] : memref<64x16xi32, #tpu.memory_space<hbm>> -> memref<1x16xi32, #tpu.memory_space<hbm>>
      %dma_wait3A_164 = tpu.memref_squeeze %dma_wait3A_163 : memref<1x16xi32, #tpu.memory_space<hbm>> -> memref<16xi32, #tpu.memory_space<hbm>>
      tpu.wait_dma2 semaphore(%run_scoped3A : memref<!tpu.dma_semaphore, #tpu.memory_space<semaphore_mem>>) src(%arg16 : memref<16xi32, #tpu.memory_space<vmem>>) dst(%dma_wait3A_164 : memref<16xi32, #tpu.memory_space<hbm>>)
      tpu.yield
    }) : () -> ()
    %mul3A_73 = arith.constant 2 : i32
    %mul3A_74 = arith.muli %add3A, %mul3A_73 : i32
    %add3A_75 = arith.constant 1 : i32
    %add3A_76 = arith.addi %mul3A_74, %add3A_75 : i32
    "tpu.region"() ({
      %run_scoped3A = tpu.sem_alloc : memref<!tpu.dma_semaphore, #tpu.memory_space<semaphore_mem>>
      %dma_start3A = arith.constant 0 : i32
      %dma_start3A_155 = tpu.memref_slice %arg7[%add3A_76, %dma_start3A] : memref<64x100000xf32, #tpu.memory_space<hbm>> -> memref<1x100000xf32, #tpu.memory_space<hbm>>
      %dma_start3A_156 = tpu.memref_squeeze %dma_start3A_155 : memref<1x100000xf32, #tpu.memory_space<hbm>> -> memref<100000xf32, #tpu.memory_space<hbm>>
      %dma_start3A_157 = arith.constant 0 : i32
      %dma_start3A_158 = tpu.memref_slice %arg7[%add3A_76, %dma_start3A_157] : memref<64x100000xf32, #tpu.memory_space<hbm>> -> memref<1x100000xf32, #tpu.memory_space<hbm>>
      %dma_start3A_159 = tpu.memref_squeeze %dma_start3A_158 : memref<1x100000xf32, #tpu.memory_space<hbm>> -> memref<100000xf32, #tpu.memory_space<hbm>>
      tpu.enqueue_dma source(%dma_start3A_159 : memref<100000xf32, #tpu.memory_space<hbm>>) target(%arg15 : memref<100000xf32, #tpu.memory_space<vmem>>) target_semaphore(%run_scoped3A : memref<!tpu.dma_semaphore, #tpu.memory_space<semaphore_mem>>)
      %dma_wait3A = arith.constant 0 : i32
      %dma_wait3A_160 = tpu.memref_slice %arg7[%add3A_76, %dma_wait3A] : memref<64x100000xf32, #tpu.memory_space<hbm>> -> memref<1x100000xf32, #tpu.memory_space<hbm>>
      %dma_wait3A_161 = tpu.memref_squeeze %dma_wait3A_160 : memref<1x100000xf32, #tpu.memory_space<hbm>> -> memref<100000xf32, #tpu.memory_space<hbm>>
      %dma_wait3A_162 = arith.constant 0 : i32
      %dma_wait3A_163 = tpu.memref_slice %arg7[%add3A_76, %dma_wait3A_162] : memref<64x100000xf32, #tpu.memory_space<hbm>> -> memref<1x100000xf32, #tpu.memory_space<hbm>>
      %dma_wait3A_164 = tpu.memref_squeeze %dma_wait3A_163 : memref<1x100000xf32, #tpu.memory_space<hbm>> -> memref<100000xf32, #tpu.memory_space<hbm>>
      tpu.wait_dma2 semaphore(%run_scoped3A : memref<!tpu.dma_semaphore, #tpu.memory_space<semaphore_mem>>) src(%dma_wait3A_164 : memref<100000xf32, #tpu.memory_space<hbm>>) dst(%arg15 : memref<100000xf32, #tpu.memory_space<vmem>>)
      tpu.yield
    }) : () -> ()
    "tpu.region"() ({
      %run_scoped3A = tpu.sem_alloc : memref<!tpu.dma_semaphore, #tpu.memory_space<semaphore_mem>>
      %dma_start3A = arith.constant 0 : i32
      %dma_start3A_155 = tpu.memref_slice %arg3[%add3A_76, %dma_start3A] : memref<64x400xi32, #tpu.memory_space<hbm>> -> memref<1x400xi32, #tpu.memory_space<hbm>>
      %dma_start3A_156 = tpu.memref_squeeze %dma_start3A_155 : memref<1x400xi32, #tpu.memory_space<hbm>> -> memref<400xi32, #tpu.memory_space<hbm>>
      %dma_start3A_157 = arith.constant 0 : i32
      %dma_start3A_158 = tpu.memref_slice %arg3[%add3A_76, %dma_start3A_157] : memref<64x400xi32, #tpu.memory_space<hbm>> -> memref<1x400xi32, #tpu.memory_space<hbm>>
      %dma_start3A_159 = tpu.memref_squeeze %dma_start3A_158 : memref<1x400xi32, #tpu.memory_space<hbm>> -> memref<400xi32, #tpu.memory_space<hbm>>
      tpu.enqueue_dma source(%dma_start3A_159 : memref<400xi32, #tpu.memory_space<hbm>>) target(%arg10 : memref<400xi32, #tpu.memory_space<vmem>>) target_semaphore(%run_scoped3A : memref<!tpu.dma_semaphore, #tpu.memory_space<semaphore_mem>>)
      %dma_wait3A = arith.constant 0 : i32
      %dma_wait3A_160 = tpu.memref_slice %arg3[%add3A_76, %dma_wait3A] : memref<64x400xi32, #tpu.memory_space<hbm>> -> memref<1x400xi32, #tpu.memory_space<hbm>>
      %dma_wait3A_161 = tpu.memref_squeeze %dma_wait3A_160 : memref<1x400xi32, #tpu.memory_space<hbm>> -> memref<400xi32, #tpu.memory_space<hbm>>
      %dma_wait3A_162 = arith.constant 0 : i32
      %dma_wait3A_163 = tpu.memref_slice %arg3[%add3A_76, %dma_wait3A_162] : memref<64x400xi32, #tpu.memory_space<hbm>> -> memref<1x400xi32, #tpu.memory_space<hbm>>
      %dma_wait3A_164 = tpu.memref_squeeze %dma_wait3A_163 : memref<1x400xi32, #tpu.memory_space<hbm>> -> memref<400xi32, #tpu.memory_space<hbm>>
      tpu.wait_dma2 semaphore(%run_scoped3A : memref<!tpu.dma_semaphore, #tpu.memory_space<semaphore_mem>>) src(%dma_wait3A_164 : memref<400xi32, #tpu.memory_space<hbm>>) dst(%arg10 : memref<400xi32, #tpu.memory_space<vmem>>)
      tpu.yield
    }) : () -> ()
    "tpu.region"() ({
      %run_scoped3A = tpu.sem_alloc : memref<!tpu.dma_semaphore, #tpu.memory_space<semaphore_mem>>
      %dma_start3A = arith.constant 0 : i32
      %dma_start3A_155 = tpu.memref_slice %arg2[%add3A_76, %dma_start3A] : memref<64x400xf32, #tpu.memory_space<hbm>> -> memref<1x400xf32, #tpu.memory_space<hbm>>
      %dma_start3A_156 = tpu.memref_squeeze %dma_start3A_155 : memref<1x400xf32, #tpu.memory_space<hbm>> -> memref<400xf32, #tpu.memory_space<hbm>>
      %dma_start3A_157 = arith.constant 0 : i32
      %dma_start3A_158 = tpu.memref_slice %arg2[%add3A_76, %dma_start3A_157] : memref<64x400xf32, #tpu.memory_space<hbm>> -> memref<1x400xf32, #tpu.memory_space<hbm>>
      %dma_start3A_159 = tpu.memref_squeeze %dma_start3A_158 : memref<1x400xf32, #tpu.memory_space<hbm>> -> memref<400xf32, #tpu.memory_space<hbm>>
      tpu.enqueue_dma source(%dma_start3A_159 : memref<400xf32, #tpu.memory_space<hbm>>) target(%arg11 : memref<400xf32, #tpu.memory_space<vmem>>) target_semaphore(%run_scoped3A : memref<!tpu.dma_semaphore, #tpu.memory_space<semaphore_mem>>)
      %dma_wait3A = arith.constant 0 : i32
      %dma_wait3A_160 = tpu.memref_slice %arg2[%add3A_76, %dma_wait3A] : memref<64x400xf32, #tpu.memory_space<hbm>> -> memref<1x400xf32, #tpu.memory_space<hbm>>
      %dma_wait3A_161 = tpu.memref_squeeze %dma_wait3A_160 : memref<1x400xf32, #tpu.memory_space<hbm>> -> memref<400xf32, #tpu.memory_space<hbm>>
      %dma_wait3A_162 = arith.constant 0 : i32
      %dma_wait3A_163 = tpu.memref_slice %arg2[%add3A_76, %dma_wait3A_162] : memref<64x400xf32, #tpu.memory_space<hbm>> -> memref<1x400xf32, #tpu.memory_space<hbm>>
      %dma_wait3A_164 = tpu.memref_squeeze %dma_wait3A_163 : memref<1x400xf32, #tpu.memory_space<hbm>> -> memref<400xf32, #tpu.memory_space<hbm>>
      tpu.wait_dma2 semaphore(%run_scoped3A : memref<!tpu.dma_semaphore, #tpu.memory_space<semaphore_mem>>) src(%dma_wait3A_164 : memref<400xf32, #tpu.memory_space<hbm>>) dst(%arg11 : memref<400xf32, #tpu.memory_space<vmem>>)
      tpu.yield
    }) : () -> ()
    %scan3A_77 = arith.constant 0 : i32
    %scan3A_78 = arith.constant 0 : i32
    %scan3A_79 = arith.constant 25 : i32
    %scan3A_80 = arith.addi %scan3A_78, %scan3A_79 : i32
    %scan3A_81 = arith.constant 1 : i32
    scf.for %scan3A_155 = %scan3A_78 to %scan3A_80 step %scan3A_81  : i32 {
      %mul3A_156 = arith.constant 16 : i32
      %mul3A_157 = arith.muli %scan3A_155, %mul3A_156 : i32
      %multiple_of3A = tpu.assume_multiple %mul3A_157, 16 : i32
      %get3A_158 = arith.index_cast %multiple_of3A : i32 to index
      %get3A_159 = tpu.vector_load %arg10[%get3A_158] {strides = array<i32>} : memref<400xi32, #tpu.memory_space<vmem>>, vector<16xi32>,
      %gather3A = tpu.vector_load_idx %arg15[%get3A_159] : memref<100000xf32, #tpu.memory_space<vmem>>[vector<16xi32>], vector<16xf32>,
      %mul3A_160 = arith.constant 16 : i32
      %mul3A_161 = arith.muli %scan3A_155, %mul3A_160 : i32
      %multiple_of3A_162 = tpu.assume_multiple %mul3A_161, 16 : i32
      %swap3A_163 = arith.index_cast %multiple_of3A_162 : i32 to index
      %swap3A_164 = tpu.vector_load %arg12[%swap3A_163] {strides = array<i32>} : memref<400xf32, #tpu.memory_space<vmem>>, vector<16xf32>,
      tpu.vector_store %arg12[%swap3A_163], %gather3A {strides = array<i32>} : memref<400xf32, #tpu.memory_space<vmem>>, vector<16xf32>,
    }
    %scan3A_82 = arith.constant 25 : i32
    %scan3A_83 = arith.constant 0 : i32
    %scan3A_84 = arith.constant 0 : i32
    %scan3A_85 = arith.constant 25 : i32
    %scan3A_86 = arith.addi %scan3A_84, %scan3A_85 : i32
    %scan3A_87 = arith.constant 1 : i32
    scf.for %scan3A_155 = %scan3A_84 to %scan3A_86 step %scan3A_87  : i32 {
      %mul3A_156 = arith.constant 16 : i32
      %mul3A_157 = arith.muli %scan3A_155, %mul3A_156 : i32
      %multiple_of3A = tpu.assume_multiple %mul3A_157, 16 : i32
      %get3A_158 = arith.index_cast %multiple_of3A : i32 to index
      %get3A_159 = tpu.vector_load %arg10[%get3A_158] {strides = array<i32>} : memref<400xi32, #tpu.memory_space<vmem>>, vector<16xi32>,
      %broadcast_in_dim3A_160 = arith.constant 0.000000e+00 : f32
      %broadcast_in_dim3A_161 = vector.broadcast %broadcast_in_dim3A_160 : f32 to vector<16xf32>
      tpu.vector_store_idx %arg15[%get3A_159], %broadcast_in_dim3A_161 : memref<100000xf32, #tpu.memory_space<vmem>>[vector<16xi32>], vector<16xf32>,
    }
    %scan3A_88 = arith.constant 25 : i32
    %scan3A_89 = arith.constant 0 : i32
    %scan3A_90 = arith.constant 0 : i32
    %scan3A_91 = arith.constant 25 : i32
    %scan3A_92 = arith.addi %scan3A_90, %scan3A_91 : i32
    %scan3A_93 = arith.constant 1 : i32
    scf.for %scan3A_155 = %scan3A_90 to %scan3A_92 step %scan3A_93  : i32 {
      %mul3A_156 = arith.constant 16 : i32
      %mul3A_157 = arith.muli %scan3A_155, %mul3A_156 : i32
      %multiple_of3A = tpu.assume_multiple %mul3A_157, 16 : i32
      %get3A_158 = arith.index_cast %multiple_of3A : i32 to index
      %get3A_159 = tpu.vector_load %arg10[%get3A_158] {strides = array<i32>} : memref<400xi32, #tpu.memory_space<vmem>>, vector<16xi32>,
      %mul3A_160 = arith.constant 16 : i32
      %mul3A_161 = arith.muli %scan3A_155, %mul3A_160 : i32
      %multiple_of3A_162 = tpu.assume_multiple %mul3A_161, 16 : i32
      %get3A_163 = arith.index_cast %multiple_of3A_162 : i32 to index
      %get3A_164 = tpu.vector_load %arg11[%get3A_163] {strides = array<i32>} : memref<400xf32, #tpu.memory_space<vmem>>, vector<16xf32>,
      tpu.vector_store_idx %arg15[%get3A_159], %get3A_164 {add = true} : memref<100000xf32, #tpu.memory_space<vmem>>[vector<16xi32>], vector<16xf32>,
    }
    %scan3A_94 = arith.constant 25 : i32
    %scan3A_95 = arith.constant 0 : i32
    %scan3A_96 = arith.constant 0 : i32
    %scan3A_97 = arith.constant 25 : i32
    %scan3A_98 = arith.addi %scan3A_96, %scan3A_97 : i32
    %scan3A_99 = arith.constant 1 : i32
    scf.for %scan3A_155 = %scan3A_96 to %scan3A_98 step %scan3A_99  : i32 {
      %mul3A_156 = arith.constant 16 : i32
      %mul3A_157 = arith.muli %scan3A_155, %mul3A_156 : i32
      %multiple_of3A = tpu.assume_multiple %mul3A_157, 16 : i32
      %get3A_158 = arith.index_cast %multiple_of3A : i32 to index
      %get3A_159 = tpu.vector_load %arg10[%get3A_158] {strides = array<i32>} : memref<400xi32, #tpu.memory_space<vmem>>, vector<16xi32>,
      %gather3A = tpu.vector_load_idx %arg15[%get3A_159] : memref<100000xf32, #tpu.memory_space<vmem>>[vector<16xi32>], vector<16xf32>,
      %mul3A_160 = arith.constant 16 : i32
      %mul3A_161 = arith.muli %scan3A_155, %mul3A_160 : i32
      %multiple_of3A_162 = tpu.assume_multiple %mul3A_161, 16 : i32
      %swap3A_163 = arith.index_cast %multiple_of3A_162 : i32 to index
      %swap3A_164 = tpu.vector_load %arg13[%swap3A_163] {strides = array<i32>} : memref<400xf32, #tpu.memory_space<vmem>>, vector<16xf32>,
      tpu.vector_store %arg13[%swap3A_163], %gather3A {strides = array<i32>} : memref<400xf32, #tpu.memory_space<vmem>>, vector<16xf32>,
    }
    %scan3A_100 = arith.constant 25 : i32
    "tpu.region"() ({
      %run_scoped3A = tpu.sem_alloc : memref<!tpu.dma_semaphore, #tpu.memory_space<semaphore_mem>>
      %dma_start3A = arith.constant 0 : i32
      %dma_start3A_155 = tpu.memref_slice %arg4[%add3A_76, %dma_start3A] : memref<64x16xf32, #tpu.memory_space<hbm>> -> memref<1x16xf32, #tpu.memory_space<hbm>>
      %dma_start3A_156 = tpu.memref_squeeze %dma_start3A_155 : memref<1x16xf32, #tpu.memory_space<hbm>> -> memref<16xf32, #tpu.memory_space<hbm>>
      %dma_start3A_157 = arith.constant 0 : i32
      %dma_start3A_158 = tpu.memref_slice %arg4[%add3A_76, %dma_start3A_157] : memref<64x16xf32, #tpu.memory_space<hbm>> -> memref<1x16xf32, #tpu.memory_space<hbm>>
      %dma_start3A_159 = tpu.memref_squeeze %dma_start3A_158 : memref<1x16xf32, #tpu.memory_space<hbm>> -> memref<16xf32, #tpu.memory_space<hbm>>
      tpu.enqueue_dma source(%dma_start3A_159 : memref<16xf32, #tpu.memory_space<hbm>>) target(%arg17 : memref<16xf32, #tpu.memory_space<vmem>>) target_semaphore(%run_scoped3A : memref<!tpu.dma_semaphore, #tpu.memory_space<semaphore_mem>>)
      %dma_wait3A = arith.constant 0 : i32
      %dma_wait3A_160 = tpu.memref_slice %arg4[%add3A_76, %dma_wait3A] : memref<64x16xf32, #tpu.memory_space<hbm>> -> memref<1x16xf32, #tpu.memory_space<hbm>>
      %dma_wait3A_161 = tpu.memref_squeeze %dma_wait3A_160 : memref<1x16xf32, #tpu.memory_space<hbm>> -> memref<16xf32, #tpu.memory_space<hbm>>
      %dma_wait3A_162 = arith.constant 0 : i32
      %dma_wait3A_163 = tpu.memref_slice %arg4[%add3A_76, %dma_wait3A_162] : memref<64x16xf32, #tpu.memory_space<hbm>> -> memref<1x16xf32, #tpu.memory_space<hbm>>
      %dma_wait3A_164 = tpu.memref_squeeze %dma_wait3A_163 : memref<1x16xf32, #tpu.memory_space<hbm>> -> memref<16xf32, #tpu.memory_space<hbm>>
      tpu.wait_dma2 semaphore(%run_scoped3A : memref<!tpu.dma_semaphore, #tpu.memory_space<semaphore_mem>>) src(%dma_wait3A_164 : memref<16xf32, #tpu.memory_space<hbm>>) dst(%arg17 : memref<16xf32, #tpu.memory_space<vmem>>)
      tpu.yield
    }) : () -> ()
    %get3A_101 = arith.constant 0 : index
    %get3A_102 = tpu.vector_load %arg17[%get3A_101] {strides = array<i32>} : memref<16xf32, #tpu.memory_space<vmem>>, vector<16xf32>,
    %sub3A_103 = arith.constant 1.000000e+00 : f32
    %sub3A_104 = vector.broadcast %sub3A_103 : f32 to vector<16xf32>
    %sub3A_105 = arith.subf %sub3A_104, %get3A_102 : vector<16xf32>
    %broadcast_in_dim3A_106 = arith.constant -1.000000e+30 : f32
    %broadcast_in_dim3A_107 = vector.broadcast %broadcast_in_dim3A_106 : f32 to vector<16xf32>
    %scan3A_108 = arith.constant 0 : i32
    %scan3A_109 = arith.constant 25 : i32
    %scan3A_110 = arith.addi %scan3A_108, %scan3A_109 : i32
    %scan3A_111 = arith.constant 1 : i32
    %scan3A_112 = scf.for %scan3A_155 = %scan3A_108 to %scan3A_110 step %scan3A_111 iter_args(%scan3A_156 = %broadcast_in_dim3A_107) -> (vector<16xf32>)  : i32 {
      %mul3A_157 = arith.constant 16 : i32
      %mul3A_158 = arith.muli %scan3A_155, %mul3A_157 : i32
      %multiple_of3A = tpu.assume_multiple %mul3A_158, 16 : i32
      %get3A_159 = arith.index_cast %multiple_of3A : i32 to index
      %get3A_160 = tpu.vector_load %arg12[%get3A_159] {strides = array<i32>} : memref<400xf32, #tpu.memory_space<vmem>>, vector<16xf32>,
      %exp3A_161 = math.exp %get3A_160 : vector<16xf32>
      %get3A_162 = arith.index_cast %multiple_of3A : i32 to index
      %get3A_163 = tpu.vector_load %arg13[%get3A_162] {strides = array<i32>} : memref<400xf32, #tpu.memory_space<vmem>>, vector<16xf32>,
      %mul3A_164 = arith.mulf %get3A_102, %get3A_163 : vector<16xf32>
      %add3A_165 = arith.addf %exp3A_161, %mul3A_164 : vector<16xf32>
      %swap3A_166 = arith.index_cast %multiple_of3A : i32 to index
      %swap3A_167 = tpu.vector_load %arg14[%swap3A_166] {strides = array<i32>} : memref<400xf32, #tpu.memory_space<vmem>>, vector<16xf32>,
      tpu.vector_store %arg14[%swap3A_166], %add3A_165 {strides = array<i32>} : memref<400xf32, #tpu.memory_space<vmem>>, vector<16xf32>,
      %get3A_168 = arith.index_cast %multiple_of3A : i32 to index
      %get3A_169 = tpu.vector_load %arg10[%get3A_168] {strides = array<i32>} : memref<400xi32, #tpu.memory_space<vmem>>, vector<16xi32>,
      %bitcast3A = vector.bitcast %add3A_165 : vector<16xf32> to vector<16xi32>
      %shift_right_arithmetic3A = arith.constant 23 : i32
      %shift_right_arithmetic3A_170 = vector.broadcast %shift_right_arithmetic3A : i32 to vector<16xi32>
      %shift_right_arithmetic3A_171 = arith.shrsi %bitcast3A, %shift_right_arithmetic3A_170 : vector<16xi32>
      %sub3A_172 = arith.constant 127 : i32
      %sub3A_173 = vector.broadcast %sub3A_172 : i32 to vector<16xi32>
      %sub3A_174 = arith.subi %shift_right_arithmetic3A_171, %sub3A_173 : vector<16xi32>
      %and3A = arith.constant 8388607 : i32
      %and3A_175 = vector.broadcast %and3A : i32 to vector<16xi32>
      %and3A_176 = arith.andi %bitcast3A, %and3A_175 : vector<16xi32>
      %or3A = arith.constant 1065353216 : i32
      %or3A_177 = vector.broadcast %or3A : i32 to vector<16xi32>
      %or3A_178 = arith.ori %and3A_176, %or3A_177 : vector<16xi32>
      %bitcast3A_179 = vector.bitcast %or3A_178 : vector<16xi32> to vector<16xf32>
      %gt3A = arith.constant 1.41421354 : f32
      %gt3A_180 = vector.broadcast %gt3A : f32 to vector<16xf32>
      %gt3A_181 = arith.cmpf ogt, %bitcast3A_179, %gt3A_180 : vector<16xf32>
      %mul3A_182 = arith.constant 5.000000e-01 : f32
      %mul3A_183 = vector.broadcast %mul3A_182 : f32 to vector<16xf32>
      %mul3A_184 = arith.mulf %bitcast3A_179, %mul3A_183 : vector<16xf32>
      %select_n3A_185 = arith.select %gt3A_181, %mul3A_184, %bitcast3A_179 : vector<16xi1>, vector<16xf32>
      %add3A_186 = arith.constant 1 : i32
      %add3A_187 = vector.broadcast %add3A_186 : i32 to vector<16xi32>
      %add3A_188 = arith.addi %sub3A_174, %add3A_187 : vector<16xi32>
      %select_n3A_189 = arith.select %gt3A_181, %add3A_188, %sub3A_174 : vector<16xi1>, vector<16xi32>
      %sub3A_190 = arith.constant 1.000000e+00 : f32
      %sub3A_191 = vector.broadcast %sub3A_190 : f32 to vector<16xf32>
      %sub3A_192 = arith.subf %select_n3A_185, %sub3A_191 : vector<16xf32>
      %add3A_193 = arith.constant 2.000000e+00 : f32
      %add3A_194 = vector.broadcast %add3A_193 : f32 to vector<16xf32>
      %add3A_195 = arith.addf %add3A_194, %sub3A_192 : vector<16xf32>
      %div3A = arith.divf %sub3A_192, %add3A_195 : vector<16xf32>
      %mul3A_196 = arith.mulf %div3A, %div3A : vector<16xf32>
      %mul3A_197 = arith.constant 0.285714298 : f32
      %mul3A_198 = vector.broadcast %mul3A_197 : f32 to vector<16xf32>
      %mul3A_199 = arith.mulf %mul3A_196, %mul3A_198 : vector<16xf32>
      %add3A_200 = arith.constant 4.000000e-01 : f32
      %add3A_201 = vector.broadcast %add3A_200 : f32 to vector<16xf32>
      %add3A_202 = arith.addf %mul3A_199, %add3A_201 : vector<16xf32>
      %mul3A_203 = arith.mulf %add3A_202, %mul3A_196 : vector<16xf32>
      %add3A_204 = arith.constant 0.666666686 : f32
      %add3A_205 = vector.broadcast %add3A_204 : f32 to vector<16xf32>
      %add3A_206 = arith.addf %mul3A_203, %add3A_205 : vector<16xf32>
      %mul3A_207 = arith.mulf %add3A_206, %mul3A_196 : vector<16xf32>
      %add3A_208 = arith.constant 2.000000e+00 : f32
      %add3A_209 = vector.broadcast %add3A_208 : f32 to vector<16xf32>
      %add3A_210 = arith.addf %mul3A_207, %add3A_209 : vector<16xf32>
      %mul3A_211 = arith.mulf %add3A_210, %div3A : vector<16xf32>
      %convert_element_type3A = arith.sitofp %select_n3A_189 : vector<16xi32> to vector<16xf32>
      %mul3A_212 = arith.constant 0.693147182 : f32
      %mul3A_213 = vector.broadcast %mul3A_212 : f32 to vector<16xf32>
      %mul3A_214 = arith.mulf %convert_element_type3A, %mul3A_213 : vector<16xf32>
      %add3A_215 = arith.addf %mul3A_211, %mul3A_214 : vector<16xf32>
      tpu.vector_store_idx %arg15[%get3A_169], %add3A_215 : memref<100000xf32, #tpu.memory_space<vmem>>[vector<16xi32>], vector<16xf32>,
      %max3A = arith.maximumf %scan3A_156, %add3A_165 : vector<16xf32>
      scf.yield %max3A : vector<16xf32>
    }
    %scan3A_113 = arith.constant 25 : i32
    %reduce_max3A_114 = arith.constant true
    %reduce_max3A_115 = vector.broadcast %reduce_max3A_114 : i1 to vector<16xi1>
    %reduce_max3A_116 = tpu.scan <max>, %scan3A_112 masked %reduce_max3A_115 : vector<16xf32>, vector<16xi1> -> vector<16xf32>
    %reduce_max3A_117 = vector.extract %reduce_max3A_116[15] : f32 from vector<16xf32>
    %broadcast_in_dim3A_118 = vector.broadcast %reduce_max3A_117 : f32 to vector<16xf32>
    %broadcast_in_dim3A_119 = arith.constant 2147483647 : i32
    %broadcast_in_dim3A_120 = vector.broadcast %broadcast_in_dim3A_119 : i32 to vector<16xi32>
    %scan3A_121 = arith.constant 0 : i32
    %scan3A_122 = arith.constant 25 : i32
    %scan3A_123 = arith.addi %scan3A_121, %scan3A_122 : i32
    %scan3A_124 = arith.constant 1 : i32
    %scan3A_125 = scf.for %scan3A_155 = %scan3A_121 to %scan3A_123 step %scan3A_124 iter_args(%scan3A_156 = %broadcast_in_dim3A_120) -> (vector<16xi32>)  : i32 {
      %mul3A_157 = arith.constant 16 : i32
      %mul3A_158 = arith.muli %scan3A_155, %mul3A_157 : i32
      %multiple_of3A = tpu.assume_multiple %mul3A_158, 16 : i32
      %get3A_159 = arith.index_cast %multiple_of3A : i32 to index
      %get3A_160 = tpu.vector_load %arg14[%get3A_159] {strides = array<i32>} : memref<400xf32, #tpu.memory_space<vmem>>, vector<16xf32>,
      %eq3A = arith.cmpf oeq, %get3A_160, %broadcast_in_dim3A_118 : vector<16xf32>
      %get3A_161 = arith.index_cast %multiple_of3A : i32 to index
      %get3A_162 = tpu.vector_load %arg10[%get3A_161] {strides = array<i32>} : memref<400xi32, #tpu.memory_space<vmem>>, vector<16xi32>,
      %jit3A = arith.constant 2147483647 : i32
      %broadcast_in_dim3A_163 = vector.broadcast %jit3A : i32 to vector<16xi32>
      %select_n3A_164 = arith.select %eq3A, %get3A_162, %broadcast_in_dim3A_163 : vector<16xi1>, vector<16xi32>
      %min3A = arith.minsi %scan3A_156, %select_n3A_164 : vector<16xi32>
      scf.yield %min3A : vector<16xi32>
    }
    %scan3A_126 = arith.constant 25 : i32
    %reduce_min3A_127 = arith.constant true
    %reduce_min3A_128 = vector.broadcast %reduce_min3A_127 : i1 to vector<16xi1>
    %reduce_min3A_129 = arith.constant -2147483648 : i32
    %reduce_min3A_130 = vector.broadcast %reduce_min3A_129 : i32 to vector<16xi32>
    %reduce_min3A_131 = arith.xori %scan3A_125, %reduce_min3A_130 : vector<16xi32>
    %reduce_min3A_132 = tpu.scan <min>, %reduce_min3A_131 masked %reduce_min3A_128 : vector<16xi32>, vector<16xi1> -> vector<16xi32>
    %reduce_min3A_133 = arith.xori %reduce_min3A_132, %reduce_min3A_130 : vector<16xi32>
    %reduce_min3A_134 = vector.extract %reduce_min3A_133[15] : i32 from vector<16xi32>
    %scan3A_135 = arith.constant 0 : i32
    %scan3A_136 = arith.constant 0 : i32
    %scan3A_137 = arith.constant 27 : i32
    %scan3A_138 = arith.addi %scan3A_136, %scan3A_137 : i32
    %scan3A_139 = arith.constant 1 : i32
    scf.for %scan3A_155 = %scan3A_136 to %scan3A_138 step %scan3A_139  : i32 {
      %lt3A = arith.constant 25 : i32
      %lt3A_156 = arith.cmpi slt, %scan3A_155, %lt3A : i32
      %convert_element_type3A = arith.extui %lt3A_156 : i1 to i32
      %cond3A = arith.constant 0 : i32
      %cond3A_157 = arith.cmpi ne, %convert_element_type3A, %cond3A : i32
      scf.if %cond3A_157 {
        %mul3A_163 = arith.constant 16 : i32
        %mul3A_164 = arith.muli %scan3A_155, %mul3A_163 : i32
        %get3A_165 = arith.index_cast %mul3A_164 : i32 to index
        %get3A_166 = tpu.vector_load %arg10[%get3A_165] {strides = array<i32>} : memref<400xi32, #tpu.memory_space<vmem>>, vector<16xi32>,
        %and3A = arith.constant -16 : i32
        %and3A_167 = vector.broadcast %and3A : i32 to vector<16xi32>
        %and3A_168 = arith.andi %get3A_166, %and3A_167 : vector<16xi32>
        %slice3A = vector.extract_strided_slice %and3A_168 {offsets = [0], sizes = [1], strides = [1]} : vector<16xi32> to vector<1xi32>
        %squeeze3A = vector.extract %slice3A[0] : i32 from vector<1xi32>
        %multiple_of3A = tpu.assume_multiple %squeeze3A, 16 : i32
        %dma_start3A = tpu.memref_slice %arg15[%multiple_of3A] : memref<100000xf32, #tpu.memory_space<vmem>> -> memref<16xf32, #tpu.memory_space<vmem>>
        %dma_start3A_169 = arith.constant 0 : i32
        %dma_start3A_170 = tpu.memref_slice %arg7[%add3A_76, %dma_start3A_169] : memref<64x100000xf32, #tpu.memory_space<hbm>> -> memref<1x100000xf32, #tpu.memory_space<hbm>>
        %dma_start3A_171 = tpu.memref_squeeze %dma_start3A_170 : memref<1x100000xf32, #tpu.memory_space<hbm>> -> memref<100000xf32, #tpu.memory_space<hbm>>
        %dma_start3A_172 = tpu.memref_slice %dma_start3A_171[%multiple_of3A] : memref<100000xf32, #tpu.memory_space<hbm>> -> memref<16xf32, #tpu.memory_space<hbm>>
        %dma_start3A_173 = arith.constant 0 : i32
        %dma_start3A_174 = tpu.memref_slice %arg7[%add3A_76, %dma_start3A_173] : memref<64x100000xf32, #tpu.memory_space<hbm>> -> memref<1x100000xf32, #tpu.memory_space<hbm>>
        %dma_start3A_175 = tpu.memref_squeeze %dma_start3A_174 : memref<1x100000xf32, #tpu.memory_space<hbm>> -> memref<100000xf32, #tpu.memory_space<hbm>>
        %dma_start3A_176 = tpu.memref_slice %dma_start3A_175[%multiple_of3A] : memref<100000xf32, #tpu.memory_space<hbm>> -> memref<16xf32, #tpu.memory_space<hbm>>
        %dma_start3A_177 = tpu.memref_slice %arg15[%multiple_of3A] : memref<100000xf32, #tpu.memory_space<vmem>> -> memref<16xf32, #tpu.memory_space<vmem>>
        tpu.enqueue_dma source(%dma_start3A_177 : memref<16xf32, #tpu.memory_space<vmem>>) target(%dma_start3A_176 : memref<16xf32, #tpu.memory_space<hbm>>) target_semaphore(%arg19 : memref<!tpu.dma_semaphore, #tpu.memory_space<semaphore_mem>>)
        %slice3A_178 = vector.extract_strided_slice %and3A_168 {offsets = [1], sizes = [1], strides = [1]} : vector<16xi32> to vector<1xi32>
        %squeeze3A_179 = vector.extract %slice3A_178[0] : i32 from vector<1xi32>
        %multiple_of3A_180 = tpu.assume_multiple %squeeze3A_179, 16 : i32
        %dma_start3A_181 = tpu.memref_slice %arg15[%multiple_of3A_180] : memref<100000xf32, #tpu.memory_space<vmem>> -> memref<16xf32, #tpu.memory_space<vmem>>
        %dma_start3A_182 = arith.constant 0 : i32
        %dma_start3A_183 = tpu.memref_slice %arg7[%add3A_76, %dma_start3A_182] : memref<64x100000xf32, #tpu.memory_space<hbm>> -> memref<1x100000xf32, #tpu.memory_space<hbm>>
        %dma_start3A_184 = tpu.memref_squeeze %dma_start3A_183 : memref<1x100000xf32, #tpu.memory_space<hbm>> -> memref<100000xf32, #tpu.memory_space<hbm>>
        %dma_start3A_185 = tpu.memref_slice %dma_start3A_184[%multiple_of3A_180] : memref<100000xf32, #tpu.memory_space<hbm>> -> memref<16xf32, #tpu.memory_space<hbm>>
        %dma_start3A_186 = arith.constant 0 : i32
        %dma_start3A_187 = tpu.memref_slice %arg7[%add3A_76, %dma_start3A_186] : memref<64x100000xf32, #tpu.memory_space<hbm>> -> memref<1x100000xf32, #tpu.memory_space<hbm>>
        %dma_start3A_188 = tpu.memref_squeeze %dma_start3A_187 : memref<1x100000xf32, #tpu.memory_space<hbm>> -> memref<100000xf32, #tpu.memory_space<hbm>>
        %dma_start3A_189 = tpu.memref_slice %dma_start3A_188[%multiple_of3A_180] : memref<100000xf32, #tpu.memory_space<hbm>> -> memref<16xf32, #tpu.memory_space<hbm>>
        %dma_start3A_190 = tpu.memref_slice %arg15[%multiple_of3A_180] : memref<100000xf32, #tpu.memory_space<vmem>> -> memref<16xf32, #tpu.memory_space<vmem>>
        tpu.enqueue_dma source(%dma_start3A_190 : memref<16xf32, #tpu.memory_space<vmem>>) target(%dma_start3A_189 : memref<16xf32, #tpu.memory_space<hbm>>) target_semaphore(%arg19 : memref<!tpu.dma_semaphore, #tpu.memory_space<semaphore_mem>>)
        %slice3A_191 = vector.extract_strided_slice %and3A_168 {offsets = [2], sizes = [1], strides = [1]} : vector<16xi32> to vector<1xi32>
        %squeeze3A_192 = vector.extract %slice3A_191[0] : i32 from vector<1xi32>
        %multiple_of3A_193 = tpu.assume_multiple %squeeze3A_192, 16 : i32
        %dma_start3A_194 = tpu.memref_slice %arg15[%multiple_of3A_193] : memref<100000xf32, #tpu.memory_space<vmem>> -> memref<16xf32, #tpu.memory_space<vmem>>
        %dma_start3A_195 = arith.constant 0 : i32
        %dma_start3A_196 = tpu.memref_slice %arg7[%add3A_76, %dma_start3A_195] : memref<64x100000xf32, #tpu.memory_space<hbm>> -> memref<1x100000xf32, #tpu.memory_space<hbm>>
        %dma_start3A_197 = tpu.memref_squeeze %dma_start3A_196 : memref<1x100000xf32, #tpu.memory_space<hbm>> -> memref<100000xf32, #tpu.memory_space<hbm>>
        %dma_start3A_198 = tpu.memref_slice %dma_start3A_197[%multiple_of3A_193] : memref<100000xf32, #tpu.memory_space<hbm>> -> memref<16xf32, #tpu.memory_space<hbm>>
        %dma_start3A_199 = arith.constant 0 : i32
        %dma_start3A_200 = tpu.memref_slice %arg7[%add3A_76, %dma_start3A_199] : memref<64x100000xf32, #tpu.memory_space<hbm>> -> memref<1x100000xf32, #tpu.memory_space<hbm>>
        %dma_start3A_201 = tpu.memref_squeeze %dma_start3A_200 : memref<1x100000xf32, #tpu.memory_space<hbm>> -> memref<100000xf32, #tpu.memory_space<hbm>>
        %dma_start3A_202 = tpu.memref_slice %dma_start3A_201[%multiple_of3A_193] : memref<100000xf32, #tpu.memory_space<hbm>> -> memref<16xf32, #tpu.memory_space<hbm>>
        %dma_start3A_203 = tpu.memref_slice %arg15[%multiple_of3A_193] : memref<100000xf32, #tpu.memory_space<vmem>> -> memref<16xf32, #tpu.memory_space<vmem>>
        tpu.enqueue_dma source(%dma_start3A_203 : memref<16xf32, #tpu.memory_space<vmem>>) target(%dma_start3A_202 : memref<16xf32, #tpu.memory_space<hbm>>) target_semaphore(%arg19 : memref<!tpu.dma_semaphore, #tpu.memory_space<semaphore_mem>>)
        %slice3A_204 = vector.extract_strided_slice %and3A_168 {offsets = [3], sizes = [1], strides = [1]} : vector<16xi32> to vector<1xi32>
        %squeeze3A_205 = vector.extract %slice3A_204[0] : i32 from vector<1xi32>
        %multiple_of3A_206 = tpu.assume_multiple %squeeze3A_205, 16 : i32
        %dma_start3A_207 = tpu.memref_slice %arg15[%multiple_of3A_206] : memref<100000xf32, #tpu.memory_space<vmem>> -> memref<16xf32, #tpu.memory_space<vmem>>
        %dma_start3A_208 = arith.constant 0 : i32
        %dma_start3A_209 = tpu.memref_slice %arg7[%add3A_76, %dma_start3A_208] : memref<64x100000xf32, #tpu.memory_space<hbm>> -> memref<1x100000xf32, #tpu.memory_space<hbm>>
        %dma_start3A_210 = tpu.memref_squeeze %dma_start3A_209 : memref<1x100000xf32, #tpu.memory_space<hbm>> -> memref<100000xf32, #tpu.memory_space<hbm>>
        %dma_start3A_211 = tpu.memref_slice %dma_start3A_210[%multiple_of3A_206] : memref<100000xf32, #tpu.memory_space<hbm>> -> memref<16xf32, #tpu.memory_space<hbm>>
        %dma_start3A_212 = arith.constant 0 : i32
        %dma_start3A_213 = tpu.memref_slice %arg7[%add3A_76, %dma_start3A_212] : memref<64x100000xf32, #tpu.memory_space<hbm>> -> memref<1x100000xf32, #tpu.memory_space<hbm>>
        %dma_start3A_214 = tpu.memref_squeeze %dma_start3A_213 : memref<1x100000xf32, #tpu.memory_space<hbm>> -> memref<100000xf32, #tpu.memory_space<hbm>>
        %dma_start3A_215 = tpu.memref_slice %dma_start3A_214[%multiple_of3A_206] : memref<100000xf32, #tpu.memory_space<hbm>> -> memref<16xf32, #tpu.memory_space<hbm>>
        %dma_start3A_216 = tpu.memref_slice %arg15[%multiple_of3A_206] : memref<100000xf32, #tpu.memory_space<vmem>> -> memref<16xf32, #tpu.memory_space<vmem>>
        tpu.enqueue_dma source(%dma_start3A_216 : memref<16xf32, #tpu.memory_space<vmem>>) target(%dma_start3A_215 : memref<16xf32, #tpu.memory_space<hbm>>) target_semaphore(%arg19 : memref<!tpu.dma_semaphore, #tpu.memory_space<semaphore_mem>>)
        %slice3A_217 = vector.extract_strided_slice %and3A_168 {offsets = [4], sizes = [1], strides = [1]} : vector<16xi32> to vector<1xi32>
        %squeeze3A_218 = vector.extract %slice3A_217[0] : i32 from vector<1xi32>
        %multiple_of3A_219 = tpu.assume_multiple %squeeze3A_218, 16 : i32
        %dma_start3A_220 = tpu.memref_slice %arg15[%multiple_of3A_219] : memref<100000xf32, #tpu.memory_space<vmem>> -> memref<16xf32, #tpu.memory_space<vmem>>
        %dma_start3A_221 = arith.constant 0 : i32
        %dma_start3A_222 = tpu.memref_slice %arg7[%add3A_76, %dma_start3A_221] : memref<64x100000xf32, #tpu.memory_space<hbm>> -> memref<1x100000xf32, #tpu.memory_space<hbm>>
        %dma_start3A_223 = tpu.memref_squeeze %dma_start3A_222 : memref<1x100000xf32, #tpu.memory_space<hbm>> -> memref<100000xf32, #tpu.memory_space<hbm>>
        %dma_start3A_224 = tpu.memref_slice %dma_start3A_223[%multiple_of3A_219] : memref<100000xf32, #tpu.memory_space<hbm>> -> memref<16xf32, #tpu.memory_space<hbm>>
        %dma_start3A_225 = arith.constant 0 : i32
        %dma_start3A_226 = tpu.memref_slice %arg7[%add3A_76, %dma_start3A_225] : memref<64x100000xf32, #tpu.memory_space<hbm>> -> memref<1x100000xf32, #tpu.memory_space<hbm>>
        %dma_start3A_227 = tpu.memref_squeeze %dma_start3A_226 : memref<1x100000xf32, #tpu.memory_space<hbm>> -> memref<100000xf32, #tpu.memory_space<hbm>>
        %dma_start3A_228 = tpu.memref_slice %dma_start3A_227[%multiple_of3A_219] : memref<100000xf32, #tpu.memory_space<hbm>> -> memref<16xf32, #tpu.memory_space<hbm>>
        %dma_start3A_229 = tpu.memref_slice %arg15[%multiple_of3A_219] : memref<100000xf32, #tpu.memory_space<vmem>> -> memref<16xf32, #tpu.memory_space<vmem>>
        tpu.enqueue_dma source(%dma_start3A_229 : memref<16xf32, #tpu.memory_space<vmem>>) target(%dma_start3A_228 : memref<16xf32, #tpu.memory_space<hbm>>) target_semaphore(%arg19 : memref<!tpu.dma_semaphore, #tpu.memory_space<semaphore_mem>>)
        %slice3A_230 = vector.extract_strided_slice %and3A_168 {offsets = [5], sizes = [1], strides = [1]} : vector<16xi32> to vector<1xi32>
        %squeeze3A_231 = vector.extract %slice3A_230[0] : i32 from vector<1xi32>
        %multiple_of3A_232 = tpu.assume_multiple %squeeze3A_231, 16 : i32
        %dma_start3A_233 = tpu.memref_slice %arg15[%multiple_of3A_232] : memref<100000xf32, #tpu.memory_space<vmem>> -> memref<16xf32, #tpu.memory_space<vmem>>
        %dma_start3A_234 = arith.constant 0 : i32
        %dma_start3A_235 = tpu.memref_slice %arg7[%add3A_76, %dma_start3A_234] : memref<64x100000xf32, #tpu.memory_space<hbm>> -> memref<1x100000xf32, #tpu.memory_space<hbm>>
        %dma_start3A_236 = tpu.memref_squeeze %dma_start3A_235 : memref<1x100000xf32, #tpu.memory_space<hbm>> -> memref<100000xf32, #tpu.memory_space<hbm>>
        %dma_start3A_237 = tpu.memref_slice %dma_start3A_236[%multiple_of3A_232] : memref<100000xf32, #tpu.memory_space<hbm>> -> memref<16xf32, #tpu.memory_space<hbm>>
        %dma_start3A_238 = arith.constant 0 : i32
        %dma_start3A_239 = tpu.memref_slice %arg7[%add3A_76, %dma_start3A_238] : memref<64x100000xf32, #tpu.memory_space<hbm>> -> memref<1x100000xf32, #tpu.memory_space<hbm>>
        %dma_start3A_240 = tpu.memref_squeeze %dma_start3A_239 : memref<1x100000xf32, #tpu.memory_space<hbm>> -> memref<100000xf32, #tpu.memory_space<hbm>>
        %dma_start3A_241 = tpu.memref_slice %dma_start3A_240[%multiple_of3A_232] : memref<100000xf32, #tpu.memory_space<hbm>> -> memref<16xf32, #tpu.memory_space<hbm>>
        %dma_start3A_242 = tpu.memref_slice %arg15[%multiple_of3A_232] : memref<100000xf32, #tpu.memory_space<vmem>> -> memref<16xf32, #tpu.memory_space<vmem>>
        tpu.enqueue_dma source(%dma_start3A_242 : memref<16xf32, #tpu.memory_space<vmem>>) target(%dma_start3A_241 : memref<16xf32, #tpu.memory_space<hbm>>) target_semaphore(%arg19 : memref<!tpu.dma_semaphore, #tpu.memory_space<semaphore_mem>>)
        %slice3A_243 = vector.extract_strided_slice %and3A_168 {offsets = [6], sizes = [1], strides = [1]} : vector<16xi32> to vector<1xi32>
        %squeeze3A_244 = vector.extract %slice3A_243[0] : i32 from vector<1xi32>
        %multiple_of3A_245 = tpu.assume_multiple %squeeze3A_244, 16 : i32
        %dma_start3A_246 = tpu.memref_slice %arg15[%multiple_of3A_245] : memref<100000xf32, #tpu.memory_space<vmem>> -> memref<16xf32, #tpu.memory_space<vmem>>
        %dma_start3A_247 = arith.constant 0 : i32
        %dma_start3A_248 = tpu.memref_slice %arg7[%add3A_76, %dma_start3A_247] : memref<64x100000xf32, #tpu.memory_space<hbm>> -> memref<1x100000xf32, #tpu.memory_space<hbm>>
        %dma_start3A_249 = tpu.memref_squeeze %dma_start3A_248 : memref<1x100000xf32, #tpu.memory_space<hbm>> -> memref<100000xf32, #tpu.memory_space<hbm>>
        %dma_start3A_250 = tpu.memref_slice %dma_start3A_249[%multiple_of3A_245] : memref<100000xf32, #tpu.memory_space<hbm>> -> memref<16xf32, #tpu.memory_space<hbm>>
        %dma_start3A_251 = arith.constant 0 : i32
        %dma_start3A_252 = tpu.memref_slice %arg7[%add3A_76, %dma_start3A_251] : memref<64x100000xf32, #tpu.memory_space<hbm>> -> memref<1x100000xf32, #tpu.memory_space<hbm>>
        %dma_start3A_253 = tpu.memref_squeeze %dma_start3A_252 : memref<1x100000xf32, #tpu.memory_space<hbm>> -> memref<100000xf32, #tpu.memory_space<hbm>>
        %dma_start3A_254 = tpu.memref_slice %dma_start3A_253[%multiple_of3A_245] : memref<100000xf32, #tpu.memory_space<hbm>> -> memref<16xf32, #tpu.memory_space<hbm>>
        %dma_start3A_255 = tpu.memref_slice %arg15[%multiple_of3A_245] : memref<100000xf32, #tpu.memory_space<vmem>> -> memref<16xf32, #tpu.memory_space<vmem>>
        tpu.enqueue_dma source(%dma_start3A_255 : memref<16xf32, #tpu.memory_space<vmem>>) target(%dma_start3A_254 : memref<16xf32, #tpu.memory_space<hbm>>) target_semaphore(%arg19 : memref<!tpu.dma_semaphore, #tpu.memory_space<semaphore_mem>>)
        %slice3A_256 = vector.extract_strided_slice %and3A_168 {offsets = [7], sizes = [1], strides = [1]} : vector<16xi32> to vector<1xi32>
        %squeeze3A_257 = vector.extract %slice3A_256[0] : i32 from vector<1xi32>
        %multiple_of3A_258 = tpu.assume_multiple %squeeze3A_257, 16 : i32
        %dma_start3A_259 = tpu.memref_slice %arg15[%multiple_of3A_258] : memref<100000xf32, #tpu.memory_space<vmem>> -> memref<16xf32, #tpu.memory_space<vmem>>
        %dma_start3A_260 = arith.constant 0 : i32
        %dma_start3A_261 = tpu.memref_slice %arg7[%add3A_76, %dma_start3A_260] : memref<64x100000xf32, #tpu.memory_space<hbm>> -> memref<1x100000xf32, #tpu.memory_space<hbm>>
        %dma_start3A_262 = tpu.memref_squeeze %dma_start3A_261 : memref<1x100000xf32, #tpu.memory_space<hbm>> -> memref<100000xf32, #tpu.memory_space<hbm>>
        %dma_start3A_263 = tpu.memref_slice %dma_start3A_262[%multiple_of3A_258] : memref<100000xf32, #tpu.memory_space<hbm>> -> memref<16xf32, #tpu.memory_space<hbm>>
        %dma_start3A_264 = arith.constant 0 : i32
        %dma_start3A_265 = tpu.memref_slice %arg7[%add3A_76, %dma_start3A_264] : memref<64x100000xf32, #tpu.memory_space<hbm>> -> memref<1x100000xf32, #tpu.memory_space<hbm>>
        %dma_start3A_266 = tpu.memref_squeeze %dma_start3A_265 : memref<1x100000xf32, #tpu.memory_space<hbm>> -> memref<100000xf32, #tpu.memory_space<hbm>>
        %dma_start3A_267 = tpu.memref_slice %dma_start3A_266[%multiple_of3A_258] : memref<100000xf32, #tpu.memory_space<hbm>> -> memref<16xf32, #tpu.memory_space<hbm>>
        %dma_start3A_268 = tpu.memref_slice %arg15[%multiple_of3A_258] : memref<100000xf32, #tpu.memory_space<vmem>> -> memref<16xf32, #tpu.memory_space<vmem>>
        tpu.enqueue_dma source(%dma_start3A_268 : memref<16xf32, #tpu.memory_space<vmem>>) target(%dma_start3A_267 : memref<16xf32, #tpu.memory_space<hbm>>) target_semaphore(%arg19 : memref<!tpu.dma_semaphore, #tpu.memory_space<semaphore_mem>>)
        %slice3A_269 = vector.extract_strided_slice %and3A_168 {offsets = [8], sizes = [1], strides = [1]} : vector<16xi32> to vector<1xi32>
        %squeeze3A_270 = vector.extract %slice3A_269[0] : i32 from vector<1xi32>
        %multiple_of3A_271 = tpu.assume_multiple %squeeze3A_270, 16 : i32
        %dma_start3A_272 = tpu.memref_slice %arg15[%multiple_of3A_271] : memref<100000xf32, #tpu.memory_space<vmem>> -> memref<16xf32, #tpu.memory_space<vmem>>
        %dma_start3A_273 = arith.constant 0 : i32
        %dma_start3A_274 = tpu.memref_slice %arg7[%add3A_76, %dma_start3A_273] : memref<64x100000xf32, #tpu.memory_space<hbm>> -> memref<1x100000xf32, #tpu.memory_space<hbm>>
        %dma_start3A_275 = tpu.memref_squeeze %dma_start3A_274 : memref<1x100000xf32, #tpu.memory_space<hbm>> -> memref<100000xf32, #tpu.memory_space<hbm>>
        %dma_start3A_276 = tpu.memref_slice %dma_start3A_275[%multiple_of3A_271] : memref<100000xf32, #tpu.memory_space<hbm>> -> memref<16xf32, #tpu.memory_space<hbm>>
        %dma_start3A_277 = arith.constant 0 : i32
        %dma_start3A_278 = tpu.memref_slice %arg7[%add3A_76, %dma_start3A_277] : memref<64x100000xf32, #tpu.memory_space<hbm>> -> memref<1x100000xf32, #tpu.memory_space<hbm>>
        %dma_start3A_279 = tpu.memref_squeeze %dma_start3A_278 : memref<1x100000xf32, #tpu.memory_space<hbm>> -> memref<100000xf32, #tpu.memory_space<hbm>>
        %dma_start3A_280 = tpu.memref_slice %dma_start3A_279[%multiple_of3A_271] : memref<100000xf32, #tpu.memory_space<hbm>> -> memref<16xf32, #tpu.memory_space<hbm>>
        %dma_start3A_281 = tpu.memref_slice %arg15[%multiple_of3A_271] : memref<100000xf32, #tpu.memory_space<vmem>> -> memref<16xf32, #tpu.memory_space<vmem>>
        tpu.enqueue_dma source(%dma_start3A_281 : memref<16xf32, #tpu.memory_space<vmem>>) target(%dma_start3A_280 : memref<16xf32, #tpu.memory_space<hbm>>) target_semaphore(%arg19 : memref<!tpu.dma_semaphore, #tpu.memory_space<semaphore_mem>>)
        %slice3A_282 = vector.extract_strided_slice %and3A_168 {offsets = [9], sizes = [1], strides = [1]} : vector<16xi32> to vector<1xi32>
        %squeeze3A_283 = vector.extract %slice3A_282[0] : i32 from vector<1xi32>
        %multiple_of3A_284 = tpu.assume_multiple %squeeze3A_283, 16 : i32
        %dma_start3A_285 = tpu.memref_slice %arg15[%multiple_of3A_284] : memref<100000xf32, #tpu.memory_space<vmem>> -> memref<16xf32, #tpu.memory_space<vmem>>
        %dma_start3A_286 = arith.constant 0 : i32
        %dma_start3A_287 = tpu.memref_slice %arg7[%add3A_76, %dma_start3A_286] : memref<64x100000xf32, #tpu.memory_space<hbm>> -> memref<1x100000xf32, #tpu.memory_space<hbm>>
        %dma_start3A_288 = tpu.memref_squeeze %dma_start3A_287 : memref<1x100000xf32, #tpu.memory_space<hbm>> -> memref<100000xf32, #tpu.memory_space<hbm>>
        %dma_start3A_289 = tpu.memref_slice %dma_start3A_288[%multiple_of3A_284] : memref<100000xf32, #tpu.memory_space<hbm>> -> memref<16xf32, #tpu.memory_space<hbm>>
        %dma_start3A_290 = arith.constant 0 : i32
        %dma_start3A_291 = tpu.memref_slice %arg7[%add3A_76, %dma_start3A_290] : memref<64x100000xf32, #tpu.memory_space<hbm>> -> memref<1x100000xf32, #tpu.memory_space<hbm>>
        %dma_start3A_292 = tpu.memref_squeeze %dma_start3A_291 : memref<1x100000xf32, #tpu.memory_space<hbm>> -> memref<100000xf32, #tpu.memory_space<hbm>>
        %dma_start3A_293 = tpu.memref_slice %dma_start3A_292[%multiple_of3A_284] : memref<100000xf32, #tpu.memory_space<hbm>> -> memref<16xf32, #tpu.memory_space<hbm>>
        %dma_start3A_294 = tpu.memref_slice %arg15[%multiple_of3A_284] : memref<100000xf32, #tpu.memory_space<vmem>> -> memref<16xf32, #tpu.memory_space<vmem>>
        tpu.enqueue_dma source(%dma_start3A_294 : memref<16xf32, #tpu.memory_space<vmem>>) target(%dma_start3A_293 : memref<16xf32, #tpu.memory_space<hbm>>) target_semaphore(%arg19 : memref<!tpu.dma_semaphore, #tpu.memory_space<semaphore_mem>>)
        %slice3A_295 = vector.extract_strided_slice %and3A_168 {offsets = [10], sizes = [1], strides = [1]} : vector<16xi32> to vector<1xi32>
        %squeeze3A_296 = vector.extract %slice3A_295[0] : i32 from vector<1xi32>
        %multiple_of3A_297 = tpu.assume_multiple %squeeze3A_296, 16 : i32
        %dma_start3A_298 = tpu.memref_slice %arg15[%multiple_of3A_297] : memref<100000xf32, #tpu.memory_space<vmem>> -> memref<16xf32, #tpu.memory_space<vmem>>
        %dma_start3A_299 = arith.constant 0 : i32
        %dma_start3A_300 = tpu.memref_slice %arg7[%add3A_76, %dma_start3A_299] : memref<64x100000xf32, #tpu.memory_space<hbm>> -> memref<1x100000xf32, #tpu.memory_space<hbm>>
        %dma_start3A_301 = tpu.memref_squeeze %dma_start3A_300 : memref<1x100000xf32, #tpu.memory_space<hbm>> -> memref<100000xf32, #tpu.memory_space<hbm>>
        %dma_start3A_302 = tpu.memref_slice %dma_start3A_301[%multiple_of3A_297] : memref<100000xf32, #tpu.memory_space<hbm>> -> memref<16xf32, #tpu.memory_space<hbm>>
        %dma_start3A_303 = arith.constant 0 : i32
        %dma_start3A_304 = tpu.memref_slice %arg7[%add3A_76, %dma_start3A_303] : memref<64x100000xf32, #tpu.memory_space<hbm>> -> memref<1x100000xf32, #tpu.memory_space<hbm>>
        %dma_start3A_305 = tpu.memref_squeeze %dma_start3A_304 : memref<1x100000xf32, #tpu.memory_space<hbm>> -> memref<100000xf32, #tpu.memory_space<hbm>>
        %dma_start3A_306 = tpu.memref_slice %dma_start3A_305[%multiple_of3A_297] : memref<100000xf32, #tpu.memory_space<hbm>> -> memref<16xf32, #tpu.memory_space<hbm>>
        %dma_start3A_307 = tpu.memref_slice %arg15[%multiple_of3A_297] : memref<100000xf32, #tpu.memory_space<vmem>> -> memref<16xf32, #tpu.memory_space<vmem>>
        tpu.enqueue_dma source(%dma_start3A_307 : memref<16xf32, #tpu.memory_space<vmem>>) target(%dma_start3A_306 : memref<16xf32, #tpu.memory_space<hbm>>) target_semaphore(%arg19 : memref<!tpu.dma_semaphore, #tpu.memory_space<semaphore_mem>>)
        %slice3A_308 = vector.extract_strided_slice %and3A_168 {offsets = [11], sizes = [1], strides = [1]} : vector<16xi32> to vector<1xi32>
        %squeeze3A_309 = vector.extract %slice3A_308[0] : i32 from vector<1xi32>
        %multiple_of3A_310 = tpu.assume_multiple %squeeze3A_309, 16 : i32
        %dma_start3A_311 = tpu.memref_slice %arg15[%multiple_of3A_310] : memref<100000xf32, #tpu.memory_space<vmem>> -> memref<16xf32, #tpu.memory_space<vmem>>
        %dma_start3A_312 = arith.constant 0 : i32
        %dma_start3A_313 = tpu.memref_slice %arg7[%add3A_76, %dma_start3A_312] : memref<64x100000xf32, #tpu.memory_space<hbm>> -> memref<1x100000xf32, #tpu.memory_space<hbm>>
        %dma_start3A_314 = tpu.memref_squeeze %dma_start3A_313 : memref<1x100000xf32, #tpu.memory_space<hbm>> -> memref<100000xf32, #tpu.memory_space<hbm>>
        %dma_start3A_315 = tpu.memref_slice %dma_start3A_314[%multiple_of3A_310] : memref<100000xf32, #tpu.memory_space<hbm>> -> memref<16xf32, #tpu.memory_space<hbm>>
        %dma_start3A_316 = arith.constant 0 : i32
        %dma_start3A_317 = tpu.memref_slice %arg7[%add3A_76, %dma_start3A_316] : memref<64x100000xf32, #tpu.memory_space<hbm>> -> memref<1x100000xf32, #tpu.memory_space<hbm>>
        %dma_start3A_318 = tpu.memref_squeeze %dma_start3A_317 : memref<1x100000xf32, #tpu.memory_space<hbm>> -> memref<100000xf32, #tpu.memory_space<hbm>>
        %dma_start3A_319 = tpu.memref_slice %dma_start3A_318[%multiple_of3A_310] : memref<100000xf32, #tpu.memory_space<hbm>> -> memref<16xf32, #tpu.memory_space<hbm>>
        %dma_start3A_320 = tpu.memref_slice %arg15[%multiple_of3A_310] : memref<100000xf32, #tpu.memory_space<vmem>> -> memref<16xf32, #tpu.memory_space<vmem>>
        tpu.enqueue_dma source(%dma_start3A_320 : memref<16xf32, #tpu.memory_space<vmem>>) target(%dma_start3A_319 : memref<16xf32, #tpu.memory_space<hbm>>) target_semaphore(%arg19 : memref<!tpu.dma_semaphore, #tpu.memory_space<semaphore_mem>>)
        %slice3A_321 = vector.extract_strided_slice %and3A_168 {offsets = [12], sizes = [1], strides = [1]} : vector<16xi32> to vector<1xi32>
        %squeeze3A_322 = vector.extract %slice3A_321[0] : i32 from vector<1xi32>
        %multiple_of3A_323 = tpu.assume_multiple %squeeze3A_322, 16 : i32
        %dma_start3A_324 = tpu.memref_slice %arg15[%multiple_of3A_323] : memref<100000xf32, #tpu.memory_space<vmem>> -> memref<16xf32, #tpu.memory_space<vmem>>
        %dma_start3A_325 = arith.constant 0 : i32
        %dma_start3A_326 = tpu.memref_slice %arg7[%add3A_76, %dma_start3A_325] : memref<64x100000xf32, #tpu.memory_space<hbm>> -> memref<1x100000xf32, #tpu.memory_space<hbm>>
        %dma_start3A_327 = tpu.memref_squeeze %dma_start3A_326 : memref<1x100000xf32, #tpu.memory_space<hbm>> -> memref<100000xf32, #tpu.memory_space<hbm>>
        %dma_start3A_328 = tpu.memref_slice %dma_start3A_327[%multiple_of3A_323] : memref<100000xf32, #tpu.memory_space<hbm>> -> memref<16xf32, #tpu.memory_space<hbm>>
        %dma_start3A_329 = arith.constant 0 : i32
        %dma_start3A_330 = tpu.memref_slice %arg7[%add3A_76, %dma_start3A_329] : memref<64x100000xf32, #tpu.memory_space<hbm>> -> memref<1x100000xf32, #tpu.memory_space<hbm>>
        %dma_start3A_331 = tpu.memref_squeeze %dma_start3A_330 : memref<1x100000xf32, #tpu.memory_space<hbm>> -> memref<100000xf32, #tpu.memory_space<hbm>>
        %dma_start3A_332 = tpu.memref_slice %dma_start3A_331[%multiple_of3A_323] : memref<100000xf32, #tpu.memory_space<hbm>> -> memref<16xf32, #tpu.memory_space<hbm>>
        %dma_start3A_333 = tpu.memref_slice %arg15[%multiple_of3A_323] : memref<100000xf32, #tpu.memory_space<vmem>> -> memref<16xf32, #tpu.memory_space<vmem>>
        tpu.enqueue_dma source(%dma_start3A_333 : memref<16xf32, #tpu.memory_space<vmem>>) target(%dma_start3A_332 : memref<16xf32, #tpu.memory_space<hbm>>) target_semaphore(%arg19 : memref<!tpu.dma_semaphore, #tpu.memory_space<semaphore_mem>>)
        %slice3A_334 = vector.extract_strided_slice %and3A_168 {offsets = [13], sizes = [1], strides = [1]} : vector<16xi32> to vector<1xi32>
        %squeeze3A_335 = vector.extract %slice3A_334[0] : i32 from vector<1xi32>
        %multiple_of3A_336 = tpu.assume_multiple %squeeze3A_335, 16 : i32
        %dma_start3A_337 = tpu.memref_slice %arg15[%multiple_of3A_336] : memref<100000xf32, #tpu.memory_space<vmem>> -> memref<16xf32, #tpu.memory_space<vmem>>
        %dma_start3A_338 = arith.constant 0 : i32
        %dma_start3A_339 = tpu.memref_slice %arg7[%add3A_76, %dma_start3A_338] : memref<64x100000xf32, #tpu.memory_space<hbm>> -> memref<1x100000xf32, #tpu.memory_space<hbm>>
        %dma_start3A_340 = tpu.memref_squeeze %dma_start3A_339 : memref<1x100000xf32, #tpu.memory_space<hbm>> -> memref<100000xf32, #tpu.memory_space<hbm>>
        %dma_start3A_341 = tpu.memref_slice %dma_start3A_340[%multiple_of3A_336] : memref<100000xf32, #tpu.memory_space<hbm>> -> memref<16xf32, #tpu.memory_space<hbm>>
        %dma_start3A_342 = arith.constant 0 : i32
        %dma_start3A_343 = tpu.memref_slice %arg7[%add3A_76, %dma_start3A_342] : memref<64x100000xf32, #tpu.memory_space<hbm>> -> memref<1x100000xf32, #tpu.memory_space<hbm>>
        %dma_start3A_344 = tpu.memref_squeeze %dma_start3A_343 : memref<1x100000xf32, #tpu.memory_space<hbm>> -> memref<100000xf32, #tpu.memory_space<hbm>>
        %dma_start3A_345 = tpu.memref_slice %dma_start3A_344[%multiple_of3A_336] : memref<100000xf32, #tpu.memory_space<hbm>> -> memref<16xf32, #tpu.memory_space<hbm>>
        %dma_start3A_346 = tpu.memref_slice %arg15[%multiple_of3A_336] : memref<100000xf32, #tpu.memory_space<vmem>> -> memref<16xf32, #tpu.memory_space<vmem>>
        tpu.enqueue_dma source(%dma_start3A_346 : memref<16xf32, #tpu.memory_space<vmem>>) target(%dma_start3A_345 : memref<16xf32, #tpu.memory_space<hbm>>) target_semaphore(%arg19 : memref<!tpu.dma_semaphore, #tpu.memory_space<semaphore_mem>>)
        %slice3A_347 = vector.extract_strided_slice %and3A_168 {offsets = [14], sizes = [1], strides = [1]} : vector<16xi32> to vector<1xi32>
        %squeeze3A_348 = vector.extract %slice3A_347[0] : i32 from vector<1xi32>
        %multiple_of3A_349 = tpu.assume_multiple %squeeze3A_348, 16 : i32
        %dma_start3A_350 = tpu.memref_slice %arg15[%multiple_of3A_349] : memref<100000xf32, #tpu.memory_space<vmem>> -> memref<16xf32, #tpu.memory_space<vmem>>
        %dma_start3A_351 = arith.constant 0 : i32
        %dma_start3A_352 = tpu.memref_slice %arg7[%add3A_76, %dma_start3A_351] : memref<64x100000xf32, #tpu.memory_space<hbm>> -> memref<1x100000xf32, #tpu.memory_space<hbm>>
        %dma_start3A_353 = tpu.memref_squeeze %dma_start3A_352 : memref<1x100000xf32, #tpu.memory_space<hbm>> -> memref<100000xf32, #tpu.memory_space<hbm>>
        %dma_start3A_354 = tpu.memref_slice %dma_start3A_353[%multiple_of3A_349] : memref<100000xf32, #tpu.memory_space<hbm>> -> memref<16xf32, #tpu.memory_space<hbm>>
        %dma_start3A_355 = arith.constant 0 : i32
        %dma_start3A_356 = tpu.memref_slice %arg7[%add3A_76, %dma_start3A_355] : memref<64x100000xf32, #tpu.memory_space<hbm>> -> memref<1x100000xf32, #tpu.memory_space<hbm>>
        %dma_start3A_357 = tpu.memref_squeeze %dma_start3A_356 : memref<1x100000xf32, #tpu.memory_space<hbm>> -> memref<100000xf32, #tpu.memory_space<hbm>>
        %dma_start3A_358 = tpu.memref_slice %dma_start3A_357[%multiple_of3A_349] : memref<100000xf32, #tpu.memory_space<hbm>> -> memref<16xf32, #tpu.memory_space<hbm>>
        %dma_start3A_359 = tpu.memref_slice %arg15[%multiple_of3A_349] : memref<100000xf32, #tpu.memory_space<vmem>> -> memref<16xf32, #tpu.memory_space<vmem>>
        tpu.enqueue_dma source(%dma_start3A_359 : memref<16xf32, #tpu.memory_space<vmem>>) target(%dma_start3A_358 : memref<16xf32, #tpu.memory_space<hbm>>) target_semaphore(%arg19 : memref<!tpu.dma_semaphore, #tpu.memory_space<semaphore_mem>>)
        %slice3A_360 = vector.extract_strided_slice %and3A_168 {offsets = [15], sizes = [1], strides = [1]} : vector<16xi32> to vector<1xi32>
        %squeeze3A_361 = vector.extract %slice3A_360[0] : i32 from vector<1xi32>
        %multiple_of3A_362 = tpu.assume_multiple %squeeze3A_361, 16 : i32
        %dma_start3A_363 = tpu.memref_slice %arg15[%multiple_of3A_362] : memref<100000xf32, #tpu.memory_space<vmem>> -> memref<16xf32, #tpu.memory_space<vmem>>
        %dma_start3A_364 = arith.constant 0 : i32
        %dma_start3A_365 = tpu.memref_slice %arg7[%add3A_76, %dma_start3A_364] : memref<64x100000xf32, #tpu.memory_space<hbm>> -> memref<1x100000xf32, #tpu.memory_space<hbm>>
        %dma_start3A_366 = tpu.memref_squeeze %dma_start3A_365 : memref<1x100000xf32, #tpu.memory_space<hbm>> -> memref<100000xf32, #tpu.memory_space<hbm>>
        %dma_start3A_367 = tpu.memref_slice %dma_start3A_366[%multiple_of3A_362] : memref<100000xf32, #tpu.memory_space<hbm>> -> memref<16xf32, #tpu.memory_space<hbm>>
        %dma_start3A_368 = arith.constant 0 : i32
        %dma_start3A_369 = tpu.memref_slice %arg7[%add3A_76, %dma_start3A_368] : memref<64x100000xf32, #tpu.memory_space<hbm>> -> memref<1x100000xf32, #tpu.memory_space<hbm>>
        %dma_start3A_370 = tpu.memref_squeeze %dma_start3A_369 : memref<1x100000xf32, #tpu.memory_space<hbm>> -> memref<100000xf32, #tpu.memory_space<hbm>>
        %dma_start3A_371 = tpu.memref_slice %dma_start3A_370[%multiple_of3A_362] : memref<100000xf32, #tpu.memory_space<hbm>> -> memref<16xf32, #tpu.memory_space<hbm>>
        %dma_start3A_372 = tpu.memref_slice %arg15[%multiple_of3A_362] : memref<100000xf32, #tpu.memory_space<vmem>> -> memref<16xf32, #tpu.memory_space<vmem>>
        tpu.enqueue_dma source(%dma_start3A_372 : memref<16xf32, #tpu.memory_space<vmem>>) target(%dma_start3A_371 : memref<16xf32, #tpu.memory_space<hbm>>) target_semaphore(%arg19 : memref<!tpu.dma_semaphore, #tpu.memory_space<semaphore_mem>>)
      } else {
      }
      %ge3A_158 = arith.constant 2 : i32
      %ge3A_159 = arith.cmpi sge, %scan3A_155, %ge3A_158 : i32
      %convert_element_type3A_160 = arith.extui %ge3A_159 : i1 to i32
      %cond3A_161 = arith.constant 0 : i32
      %cond3A_162 = arith.cmpi ne, %convert_element_type3A_160, %cond3A_161 : i32
      scf.if %cond3A_162 {
        %dma_wait3A = arith.constant 0 : i32
        %dma_wait3A_163 = tpu.memref_slice %arg7[%add3A_76, %dma_wait3A] : memref<64x100000xf32, #tpu.memory_space<hbm>> -> memref<1x100000xf32, #tpu.memory_space<hbm>>
        %dma_wait3A_164 = tpu.memref_squeeze %dma_wait3A_163 : memref<1x100000xf32, #tpu.memory_space<hbm>> -> memref<100000xf32, #tpu.memory_space<hbm>>
        %dma_wait3A_165 = arith.constant 0 : i32
        %dma_wait3A_166 = tpu.memref_slice %dma_wait3A_164[%dma_wait3A_165] : memref<100000xf32, #tpu.memory_space<hbm>> -> memref<16xf32, #tpu.memory_space<hbm>>
        %dma_wait3A_167 = arith.constant 0 : i32
        %dma_wait3A_168 = tpu.memref_slice %arg7[%add3A_76, %dma_wait3A_167] : memref<64x100000xf32, #tpu.memory_space<hbm>> -> memref<1x100000xf32, #tpu.memory_space<hbm>>
        %dma_wait3A_169 = tpu.memref_squeeze %dma_wait3A_168 : memref<1x100000xf32, #tpu.memory_space<hbm>> -> memref<100000xf32, #tpu.memory_space<hbm>>
        %dma_wait3A_170 = arith.constant 0 : i32
        %dma_wait3A_171 = tpu.memref_slice %dma_wait3A_169[%dma_wait3A_170] : memref<100000xf32, #tpu.memory_space<hbm>> -> memref<16xf32, #tpu.memory_space<hbm>>
        tpu.wait_dma2 semaphore(%arg19 : memref<!tpu.dma_semaphore, #tpu.memory_space<semaphore_mem>>) src(%dma_wait3A_171 : memref<16xf32, #tpu.memory_space<hbm>>) dst(%arg18 : memref<16xf32, #tpu.memory_space<vmem>>)
        %dma_wait3A_172 = arith.constant 0 : i32
        %dma_wait3A_173 = tpu.memref_slice %arg7[%add3A_76, %dma_wait3A_172] : memref<64x100000xf32, #tpu.memory_space<hbm>> -> memref<1x100000xf32, #tpu.memory_space<hbm>>
        %dma_wait3A_174 = tpu.memref_squeeze %dma_wait3A_173 : memref<1x100000xf32, #tpu.memory_space<hbm>> -> memref<100000xf32, #tpu.memory_space<hbm>>
        %dma_wait3A_175 = arith.constant 0 : i32
        %dma_wait3A_176 = tpu.memref_slice %dma_wait3A_174[%dma_wait3A_175] : memref<100000xf32, #tpu.memory_space<hbm>> -> memref<16xf32, #tpu.memory_space<hbm>>
        %dma_wait3A_177 = arith.constant 0 : i32
        %dma_wait3A_178 = tpu.memref_slice %arg7[%add3A_76, %dma_wait3A_177] : memref<64x100000xf32, #tpu.memory_space<hbm>> -> memref<1x100000xf32, #tpu.memory_space<hbm>>
        %dma_wait3A_179 = tpu.memref_squeeze %dma_wait3A_178 : memref<1x100000xf32, #tpu.memory_space<hbm>> -> memref<100000xf32, #tpu.memory_space<hbm>>
        %dma_wait3A_180 = arith.constant 0 : i32
        %dma_wait3A_181 = tpu.memref_slice %dma_wait3A_179[%dma_wait3A_180] : memref<100000xf32, #tpu.memory_space<hbm>> -> memref<16xf32, #tpu.memory_space<hbm>>
        tpu.wait_dma2 semaphore(%arg19 : memref<!tpu.dma_semaphore, #tpu.memory_space<semaphore_mem>>) src(%dma_wait3A_181 : memref<16xf32, #tpu.memory_space<hbm>>) dst(%arg18 : memref<16xf32, #tpu.memory_space<vmem>>)
        %dma_wait3A_182 = arith.constant 0 : i32
        %dma_wait3A_183 = tpu.memref_slice %arg7[%add3A_76, %dma_wait3A_182] : memref<64x100000xf32, #tpu.memory_space<hbm>> -> memref<1x100000xf32, #tpu.memory_space<hbm>>
        %dma_wait3A_184 = tpu.memref_squeeze %dma_wait3A_183 : memref<1x100000xf32, #tpu.memory_space<hbm>> -> memref<100000xf32, #tpu.memory_space<hbm>>
        %dma_wait3A_185 = arith.constant 0 : i32
        %dma_wait3A_186 = tpu.memref_slice %dma_wait3A_184[%dma_wait3A_185] : memref<100000xf32, #tpu.memory_space<hbm>> -> memref<16xf32, #tpu.memory_space<hbm>>
        %dma_wait3A_187 = arith.constant 0 : i32
        %dma_wait3A_188 = tpu.memref_slice %arg7[%add3A_76, %dma_wait3A_187] : memref<64x100000xf32, #tpu.memory_space<hbm>> -> memref<1x100000xf32, #tpu.memory_space<hbm>>
        %dma_wait3A_189 = tpu.memref_squeeze %dma_wait3A_188 : memref<1x100000xf32, #tpu.memory_space<hbm>> -> memref<100000xf32, #tpu.memory_space<hbm>>
        %dma_wait3A_190 = arith.constant 0 : i32
        %dma_wait3A_191 = tpu.memref_slice %dma_wait3A_189[%dma_wait3A_190] : memref<100000xf32, #tpu.memory_space<hbm>> -> memref<16xf32, #tpu.memory_space<hbm>>
        tpu.wait_dma2 semaphore(%arg19 : memref<!tpu.dma_semaphore, #tpu.memory_space<semaphore_mem>>) src(%dma_wait3A_191 : memref<16xf32, #tpu.memory_space<hbm>>) dst(%arg18 : memref<16xf32, #tpu.memory_space<vmem>>)
        %dma_wait3A_192 = arith.constant 0 : i32
        %dma_wait3A_193 = tpu.memref_slice %arg7[%add3A_76, %dma_wait3A_192] : memref<64x100000xf32, #tpu.memory_space<hbm>> -> memref<1x100000xf32, #tpu.memory_space<hbm>>
        %dma_wait3A_194 = tpu.memref_squeeze %dma_wait3A_193 : memref<1x100000xf32, #tpu.memory_space<hbm>> -> memref<100000xf32, #tpu.memory_space<hbm>>
        %dma_wait3A_195 = arith.constant 0 : i32
        %dma_wait3A_196 = tpu.memref_slice %dma_wait3A_194[%dma_wait3A_195] : memref<100000xf32, #tpu.memory_space<hbm>> -> memref<16xf32, #tpu.memory_space<hbm>>
        %dma_wait3A_197 = arith.constant 0 : i32
        %dma_wait3A_198 = tpu.memref_slice %arg7[%add3A_76, %dma_wait3A_197] : memref<64x100000xf32, #tpu.memory_space<hbm>> -> memref<1x100000xf32, #tpu.memory_space<hbm>>
        %dma_wait3A_199 = tpu.memref_squeeze %dma_wait3A_198 : memref<1x100000xf32, #tpu.memory_space<hbm>> -> memref<100000xf32, #tpu.memory_space<hbm>>
        %dma_wait3A_200 = arith.constant 0 : i32
        %dma_wait3A_201 = tpu.memref_slice %dma_wait3A_199[%dma_wait3A_200] : memref<100000xf32, #tpu.memory_space<hbm>> -> memref<16xf32, #tpu.memory_space<hbm>>
        tpu.wait_dma2 semaphore(%arg19 : memref<!tpu.dma_semaphore, #tpu.memory_space<semaphore_mem>>) src(%dma_wait3A_201 : memref<16xf32, #tpu.memory_space<hbm>>) dst(%arg18 : memref<16xf32, #tpu.memory_space<vmem>>)
        %dma_wait3A_202 = arith.constant 0 : i32
        %dma_wait3A_203 = tpu.memref_slice %arg7[%add3A_76, %dma_wait3A_202] : memref<64x100000xf32, #tpu.memory_space<hbm>> -> memref<1x100000xf32, #tpu.memory_space<hbm>>
        %dma_wait3A_204 = tpu.memref_squeeze %dma_wait3A_203 : memref<1x100000xf32, #tpu.memory_space<hbm>> -> memref<100000xf32, #tpu.memory_space<hbm>>
        %dma_wait3A_205 = arith.constant 0 : i32
        %dma_wait3A_206 = tpu.memref_slice %dma_wait3A_204[%dma_wait3A_205] : memref<100000xf32, #tpu.memory_space<hbm>> -> memref<16xf32, #tpu.memory_space<hbm>>
        %dma_wait3A_207 = arith.constant 0 : i32
        %dma_wait3A_208 = tpu.memref_slice %arg7[%add3A_76, %dma_wait3A_207] : memref<64x100000xf32, #tpu.memory_space<hbm>> -> memref<1x100000xf32, #tpu.memory_space<hbm>>
        %dma_wait3A_209 = tpu.memref_squeeze %dma_wait3A_208 : memref<1x100000xf32, #tpu.memory_space<hbm>> -> memref<100000xf32, #tpu.memory_space<hbm>>
        %dma_wait3A_210 = arith.constant 0 : i32
        %dma_wait3A_211 = tpu.memref_slice %dma_wait3A_209[%dma_wait3A_210] : memref<100000xf32, #tpu.memory_space<hbm>> -> memref<16xf32, #tpu.memory_space<hbm>>
        tpu.wait_dma2 semaphore(%arg19 : memref<!tpu.dma_semaphore, #tpu.memory_space<semaphore_mem>>) src(%dma_wait3A_211 : memref<16xf32, #tpu.memory_space<hbm>>) dst(%arg18 : memref<16xf32, #tpu.memory_space<vmem>>)
        %dma_wait3A_212 = arith.constant 0 : i32
        %dma_wait3A_213 = tpu.memref_slice %arg7[%add3A_76, %dma_wait3A_212] : memref<64x100000xf32, #tpu.memory_space<hbm>> -> memref<1x100000xf32, #tpu.memory_space<hbm>>
        %dma_wait3A_214 = tpu.memref_squeeze %dma_wait3A_213 : memref<1x100000xf32, #tpu.memory_space<hbm>> -> memref<100000xf32, #tpu.memory_space<hbm>>
        %dma_wait3A_215 = arith.constant 0 : i32
        %dma_wait3A_216 = tpu.memref_slice %dma_wait3A_214[%dma_wait3A_215] : memref<100000xf32, #tpu.memory_space<hbm>> -> memref<16xf32, #tpu.memory_space<hbm>>
        %dma_wait3A_217 = arith.constant 0 : i32
        %dma_wait3A_218 = tpu.memref_slice %arg7[%add3A_76, %dma_wait3A_217] : memref<64x100000xf32, #tpu.memory_space<hbm>> -> memref<1x100000xf32, #tpu.memory_space<hbm>>
        %dma_wait3A_219 = tpu.memref_squeeze %dma_wait3A_218 : memref<1x100000xf32, #tpu.memory_space<hbm>> -> memref<100000xf32, #tpu.memory_space<hbm>>
        %dma_wait3A_220 = arith.constant 0 : i32
        %dma_wait3A_221 = tpu.memref_slice %dma_wait3A_219[%dma_wait3A_220] : memref<100000xf32, #tpu.memory_space<hbm>> -> memref<16xf32, #tpu.memory_space<hbm>>
        tpu.wait_dma2 semaphore(%arg19 : memref<!tpu.dma_semaphore, #tpu.memory_space<semaphore_mem>>) src(%dma_wait3A_221 : memref<16xf32, #tpu.memory_space<hbm>>) dst(%arg18 : memref<16xf32, #tpu.memory_space<vmem>>)
        %dma_wait3A_222 = arith.constant 0 : i32
        %dma_wait3A_223 = tpu.memref_slice %arg7[%add3A_76, %dma_wait3A_222] : memref<64x100000xf32, #tpu.memory_space<hbm>> -> memref<1x100000xf32, #tpu.memory_space<hbm>>
        %dma_wait3A_224 = tpu.memref_squeeze %dma_wait3A_223 : memref<1x100000xf32, #tpu.memory_space<hbm>> -> memref<100000xf32, #tpu.memory_space<hbm>>
        %dma_wait3A_225 = arith.constant 0 : i32
        %dma_wait3A_226 = tpu.memref_slice %dma_wait3A_224[%dma_wait3A_225] : memref<100000xf32, #tpu.memory_space<hbm>> -> memref<16xf32, #tpu.memory_space<hbm>>
        %dma_wait3A_227 = arith.constant 0 : i32
        %dma_wait3A_228 = tpu.memref_slice %arg7[%add3A_76, %dma_wait3A_227] : memref<64x100000xf32, #tpu.memory_space<hbm>> -> memref<1x100000xf32, #tpu.memory_space<hbm>>
        %dma_wait3A_229 = tpu.memref_squeeze %dma_wait3A_228 : memref<1x100000xf32, #tpu.memory_space<hbm>> -> memref<100000xf32, #tpu.memory_space<hbm>>
        %dma_wait3A_230 = arith.constant 0 : i32
        %dma_wait3A_231 = tpu.memref_slice %dma_wait3A_229[%dma_wait3A_230] : memref<100000xf32, #tpu.memory_space<hbm>> -> memref<16xf32, #tpu.memory_space<hbm>>
        tpu.wait_dma2 semaphore(%arg19 : memref<!tpu.dma_semaphore, #tpu.memory_space<semaphore_mem>>) src(%dma_wait3A_231 : memref<16xf32, #tpu.memory_space<hbm>>) dst(%arg18 : memref<16xf32, #tpu.memory_space<vmem>>)
        %dma_wait3A_232 = arith.constant 0 : i32
        %dma_wait3A_233 = tpu.memref_slice %arg7[%add3A_76, %dma_wait3A_232] : memref<64x100000xf32, #tpu.memory_space<hbm>> -> memref<1x100000xf32, #tpu.memory_space<hbm>>
        %dma_wait3A_234 = tpu.memref_squeeze %dma_wait3A_233 : memref<1x100000xf32, #tpu.memory_space<hbm>> -> memref<100000xf32, #tpu.memory_space<hbm>>
        %dma_wait3A_235 = arith.constant 0 : i32
        %dma_wait3A_236 = tpu.memref_slice %dma_wait3A_234[%dma_wait3A_235] : memref<100000xf32, #tpu.memory_space<hbm>> -> memref<16xf32, #tpu.memory_space<hbm>>
        %dma_wait3A_237 = arith.constant 0 : i32
        %dma_wait3A_238 = tpu.memref_slice %arg7[%add3A_76, %dma_wait3A_237] : memref<64x100000xf32, #tpu.memory_space<hbm>> -> memref<1x100000xf32, #tpu.memory_space<hbm>>
        %dma_wait3A_239 = tpu.memref_squeeze %dma_wait3A_238 : memref<1x100000xf32, #tpu.memory_space<hbm>> -> memref<100000xf32, #tpu.memory_space<hbm>>
        %dma_wait3A_240 = arith.constant 0 : i32
        %dma_wait3A_241 = tpu.memref_slice %dma_wait3A_239[%dma_wait3A_240] : memref<100000xf32, #tpu.memory_space<hbm>> -> memref<16xf32, #tpu.memory_space<hbm>>
        tpu.wait_dma2 semaphore(%arg19 : memref<!tpu.dma_semaphore, #tpu.memory_space<semaphore_mem>>) src(%dma_wait3A_241 : memref<16xf32, #tpu.memory_space<hbm>>) dst(%arg18 : memref<16xf32, #tpu.memory_space<vmem>>)
        %dma_wait3A_242 = arith.constant 0 : i32
        %dma_wait3A_243 = tpu.memref_slice %arg7[%add3A_76, %dma_wait3A_242] : memref<64x100000xf32, #tpu.memory_space<hbm>> -> memref<1x100000xf32, #tpu.memory_space<hbm>>
        %dma_wait3A_244 = tpu.memref_squeeze %dma_wait3A_243 : memref<1x100000xf32, #tpu.memory_space<hbm>> -> memref<100000xf32, #tpu.memory_space<hbm>>
        %dma_wait3A_245 = arith.constant 0 : i32
        %dma_wait3A_246 = tpu.memref_slice %dma_wait3A_244[%dma_wait3A_245] : memref<100000xf32, #tpu.memory_space<hbm>> -> memref<16xf32, #tpu.memory_space<hbm>>
        %dma_wait3A_247 = arith.constant 0 : i32
        %dma_wait3A_248 = tpu.memref_slice %arg7[%add3A_76, %dma_wait3A_247] : memref<64x100000xf32, #tpu.memory_space<hbm>> -> memref<1x100000xf32, #tpu.memory_space<hbm>>
        %dma_wait3A_249 = tpu.memref_squeeze %dma_wait3A_248 : memref<1x100000xf32, #tpu.memory_space<hbm>> -> memref<100000xf32, #tpu.memory_space<hbm>>
        %dma_wait3A_250 = arith.constant 0 : i32
        %dma_wait3A_251 = tpu.memref_slice %dma_wait3A_249[%dma_wait3A_250] : memref<100000xf32, #tpu.memory_space<hbm>> -> memref<16xf32, #tpu.memory_space<hbm>>
        tpu.wait_dma2 semaphore(%arg19 : memref<!tpu.dma_semaphore, #tpu.memory_space<semaphore_mem>>) src(%dma_wait3A_251 : memref<16xf32, #tpu.memory_space<hbm>>) dst(%arg18 : memref<16xf32, #tpu.memory_space<vmem>>)
        %dma_wait3A_252 = arith.constant 0 : i32
        %dma_wait3A_253 = tpu.memref_slice %arg7[%add3A_76, %dma_wait3A_252] : memref<64x100000xf32, #tpu.memory_space<hbm>> -> memref<1x100000xf32, #tpu.memory_space<hbm>>
        %dma_wait3A_254 = tpu.memref_squeeze %dma_wait3A_253 : memref<1x100000xf32, #tpu.memory_space<hbm>> -> memref<100000xf32, #tpu.memory_space<hbm>>
        %dma_wait3A_255 = arith.constant 0 : i32
        %dma_wait3A_256 = tpu.memref_slice %dma_wait3A_254[%dma_wait3A_255] : memref<100000xf32, #tpu.memory_space<hbm>> -> memref<16xf32, #tpu.memory_space<hbm>>
        %dma_wait3A_257 = arith.constant 0 : i32
        %dma_wait3A_258 = tpu.memref_slice %arg7[%add3A_76, %dma_wait3A_257] : memref<64x100000xf32, #tpu.memory_space<hbm>> -> memref<1x100000xf32, #tpu.memory_space<hbm>>
        %dma_wait3A_259 = tpu.memref_squeeze %dma_wait3A_258 : memref<1x100000xf32, #tpu.memory_space<hbm>> -> memref<100000xf32, #tpu.memory_space<hbm>>
        %dma_wait3A_260 = arith.constant 0 : i32
        %dma_wait3A_261 = tpu.memref_slice %dma_wait3A_259[%dma_wait3A_260] : memref<100000xf32, #tpu.memory_space<hbm>> -> memref<16xf32, #tpu.memory_space<hbm>>
        tpu.wait_dma2 semaphore(%arg19 : memref<!tpu.dma_semaphore, #tpu.memory_space<semaphore_mem>>) src(%dma_wait3A_261 : memref<16xf32, #tpu.memory_space<hbm>>) dst(%arg18 : memref<16xf32, #tpu.memory_space<vmem>>)
        %dma_wait3A_262 = arith.constant 0 : i32
        %dma_wait3A_263 = tpu.memref_slice %arg7[%add3A_76, %dma_wait3A_262] : memref<64x100000xf32, #tpu.memory_space<hbm>> -> memref<1x100000xf32, #tpu.memory_space<hbm>>
        %dma_wait3A_264 = tpu.memref_squeeze %dma_wait3A_263 : memref<1x100000xf32, #tpu.memory_space<hbm>> -> memref<100000xf32, #tpu.memory_space<hbm>>
        %dma_wait3A_265 = arith.constant 0 : i32
        %dma_wait3A_266 = tpu.memref_slice %dma_wait3A_264[%dma_wait3A_265] : memref<100000xf32, #tpu.memory_space<hbm>> -> memref<16xf32, #tpu.memory_space<hbm>>
        %dma_wait3A_267 = arith.constant 0 : i32
        %dma_wait3A_268 = tpu.memref_slice %arg7[%add3A_76, %dma_wait3A_267] : memref<64x100000xf32, #tpu.memory_space<hbm>> -> memref<1x100000xf32, #tpu.memory_space<hbm>>
        %dma_wait3A_269 = tpu.memref_squeeze %dma_wait3A_268 : memref<1x100000xf32, #tpu.memory_space<hbm>> -> memref<100000xf32, #tpu.memory_space<hbm>>
        %dma_wait3A_270 = arith.constant 0 : i32
        %dma_wait3A_271 = tpu.memref_slice %dma_wait3A_269[%dma_wait3A_270] : memref<100000xf32, #tpu.memory_space<hbm>> -> memref<16xf32, #tpu.memory_space<hbm>>
        tpu.wait_dma2 semaphore(%arg19 : memref<!tpu.dma_semaphore, #tpu.memory_space<semaphore_mem>>) src(%dma_wait3A_271 : memref<16xf32, #tpu.memory_space<hbm>>) dst(%arg18 : memref<16xf32, #tpu.memory_space<vmem>>)
        %dma_wait3A_272 = arith.constant 0 : i32
        %dma_wait3A_273 = tpu.memref_slice %arg7[%add3A_76, %dma_wait3A_272] : memref<64x100000xf32, #tpu.memory_space<hbm>> -> memref<1x100000xf32, #tpu.memory_space<hbm>>
        %dma_wait3A_274 = tpu.memref_squeeze %dma_wait3A_273 : memref<1x100000xf32, #tpu.memory_space<hbm>> -> memref<100000xf32, #tpu.memory_space<hbm>>
        %dma_wait3A_275 = arith.constant 0 : i32
        %dma_wait3A_276 = tpu.memref_slice %dma_wait3A_274[%dma_wait3A_275] : memref<100000xf32, #tpu.memory_space<hbm>> -> memref<16xf32, #tpu.memory_space<hbm>>
        %dma_wait3A_277 = arith.constant 0 : i32
        %dma_wait3A_278 = tpu.memref_slice %arg7[%add3A_76, %dma_wait3A_277] : memref<64x100000xf32, #tpu.memory_space<hbm>> -> memref<1x100000xf32, #tpu.memory_space<hbm>>
        %dma_wait3A_279 = tpu.memref_squeeze %dma_wait3A_278 : memref<1x100000xf32, #tpu.memory_space<hbm>> -> memref<100000xf32, #tpu.memory_space<hbm>>
        %dma_wait3A_280 = arith.constant 0 : i32
        %dma_wait3A_281 = tpu.memref_slice %dma_wait3A_279[%dma_wait3A_280] : memref<100000xf32, #tpu.memory_space<hbm>> -> memref<16xf32, #tpu.memory_space<hbm>>
        tpu.wait_dma2 semaphore(%arg19 : memref<!tpu.dma_semaphore, #tpu.memory_space<semaphore_mem>>) src(%dma_wait3A_281 : memref<16xf32, #tpu.memory_space<hbm>>) dst(%arg18 : memref<16xf32, #tpu.memory_space<vmem>>)
        %dma_wait3A_282 = arith.constant 0 : i32
        %dma_wait3A_283 = tpu.memref_slice %arg7[%add3A_76, %dma_wait3A_282] : memref<64x100000xf32, #tpu.memory_space<hbm>> -> memref<1x100000xf32, #tpu.memory_space<hbm>>
        %dma_wait3A_284 = tpu.memref_squeeze %dma_wait3A_283 : memref<1x100000xf32, #tpu.memory_space<hbm>> -> memref<100000xf32, #tpu.memory_space<hbm>>
        %dma_wait3A_285 = arith.constant 0 : i32
        %dma_wait3A_286 = tpu.memref_slice %dma_wait3A_284[%dma_wait3A_285] : memref<100000xf32, #tpu.memory_space<hbm>> -> memref<16xf32, #tpu.memory_space<hbm>>
        %dma_wait3A_287 = arith.constant 0 : i32
        %dma_wait3A_288 = tpu.memref_slice %arg7[%add3A_76, %dma_wait3A_287] : memref<64x100000xf32, #tpu.memory_space<hbm>> -> memref<1x100000xf32, #tpu.memory_space<hbm>>
        %dma_wait3A_289 = tpu.memref_squeeze %dma_wait3A_288 : memref<1x100000xf32, #tpu.memory_space<hbm>> -> memref<100000xf32, #tpu.memory_space<hbm>>
        %dma_wait3A_290 = arith.constant 0 : i32
        %dma_wait3A_291 = tpu.memref_slice %dma_wait3A_289[%dma_wait3A_290] : memref<100000xf32, #tpu.memory_space<hbm>> -> memref<16xf32, #tpu.memory_space<hbm>>
        tpu.wait_dma2 semaphore(%arg19 : memref<!tpu.dma_semaphore, #tpu.memory_space<semaphore_mem>>) src(%dma_wait3A_291 : memref<16xf32, #tpu.memory_space<hbm>>) dst(%arg18 : memref<16xf32, #tpu.memory_space<vmem>>)
        %dma_wait3A_292 = arith.constant 0 : i32
        %dma_wait3A_293 = tpu.memref_slice %arg7[%add3A_76, %dma_wait3A_292] : memref<64x100000xf32, #tpu.memory_space<hbm>> -> memref<1x100000xf32, #tpu.memory_space<hbm>>
        %dma_wait3A_294 = tpu.memref_squeeze %dma_wait3A_293 : memref<1x100000xf32, #tpu.memory_space<hbm>> -> memref<100000xf32, #tpu.memory_space<hbm>>
        %dma_wait3A_295 = arith.constant 0 : i32
        %dma_wait3A_296 = tpu.memref_slice %dma_wait3A_294[%dma_wait3A_295] : memref<100000xf32, #tpu.memory_space<hbm>> -> memref<16xf32, #tpu.memory_space<hbm>>
        %dma_wait3A_297 = arith.constant 0 : i32
        %dma_wait3A_298 = tpu.memref_slice %arg7[%add3A_76, %dma_wait3A_297] : memref<64x100000xf32, #tpu.memory_space<hbm>> -> memref<1x100000xf32, #tpu.memory_space<hbm>>
        %dma_wait3A_299 = tpu.memref_squeeze %dma_wait3A_298 : memref<1x100000xf32, #tpu.memory_space<hbm>> -> memref<100000xf32, #tpu.memory_space<hbm>>
        %dma_wait3A_300 = arith.constant 0 : i32
        %dma_wait3A_301 = tpu.memref_slice %dma_wait3A_299[%dma_wait3A_300] : memref<100000xf32, #tpu.memory_space<hbm>> -> memref<16xf32, #tpu.memory_space<hbm>>
        tpu.wait_dma2 semaphore(%arg19 : memref<!tpu.dma_semaphore, #tpu.memory_space<semaphore_mem>>) src(%dma_wait3A_301 : memref<16xf32, #tpu.memory_space<hbm>>) dst(%arg18 : memref<16xf32, #tpu.memory_space<vmem>>)
        %dma_wait3A_302 = arith.constant 0 : i32
        %dma_wait3A_303 = tpu.memref_slice %arg7[%add3A_76, %dma_wait3A_302] : memref<64x100000xf32, #tpu.memory_space<hbm>> -> memref<1x100000xf32, #tpu.memory_space<hbm>>
        %dma_wait3A_304 = tpu.memref_squeeze %dma_wait3A_303 : memref<1x100000xf32, #tpu.memory_space<hbm>> -> memref<100000xf32, #tpu.memory_space<hbm>>
        %dma_wait3A_305 = arith.constant 0 : i32
        %dma_wait3A_306 = tpu.memref_slice %dma_wait3A_304[%dma_wait3A_305] : memref<100000xf32, #tpu.memory_space<hbm>> -> memref<16xf32, #tpu.memory_space<hbm>>
        %dma_wait3A_307 = arith.constant 0 : i32
        %dma_wait3A_308 = tpu.memref_slice %arg7[%add3A_76, %dma_wait3A_307] : memref<64x100000xf32, #tpu.memory_space<hbm>> -> memref<1x100000xf32, #tpu.memory_space<hbm>>
        %dma_wait3A_309 = tpu.memref_squeeze %dma_wait3A_308 : memref<1x100000xf32, #tpu.memory_space<hbm>> -> memref<100000xf32, #tpu.memory_space<hbm>>
        %dma_wait3A_310 = arith.constant 0 : i32
        %dma_wait3A_311 = tpu.memref_slice %dma_wait3A_309[%dma_wait3A_310] : memref<100000xf32, #tpu.memory_space<hbm>> -> memref<16xf32, #tpu.memory_space<hbm>>
        tpu.wait_dma2 semaphore(%arg19 : memref<!tpu.dma_semaphore, #tpu.memory_space<semaphore_mem>>) src(%dma_wait3A_311 : memref<16xf32, #tpu.memory_space<hbm>>) dst(%arg18 : memref<16xf32, #tpu.memory_space<vmem>>)
        %dma_wait3A_312 = arith.constant 0 : i32
        %dma_wait3A_313 = tpu.memref_slice %arg7[%add3A_76, %dma_wait3A_312] : memref<64x100000xf32, #tpu.memory_space<hbm>> -> memref<1x100000xf32, #tpu.memory_space<hbm>>
        %dma_wait3A_314 = tpu.memref_squeeze %dma_wait3A_313 : memref<1x100000xf32, #tpu.memory_space<hbm>> -> memref<100000xf32, #tpu.memory_space<hbm>>
        %dma_wait3A_315 = arith.constant 0 : i32
        %dma_wait3A_316 = tpu.memref_slice %dma_wait3A_314[%dma_wait3A_315] : memref<100000xf32, #tpu.memory_space<hbm>> -> memref<16xf32, #tpu.memory_space<hbm>>
        %dma_wait3A_317 = arith.constant 0 : i32
        %dma_wait3A_318 = tpu.memref_slice %arg7[%add3A_76, %dma_wait3A_317] : memref<64x100000xf32, #tpu.memory_space<hbm>> -> memref<1x100000xf32, #tpu.memory_space<hbm>>
        %dma_wait3A_319 = tpu.memref_squeeze %dma_wait3A_318 : memref<1x100000xf32, #tpu.memory_space<hbm>> -> memref<100000xf32, #tpu.memory_space<hbm>>
        %dma_wait3A_320 = arith.constant 0 : i32
        %dma_wait3A_321 = tpu.memref_slice %dma_wait3A_319[%dma_wait3A_320] : memref<100000xf32, #tpu.memory_space<hbm>> -> memref<16xf32, #tpu.memory_space<hbm>>
        tpu.wait_dma2 semaphore(%arg19 : memref<!tpu.dma_semaphore, #tpu.memory_space<semaphore_mem>>) src(%dma_wait3A_321 : memref<16xf32, #tpu.memory_space<hbm>>) dst(%arg18 : memref<16xf32, #tpu.memory_space<vmem>>)
      } else {
      }
    }
    %scan3A_140 = arith.constant 27 : i32
    "tpu.region"() ({
      %run_scoped3A = tpu.sem_alloc : memref<!tpu.dma_semaphore, #tpu.memory_space<semaphore_mem>>
      %dma_start3A = arith.constant 0 : i32
      %dma_start3A_155 = tpu.memref_slice %arg5[%add3A_76, %dma_start3A] : memref<64x16xf32, #tpu.memory_space<hbm>> -> memref<1x16xf32, #tpu.memory_space<hbm>>
      %dma_start3A_156 = tpu.memref_squeeze %dma_start3A_155 : memref<1x16xf32, #tpu.memory_space<hbm>> -> memref<16xf32, #tpu.memory_space<hbm>>
      %dma_start3A_157 = arith.constant 0 : i32
      %dma_start3A_158 = tpu.memref_slice %arg5[%add3A_76, %dma_start3A_157] : memref<64x16xf32, #tpu.memory_space<hbm>> -> memref<1x16xf32, #tpu.memory_space<hbm>>
      %dma_start3A_159 = tpu.memref_squeeze %dma_start3A_158 : memref<1x16xf32, #tpu.memory_space<hbm>> -> memref<16xf32, #tpu.memory_space<hbm>>
      tpu.enqueue_dma source(%dma_start3A_159 : memref<16xf32, #tpu.memory_space<hbm>>) target(%arg17 : memref<16xf32, #tpu.memory_space<vmem>>) target_semaphore(%run_scoped3A : memref<!tpu.dma_semaphore, #tpu.memory_space<semaphore_mem>>)
      %dma_wait3A = arith.constant 0 : i32
      %dma_wait3A_160 = tpu.memref_slice %arg5[%add3A_76, %dma_wait3A] : memref<64x16xf32, #tpu.memory_space<hbm>> -> memref<1x16xf32, #tpu.memory_space<hbm>>
      %dma_wait3A_161 = tpu.memref_squeeze %dma_wait3A_160 : memref<1x16xf32, #tpu.memory_space<hbm>> -> memref<16xf32, #tpu.memory_space<hbm>>
      %dma_wait3A_162 = arith.constant 0 : i32
      %dma_wait3A_163 = tpu.memref_slice %arg5[%add3A_76, %dma_wait3A_162] : memref<64x16xf32, #tpu.memory_space<hbm>> -> memref<1x16xf32, #tpu.memory_space<hbm>>
      %dma_wait3A_164 = tpu.memref_squeeze %dma_wait3A_163 : memref<1x16xf32, #tpu.memory_space<hbm>> -> memref<16xf32, #tpu.memory_space<hbm>>
      tpu.wait_dma2 semaphore(%run_scoped3A : memref<!tpu.dma_semaphore, #tpu.memory_space<semaphore_mem>>) src(%dma_wait3A_164 : memref<16xf32, #tpu.memory_space<hbm>>) dst(%arg17 : memref<16xf32, #tpu.memory_space<vmem>>)
      tpu.yield
    }) : () -> ()
    %get3A_141 = arith.constant 0 : index
    %get3A_142 = tpu.vector_load %arg17[%get3A_141] {strides = array<i32>} : memref<16xf32, #tpu.memory_space<vmem>>, vector<16xf32>,
    %exp3A_143 = math.exp %get3A_142 : vector<16xf32>
    %mul3A_144 = arith.mulf %sub3A_105, %exp3A_143 : vector<16xf32>
    %add3A_145 = arith.constant 1.000000e-10 : f32
    %add3A_146 = vector.broadcast %add3A_145 : f32 to vector<16xf32>
    %add3A_147 = arith.addf %mul3A_144, %add3A_146 : vector<16xf32>
    "tpu.region"() ({
      %run_scoped3A = tpu.sem_alloc : memref<!tpu.dma_semaphore, #tpu.memory_space<semaphore_mem>>
      %dma_start3A = arith.constant 0 : i32
      %dma_start3A_155 = tpu.memref_slice %arg6[%add3A_76, %dma_start3A] : memref<64x16xi32, #tpu.memory_space<hbm>> -> memref<1x16xi32, #tpu.memory_space<hbm>>
      %dma_start3A_156 = tpu.memref_squeeze %dma_start3A_155 : memref<1x16xi32, #tpu.memory_space<hbm>> -> memref<16xi32, #tpu.memory_space<hbm>>
      %dma_start3A_157 = arith.constant 0 : i32
      %dma_start3A_158 = tpu.memref_slice %arg6[%add3A_76, %dma_start3A_157] : memref<64x16xi32, #tpu.memory_space<hbm>> -> memref<1x16xi32, #tpu.memory_space<hbm>>
      %dma_start3A_159 = tpu.memref_squeeze %dma_start3A_158 : memref<1x16xi32, #tpu.memory_space<hbm>> -> memref<16xi32, #tpu.memory_space<hbm>>
      tpu.enqueue_dma source(%dma_start3A_159 : memref<16xi32, #tpu.memory_space<hbm>>) target(%arg16 : memref<16xi32, #tpu.memory_space<vmem>>) target_semaphore(%run_scoped3A : memref<!tpu.dma_semaphore, #tpu.memory_space<semaphore_mem>>)
      %dma_wait3A = arith.constant 0 : i32
      %dma_wait3A_160 = tpu.memref_slice %arg6[%add3A_76, %dma_wait3A] : memref<64x16xi32, #tpu.memory_space<hbm>> -> memref<1x16xi32, #tpu.memory_space<hbm>>
      %dma_wait3A_161 = tpu.memref_squeeze %dma_wait3A_160 : memref<1x16xi32, #tpu.memory_space<hbm>> -> memref<16xi32, #tpu.memory_space<hbm>>
      %dma_wait3A_162 = arith.constant 0 : i32
      %dma_wait3A_163 = tpu.memref_slice %arg6[%add3A_76, %dma_wait3A_162] : memref<64x16xi32, #tpu.memory_space<hbm>> -> memref<1x16xi32, #tpu.memory_space<hbm>>
      %dma_wait3A_164 = tpu.memref_squeeze %dma_wait3A_163 : memref<1x16xi32, #tpu.memory_space<hbm>> -> memref<16xi32, #tpu.memory_space<hbm>>
      tpu.wait_dma2 semaphore(%run_scoped3A : memref<!tpu.dma_semaphore, #tpu.memory_space<semaphore_mem>>) src(%dma_wait3A_164 : memref<16xi32, #tpu.memory_space<hbm>>) dst(%arg16 : memref<16xi32, #tpu.memory_space<vmem>>)
      tpu.yield
    }) : () -> ()
    %get3A_148 = arith.constant 0 : index
    %get3A_149 = tpu.vector_load %arg16[%get3A_148] {strides = array<i32>} : memref<16xi32, #tpu.memory_space<vmem>>, vector<16xi32>,
    %broadcast_in_dim3A_150 = vector.broadcast %reduce_min3A_134 : i32 to vector<16xi32>
    %ge3A_151 = arith.cmpf oge, %broadcast_in_dim3A_118, %add3A_147 : vector<16xf32>
    %select_n3A_152 = arith.select %ge3A_151, %broadcast_in_dim3A_150, %get3A_149 : vector<16xi1>, vector<16xi32>
    %swap3A_153 = arith.constant 0 : index
    %swap3A_154 = tpu.vector_load %arg16[%swap3A_153] {strides = array<i32>} : memref<16xi32, #tpu.memory_space<vmem>>, vector<16xi32>,
    tpu.vector_store %arg16[%swap3A_153], %select_n3A_152 {strides = array<i32>} : memref<16xi32, #tpu.memory_space<vmem>>, vector<16xi32>,
    "tpu.region"() ({
      %run_scoped3A = tpu.sem_alloc : memref<!tpu.dma_semaphore, #tpu.memory_space<semaphore_mem>>
      %dma_start3A = arith.constant 0 : i32
      %dma_start3A_155 = tpu.memref_slice %arg9[%add3A_76, %dma_start3A] : memref<64x16xi32, #tpu.memory_space<hbm>> -> memref<1x16xi32, #tpu.memory_space<hbm>>
      %dma_start3A_156 = tpu.memref_squeeze %dma_start3A_155 : memref<1x16xi32, #tpu.memory_space<hbm>> -> memref<16xi32, #tpu.memory_space<hbm>>
      %dma_start3A_157 = arith.constant 0 : i32
      %dma_start3A_158 = tpu.memref_slice %arg9[%add3A_76, %dma_start3A_157] : memref<64x16xi32, #tpu.memory_space<hbm>> -> memref<1x16xi32, #tpu.memory_space<hbm>>
      %dma_start3A_159 = tpu.memref_squeeze %dma_start3A_158 : memref<1x16xi32, #tpu.memory_space<hbm>> -> memref<16xi32, #tpu.memory_space<hbm>>
      tpu.enqueue_dma source(%arg16 : memref<16xi32, #tpu.memory_space<vmem>>) target(%dma_start3A_159 : memref<16xi32, #tpu.memory_space<hbm>>) target_semaphore(%run_scoped3A : memref<!tpu.dma_semaphore, #tpu.memory_space<semaphore_mem>>)
      %dma_wait3A = arith.constant 0 : i32
      %dma_wait3A_160 = tpu.memref_slice %arg9[%add3A_76, %dma_wait3A] : memref<64x16xi32, #tpu.memory_space<hbm>> -> memref<1x16xi32, #tpu.memory_space<hbm>>
      %dma_wait3A_161 = tpu.memref_squeeze %dma_wait3A_160 : memref<1x16xi32, #tpu.memory_space<hbm>> -> memref<16xi32, #tpu.memory_space<hbm>>
      %dma_wait3A_162 = arith.constant 0 : i32
      %dma_wait3A_163 = tpu.memref_slice %arg9[%add3A_76, %dma_wait3A_162] : memref<64x16xi32, #tpu.memory_space<hbm>> -> memref<1x16xi32, #tpu.memory_space<hbm>>
      %dma_wait3A_164 = tpu.memref_squeeze %dma_wait3A_163 : memref<1x16xi32, #tpu.memory_space<hbm>> -> memref<16xi32, #tpu.memory_space<hbm>>
      tpu.wait_dma2 semaphore(%run_scoped3A : memref<!tpu.dma_semaphore, #tpu.memory_space<semaphore_mem>>) src(%arg16 : memref<16xi32, #tpu.memory_space<vmem>>) dst(%dma_wait3A_164 : memref<16xi32, #tpu.memory_space<hbm>>)
      tpu.yield
    }) : () -> ()
    return
  }
}

module attributes {stable_mosaic.version = 14 : i64} {
  func.func @_main_body(%arg0: i32, %arg1: memref<64x25088xf32, #tpu.memory_space<vmem>>, %arg2: memref<64x1536xf32, #tpu.memory_space<vmem>>, %arg3: memref<64x512xf32, #tpu.memory_space<vmem>>, %arg4: memref<64x256xf32, #tpu.memory_space<vmem>>, %arg5: memref<1x2304xf32, #tpu.memory_space<vmem>>, %arg6: memref<1x1xf32, #tpu.memory_space<vmem>>, %arg7: memref<64x25088xf32, #tpu.memory_space<vmem>>, %arg8: memref<64x16xf32, #tpu.memory_space<vmem>>, %arg9: memref<64x16xf32, #tpu.memory_space<vmem>>, %arg10: memref<64x16xi32, #tpu.memory_space<vmem>>, %arg11: memref<64x1xf32, #tpu.memory_space<vmem>>, %arg12: memref<64x1xf32, #tpu.memory_space<vmem>>, %arg13: memref<64x1xi32, #tpu.memory_space<vmem>>) attributes {dimension_semantics = [#tpu.dimension_semantics<arbitrary>], iteration_bounds = array<i64: 4>, scalar_prefetch = 0 : i64, scratch_operands = 3 : i64, tpu.core_type = #tpu.core_type<tc>, window_params = [{transform_indices = @transform_0, window_bounds = array<i64: 64, 25088>}, {pipeline_mode = #tpu.pipeline_mode<synchronous>, transform_indices = @transform_1, window_bounds = array<i64: 64, 1536>}, {pipeline_mode = #tpu.pipeline_mode<synchronous>, transform_indices = @transform_2, window_bounds = array<i64: 64, 512>}, {pipeline_mode = #tpu.pipeline_mode<synchronous>, transform_indices = @transform_3, window_bounds = array<i64: 64, 256>}, {pipeline_mode = #tpu.pipeline_mode<synchronous>, transform_indices = @transform_4, window_bounds = array<i64: 1, 2304>}, {pipeline_mode = #tpu.pipeline_mode<synchronous>, transform_indices = @transform_5, window_bounds = array<i64: 1, 1>}, {transform_indices = @transform_6, window_bounds = array<i64: 64, 25088>}, {pipeline_mode = #tpu.pipeline_mode<synchronous>, transform_indices = @transform_7, window_bounds = array<i64: 64, 16>}, {pipeline_mode = #tpu.pipeline_mode<synchronous>, transform_indices = @transform_8, window_bounds = array<i64: 64, 16>}, {pipeline_mode = #tpu.pipeline_mode<synchronous>, transform_indices = @transform_9, window_bounds = array<i64: 64, 16>}]} {
    %eq3A = arith.constant 0 : i32
    %eq3A_0 = arith.cmpi eq, %arg0, %eq3A : i32
    %convert_element_type3A = arith.extui %eq3A_0 : i1 to i32
    %cond3A = arith.constant 0 : i32
    %cond3A_1 = arith.cmpi ne, %convert_element_type3A, %cond3A : i32
    scf.if %cond3A_1 {
      %get3A_41 = arith.constant 0 : index
      %get3A_42 = arith.constant 0 : index
      %get3A_43 = vector.load %arg5[%get3A_41, %get3A_42] : memref<1x2304xf32, #tpu.memory_space<vmem>>, vector<1x2304xf32>
      %get3A_44 = arith.constant 0 : index
      %get3A_45 = arith.constant 0 : index
      %get3A_46 = vector.load %arg2[%get3A_44, %get3A_45] : memref<64x1536xf32, #tpu.memory_space<vmem>>, vector<64x1536xf32>
      %get3A_47 = arith.constant 0 : index
      %get3A_48 = arith.constant 0 : index
      %get3A_49 = vector.load %arg3[%get3A_47, %get3A_48] : memref<64x512xf32, #tpu.memory_space<vmem>>, vector<64x512xf32>
      %get3A_50 = arith.constant 0 : index
      %get3A_51 = arith.constant 0 : index
      %get3A_52 = vector.load %arg4[%get3A_50, %get3A_51] : memref<64x256xf32, #tpu.memory_space<vmem>>, vector<64x256xf32>
      %slice3A = vector.extract_strided_slice %get3A_43 {offsets = [0, 0], sizes = [1, 1536], strides = [1, 1]} : vector<1x2304xf32> to vector<1x1536xf32>
      %mul3A_53 = vector.broadcast %slice3A : vector<1x1536xf32> to vector<64x1536xf32>
      %mul3A_54 = arith.mulf %get3A_46, %mul3A_53 : vector<64x1536xf32>
      %reduce_sum3A = arith.constant dense<0.000000e+00> : vector<64xf32>
      %reduce_sum3A_55 = vector.multi_reduction <add>, %mul3A_54, %reduce_sum3A [1] : vector<64x1536xf32> to vector<64xf32>
      %broadcast_in_dim3A_56 = vector.shape_cast %reduce_sum3A_55 : vector<64xf32> to vector<64x1xf32>
      %slice3A_57 = vector.extract_strided_slice %get3A_43 {offsets = [0, 1536], sizes = [1, 512], strides = [1, 1]} : vector<1x2304xf32> to vector<1x512xf32>
      %mul3A_58 = vector.broadcast %slice3A_57 : vector<1x512xf32> to vector<64x512xf32>
      %mul3A_59 = arith.mulf %get3A_49, %mul3A_58 : vector<64x512xf32>
      %reduce_sum3A_60 = arith.constant dense<0.000000e+00> : vector<64xf32>
      %reduce_sum3A_61 = vector.multi_reduction <add>, %mul3A_59, %reduce_sum3A_60 [1] : vector<64x512xf32> to vector<64xf32>
      %broadcast_in_dim3A_62 = vector.shape_cast %reduce_sum3A_61 : vector<64xf32> to vector<64x1xf32>
      %slice3A_63 = vector.extract_strided_slice %get3A_43 {offsets = [0, 2048], sizes = [1, 256], strides = [1, 1]} : vector<1x2304xf32> to vector<1x256xf32>
      %mul3A_64 = vector.broadcast %slice3A_63 : vector<1x256xf32> to vector<64x256xf32>
      %mul3A_65 = arith.mulf %get3A_52, %mul3A_64 : vector<64x256xf32>
      %reduce_sum3A_66 = arith.constant dense<0.000000e+00> : vector<64xf32>
      %reduce_sum3A_67 = vector.multi_reduction <add>, %mul3A_65, %reduce_sum3A_66 [1] : vector<64x256xf32> to vector<64xf32>
      %broadcast_in_dim3A_68 = vector.shape_cast %reduce_sum3A_67 : vector<64xf32> to vector<64x1xf32>
      %add3A_69 = arith.addf %broadcast_in_dim3A_56, %broadcast_in_dim3A_62 : vector<64x1xf32>
      %add3A_70 = arith.addf %add3A_69, %broadcast_in_dim3A_68 : vector<64x1xf32>
      %get3A_71 = arith.constant 0 : index
      %get3A_72 = arith.constant 0 : index
      %get3A_73 = vector.load %arg6[%get3A_71, %get3A_72] : memref<1x1xf32, #tpu.memory_space<vmem>>, vector<1x1xf32>
      %get3A_74 = vector.extract %get3A_73[0, 0] : f32 from vector<1x1xf32>
      %add3A_75 = vector.broadcast %get3A_74 : f32 to vector<64x1xf32>
      %add3A_76 = arith.addf %add3A_70, %add3A_75 : vector<64x1xf32>
      %neg3A = arith.constant 0.000000e+00 : f32
      %neg3A_77 = vector.broadcast %neg3A : f32 to vector<64x1xf32>
      %neg3A_78 = arith.subf %neg3A_77, %add3A_76 : vector<64x1xf32>
      %exp3A_79 = math.exp %neg3A_78 : vector<64x1xf32>
      %add3A_80 = arith.constant 1.000000e+00 : f32
      %add3A_81 = vector.broadcast %add3A_80 : f32 to vector<64x1xf32>
      %add3A_82 = arith.addf %add3A_81, %exp3A_79 : vector<64x1xf32>
      %div3A = arith.constant 1.000000e+00 : f32
      %div3A_83 = vector.broadcast %div3A : f32 to vector<64x1xf32>
      %div3A_84 = arith.divf %div3A_83, %add3A_82 : vector<64x1xf32>
      %broadcast_in_dim3A_85 = vector.shape_cast %div3A_84 : vector<64x1xf32> to vector<64x1xf32>
      %broadcast_in_dim3A_86 = vector.broadcast %broadcast_in_dim3A_85 : vector<64x1xf32> to vector<64x16xf32>
      %swap3A_87 = arith.constant 0 : index
      %swap3A_88 = arith.constant 0 : index
      %swap3A_89 = vector.load %arg8[%swap3A_87, %swap3A_88] : memref<64x16xf32, #tpu.memory_space<vmem>>, vector<64x16xf32>
      tpu.vector_store %arg8[%swap3A_87, %swap3A_88], %broadcast_in_dim3A_86 {strides = array<i32>} : memref<64x16xf32, #tpu.memory_space<vmem>>, vector<64x16xf32>,
      %sub3A = arith.constant 1.000000e+00 : f32
      %sub3A_90 = vector.broadcast %sub3A : f32 to vector<64x1xf32>
      %sub3A_91 = arith.subf %sub3A_90, %div3A_84 : vector<64x1xf32>
      %swap3A_92 = arith.constant 0 : index
      %swap3A_93 = arith.constant 0 : index
      %swap3A_94 = vector.load %arg11[%swap3A_92, %swap3A_93] : memref<64x1xf32, #tpu.memory_space<vmem>>, vector<64x1xf32>
      tpu.vector_store %arg11[%swap3A_92, %swap3A_93], %sub3A_91 {strides = array<i32>} : memref<64x1xf32, #tpu.memory_space<vmem>>, vector<64x1xf32>,
    } else {
    }
    %get3A = arith.constant 0 : index
    %get3A_2 = arith.constant 0 : index
    %get3A_3 = vector.load %arg1[%get3A, %get3A_2] : memref<64x25088xf32, #tpu.memory_space<vmem>>, vector<64x25088xf32>
    %get3A_4 = arith.constant 0 : index
    %get3A_5 = arith.constant 0 : index
    %get3A_6 = vector.load %arg11[%get3A_4, %get3A_5] : memref<64x1xf32, #tpu.memory_space<vmem>>, vector<64x1xf32>
    %exp3A = math.exp %get3A_3 : vector<64x25088xf32>
    %mul3A = vector.broadcast %get3A_6 : vector<64x1xf32> to vector<64x25088xf32>
    %mul3A_7 = arith.mulf %mul3A, %exp3A : vector<64x25088xf32>
    %add3A = arith.constant 1.000000e-10 : f32
    %add3A_8 = vector.broadcast %add3A : f32 to vector<64x25088xf32>
    %add3A_9 = arith.addf %mul3A_7, %add3A_8 : vector<64x25088xf32>
    %log3A = math.log %add3A_9 : vector<64x25088xf32>
    %swap3A = arith.constant 0 : index
    %swap3A_10 = arith.constant 0 : index
    %swap3A_11 = vector.load %arg7[%swap3A, %swap3A_10] : memref<64x25088xf32, #tpu.memory_space<vmem>>, vector<64x25088xf32>
    tpu.vector_store %arg7[%swap3A, %swap3A_10], %log3A {strides = array<i32>} : memref<64x25088xf32, #tpu.memory_space<vmem>>, vector<64x25088xf32>,
    %mul3A_12 = arith.constant 25088 : i32
    %mul3A_13 = arith.muli %arg0, %mul3A_12 : i32
    %iota3A = tpu.iota {dimensions = array<i32: 1>} : vector<64x25088xi32>
    %add3A_14 = vector.broadcast %mul3A_13 : i32 to vector<64x25088xi32>
    %add3A_15 = arith.addi %add3A_14, %iota3A : vector<64x25088xi32>
    %lt3A = arith.constant 100000 : i32
    %lt3A_16 = vector.broadcast %lt3A : i32 to vector<64x25088xi32>
    %lt3A_17 = arith.cmpi slt, %add3A_15, %lt3A_16 : vector<64x25088xi32>
    %jit3A = arith.constant -1.000000e+30 : f32
    %broadcast_in_dim3A = vector.broadcast %jit3A : f32 to vector<64x25088xf32>
    %select_n3A = arith.select %lt3A_17, %get3A_3, %broadcast_in_dim3A : vector<64x25088xi1>, vector<64x25088xf32>
    %reduce_max3A = arith.constant dense<0xFF800000> : vector<64xf32>
    %reduce_max3A_18 = vector.multi_reduction <maximumf>, %select_n3A, %reduce_max3A [1] : vector<64x25088xf32> to vector<64xf32>
    %broadcast_in_dim3A_19 = vector.shape_cast %reduce_max3A_18 : vector<64xf32> to vector<64x1xf32>
    %eq3A_20 = vector.broadcast %broadcast_in_dim3A_19 : vector<64x1xf32> to vector<64x25088xf32>
    %eq3A_21 = arith.cmpf oeq, %select_n3A, %eq3A_20 : vector<64x25088xf32>
    %jit3A_22 = arith.constant 2147483647 : i32
    %broadcast_in_dim3A_23 = vector.broadcast %jit3A_22 : i32 to vector<64x25088xi32>
    %select_n3A_24 = arith.select %eq3A_21, %add3A_15, %broadcast_in_dim3A_23 : vector<64x25088xi1>, vector<64x25088xi32>
    %reduce_min3A = arith.constant dense<2147483647> : vector<64xi32>
    %reduce_min3A_25 = vector.multi_reduction <minsi>, %select_n3A_24, %reduce_min3A [1] : vector<64x25088xi32> to vector<64xi32>
    %broadcast_in_dim3A_26 = vector.shape_cast %reduce_min3A_25 : vector<64xi32> to vector<64x1xi32>
    %eq3A_27 = arith.constant 0 : i32
    %eq3A_28 = arith.cmpi eq, %arg0, %eq3A_27 : i32
    %convert_element_type3A_29 = arith.extui %eq3A_28 : i1 to i32
    %cond3A_30 = arith.constant 0 : i32
    %cond3A_31 = arith.cmpi ne, %convert_element_type3A_29, %cond3A_30 : i32
    scf.if %cond3A_31 {
      %swap3A_41 = arith.constant 0 : index
      %swap3A_42 = arith.constant 0 : index
      %swap3A_43 = vector.load %arg12[%swap3A_41, %swap3A_42] : memref<64x1xf32, #tpu.memory_space<vmem>>, vector<64x1xf32>
      tpu.vector_store %arg12[%swap3A_41, %swap3A_42], %broadcast_in_dim3A_19 {strides = array<i32>} : memref<64x1xf32, #tpu.memory_space<vmem>>, vector<64x1xf32>,
      %swap3A_44 = arith.constant 0 : index
      %swap3A_45 = arith.constant 0 : index
      %swap3A_46 = vector.load %arg13[%swap3A_44, %swap3A_45] : memref<64x1xi32, #tpu.memory_space<vmem>>, vector<64x1xi32>
      tpu.vector_store %arg13[%swap3A_44, %swap3A_45], %broadcast_in_dim3A_26 {strides = array<i32>} : memref<64x1xi32, #tpu.memory_space<vmem>>, vector<64x1xi32>,
    } else {
    }
    %gt3A = arith.constant 0 : i32
    %gt3A_32 = arith.cmpi sgt, %arg0, %gt3A : i32
    %convert_element_type3A_33 = arith.extui %gt3A_32 : i1 to i32
    %cond3A_34 = arith.constant 0 : i32
    %cond3A_35 = arith.cmpi ne, %convert_element_type3A_33, %cond3A_34 : i32
    scf.if %cond3A_35 {
      %get3A_41 = arith.constant 0 : index
      %get3A_42 = arith.constant 0 : index
      %get3A_43 = vector.load %arg12[%get3A_41, %get3A_42] : memref<64x1xf32, #tpu.memory_space<vmem>>, vector<64x1xf32>
      %gt3A_44 = arith.cmpf ogt, %broadcast_in_dim3A_19, %get3A_43 : vector<64x1xf32>
      %get3A_45 = arith.constant 0 : index
      %get3A_46 = arith.constant 0 : index
      %get3A_47 = vector.load %arg13[%get3A_45, %get3A_46] : memref<64x1xi32, #tpu.memory_space<vmem>>, vector<64x1xi32>
      %select_n3A_48 = arith.select %gt3A_44, %broadcast_in_dim3A_26, %get3A_47 : vector<64x1xi1>, vector<64x1xi32>
      %swap3A_49 = arith.constant 0 : index
      %swap3A_50 = arith.constant 0 : index
      %swap3A_51 = vector.load %arg13[%swap3A_49, %swap3A_50] : memref<64x1xi32, #tpu.memory_space<vmem>>, vector<64x1xi32>
      tpu.vector_store %arg13[%swap3A_49, %swap3A_50], %select_n3A_48 {strides = array<i32>} : memref<64x1xi32, #tpu.memory_space<vmem>>, vector<64x1xi32>,
      %get3A_52 = arith.constant 0 : index
      %get3A_53 = arith.constant 0 : index
      %get3A_54 = vector.load %arg12[%get3A_52, %get3A_53] : memref<64x1xf32, #tpu.memory_space<vmem>>, vector<64x1xf32>
      %max3A = arith.maximumf %broadcast_in_dim3A_19, %get3A_54 : vector<64x1xf32>
      %swap3A_55 = arith.constant 0 : index
      %swap3A_56 = arith.constant 0 : index
      %swap3A_57 = vector.load %arg12[%swap3A_55, %swap3A_56] : memref<64x1xf32, #tpu.memory_space<vmem>>, vector<64x1xf32>
      tpu.vector_store %arg12[%swap3A_55, %swap3A_56], %max3A {strides = array<i32>} : memref<64x1xf32, #tpu.memory_space<vmem>>, vector<64x1xf32>,
    } else {
    }
    %eq3A_36 = arith.constant 3 : i32
    %eq3A_37 = arith.cmpi eq, %arg0, %eq3A_36 : i32
    %convert_element_type3A_38 = arith.extui %eq3A_37 : i1 to i32
    %cond3A_39 = arith.constant 0 : i32
    %cond3A_40 = arith.cmpi ne, %convert_element_type3A_38, %cond3A_39 : i32
    scf.if %cond3A_40 {
      %get3A_41 = arith.constant 0 : index
      %get3A_42 = arith.constant 0 : index
      %get3A_43 = vector.load %arg12[%get3A_41, %get3A_42] : memref<64x1xf32, #tpu.memory_space<vmem>>, vector<64x1xf32>
      %broadcast_in_dim3A_44 = vector.shape_cast %get3A_43 : vector<64x1xf32> to vector<64x1xf32>
      %broadcast_in_dim3A_45 = vector.broadcast %broadcast_in_dim3A_44 : vector<64x1xf32> to vector<64x16xf32>
      %swap3A_46 = arith.constant 0 : index
      %swap3A_47 = arith.constant 0 : index
      %swap3A_48 = vector.load %arg9[%swap3A_46, %swap3A_47] : memref<64x16xf32, #tpu.memory_space<vmem>>, vector<64x16xf32>
      tpu.vector_store %arg9[%swap3A_46, %swap3A_47], %broadcast_in_dim3A_45 {strides = array<i32>} : memref<64x16xf32, #tpu.memory_space<vmem>>, vector<64x16xf32>,
      %get3A_49 = arith.constant 0 : index
      %get3A_50 = arith.constant 0 : index
      %get3A_51 = vector.load %arg13[%get3A_49, %get3A_50] : memref<64x1xi32, #tpu.memory_space<vmem>>, vector<64x1xi32>
      %broadcast_in_dim3A_52 = vector.shape_cast %get3A_51 : vector<64x1xi32> to vector<64x1xi32>
      %broadcast_in_dim3A_53 = vector.broadcast %broadcast_in_dim3A_52 : vector<64x1xi32> to vector<64x16xi32>
      %swap3A_54 = arith.constant 0 : index
      %swap3A_55 = arith.constant 0 : index
      %swap3A_56 = vector.load %arg10[%swap3A_54, %swap3A_55] : memref<64x16xi32, #tpu.memory_space<vmem>>, vector<64x16xi32>
      tpu.vector_store %arg10[%swap3A_54, %swap3A_55], %broadcast_in_dim3A_53 {strides = array<i32>} : memref<64x16xi32, #tpu.memory_space<vmem>>, vector<64x16xi32>,
    } else {
    }
    return
  }
  func.func @transform_0(%arg0: i32) -> (i32, i32) {
    %c0_i32 = arith.constant 0 : i32
    %c0_i32_0 = arith.constant 0 : i32
    return %c0_i32, %arg0 : i32, i32
  }
  func.func @transform_1(%arg0: i32) -> (i32, i32) {
    %c0_i32 = arith.constant 0 : i32
    %c0_i32_0 = arith.constant 0 : i32
    %c0_i32_1 = arith.constant 0 : i32
    return %c0_i32, %c0_i32_0 : i32, i32
  }
  func.func @transform_2(%arg0: i32) -> (i32, i32) {
    %c0_i32 = arith.constant 0 : i32
    %c0_i32_0 = arith.constant 0 : i32
    %c0_i32_1 = arith.constant 0 : i32
    return %c0_i32, %c0_i32_0 : i32, i32
  }
  func.func @transform_3(%arg0: i32) -> (i32, i32) {
    %c0_i32 = arith.constant 0 : i32
    %c0_i32_0 = arith.constant 0 : i32
    %c0_i32_1 = arith.constant 0 : i32
    return %c0_i32, %c0_i32_0 : i32, i32
  }
  func.func @transform_4(%arg0: i32) -> (i32, i32) {
    %c0_i32 = arith.constant 0 : i32
    %c0_i32_0 = arith.constant 0 : i32
    %c0_i32_1 = arith.constant 0 : i32
    return %c0_i32, %c0_i32_0 : i32, i32
  }
  func.func @transform_5(%arg0: i32) -> (i32, i32) {
    %c0_i32 = arith.constant 0 : i32
    %c0_i32_0 = arith.constant 0 : i32
    %c0_i32_1 = arith.constant 0 : i32
    return %c0_i32, %c0_i32_0 : i32, i32
  }
  func.func @transform_6(%arg0: i32) -> (i32, i32) {
    %c0_i32 = arith.constant 0 : i32
    %c0_i32_0 = arith.constant 0 : i32
    return %c0_i32, %arg0 : i32, i32
  }
  func.func @transform_7(%arg0: i32) -> (i32, i32) {
    %c0_i32 = arith.constant 0 : i32
    %c0_i32_0 = arith.constant 0 : i32
    %c0_i32_1 = arith.constant 0 : i32
    return %c0_i32, %c0_i32_0 : i32, i32
  }
  func.func @transform_8(%arg0: i32) -> (i32, i32) {
    %c0_i32 = arith.constant 0 : i32
    %c0_i32_0 = arith.constant 0 : i32
    %c0_i32_1 = arith.constant 0 : i32
    return %c0_i32, %c0_i32_0 : i32, i32
  }
  func.func @transform_9(%arg0: i32) -> (i32, i32) {
    %c0_i32 = arith.constant 0 : i32
    %c0_i32_0 = arith.constant 0 : i32
    %c0_i32_1 = arith.constant 0 : i32
    return %c0_i32, %c0_i32_0 : i32, i32
  }
}

</mosaic_0001>

<sc_bundles>
// kernel: kernel.4.cloned.1.call-start
scs
__scs_entry_jumppad:
0x0: {  	(pc) =	sbr.rel $0x88, $3  }
0x1: {  	(tag) =	ssettag $0x0;
	lr =	simm.s32 $0x1  }
0x2: {  	[smem:$0x3F99] =	sst lr;
	_ =	strace $0xD0000000  }
0x3: {  	_ = 	snop  }
0x4: {  	_ = 	snop  }
0x5: {  	_ = 	snop  }
0x6: {  	_ = 	snop  }
0x7: {  	_ = 	snop  }
__scs_overlays_trampoline_lowered:
0x8: {  	[smem:$0x3FA8] =	sst s0  }
0x9: {  	[smem:$0x3FA9] =	sst s1  }
0xa: {  	[smem:$0x3FAA] =	sst s2  }
0xb: {  	[smem:$0x3FAB] =	sst s3  }
0xc: {  	[smem:$0x3FAC] =	sst s4  }
0xd: {  	[smem:$0x3FAD] =	sst s5  }
0xe: {  	[smem:$0x3FAE] =	sst s6  }
0xf: {  	[smem:$0x3FAF] =	sst s7  }
0x10: {  	[smem:$0x3FB0] =	sst s8  }
0x11: {  	[smem:$0x3FB1] =	sst s9;
	s0 =	simm.s32 @!p0 $0x0  }
0x12: {  	s1 =	sld [smem:$0x3F97];
	s0 =	simm.s32 @p0 $0x1  }
0x13: {  	[smem:$0x3FB2] =	sst s0;
	s0 =	simm.s32 @!p1 $0x0  }
0x14: {  	s2 =	sld [smem:$0x3F96];
	s0 =	simm.s32 @p1 $0x1  }
0x15: {  	[smem:$0x3FB3] =	sst s0;
	s0 =	simm.s32 @!p2 $0x0  }
0x16: {  	s3 =	sld [smem:$0x3FDB];
	s0 =	simm.s32 @p2 $0x1  }
0x17: {  	s4 =	simm.s32 $0x1BF5;
	[smem:$0x3FB5] =	sst s0  }
0x18: {  	s0 =	sld [smem:$0x3F98];
	_ =	swait.ge [sflag:s4], $0x0  }
0x19: {  	s7 =	sld [smem:$0x3F99]  }
0x1a: {  	s8 =	sadd.s32 $0xFFFFE003, lr  }
0x1b: {  	s9 =	sadd.s32 $0xFFFFFEF7, lr;
	s5 =	simm.s32 $0xFFFFFFFF;
	p2 =	slt.u32 s8, $0xFFFFF086  }
0x1c: {  	p1 =	slt.u32 s9, $0xF7A;
	s5 =	simm.s32 @!p2 $0x0  }
0x1d: {  	s5 =	simm.s32 @p1 $0x1;
	p0 =	seq.s32 s7, s2  }
0x1e: {  	s7 =	smul.u32 @!p0 $0xF7A, s2;
	p2 =	seq.s32 @!p0 s5, $0x0  }
0x1f: {  	s9 =	smul.u32 $0xF7A, s1;
	s8 =	simm.s32 @!p0 $0x1BF5;
	p2 =	por !p2, p0  }
0x20: {  	[sflag:s8] =	ssyncset.s32 @!p0 $0xFFFFF086;
	s6 =	sadd.s32 @!p0 s3, s7;
	s7 =	simm.s32 @!p0 $0x108  }
0x21: {  	s3 =	sadd.s32 s3, s9;
	s6 =	sadd.s32 @!p0 $0x88, s6;
	s7 =	simm.s32 @p2 $0x1082  }
0x22: {  	[simem:s7], [sflag:s8] =	dma.local @!p0 [hbm:s6], $0xF7A  }
0x23: {  	s9 =	sor.u32 $0xD0000000, s2;
	s6 =	simm.s32 $0x108;
	_ =	swait.ge @!p0 [sflag:s8], $0x0  }
0x24: {  	s3 =	sadd.s32 $0x88, s3;
	s6 =	simm.s32 @!p1 $0x1082;
	[sflag:s4] =	ssyncset.s32 $0xFFFFF086  }
0x25: {  	[simem:s6], [sflag:s4] =	dma.local [hbm:s3], $0xF7A  }
0x26: {  	[smem:$0x3F99] =	sst s1;
	(tag) =	ssettag s2;
	_ =	strace s9  }
0x27: {  	s1 =	sld [smem:$0x3FA9]  }
0x28: {  	s2 =	sld [smem:$0x3FAA]  }
0x29: {  	s4 =	sld [smem:$0x3FAC]  }
0x2a: {  	p0 =	seq.s32 s5, $0x0;
	s5 =	sld [smem:$0x3FAD]  }
0x2b: {  	s6 =	sld [smem:$0x3FAE]  }
0x2c: {  	s7 =	sld [smem:$0x3FAF]  }
0x2d: {  	s3 =	simm.s32 $0x108;
	s8 =	sld [smem:$0x3FB0]  }
0x2e: {  	s3 =	simm.s32 @!p0 $0x1082;
	s9 =	sld [smem:$0x3FB1]  }
0x2f: {  	lr =	sadd.s32 s0, s3;
	s0 =	sld [smem:$0x3FA8]  }
0x30: {  	s3 =	sld [smem:$0x3FAB]  }
0x31: {  	[smem:$0x3FB4] =	sst s10  }
0x32: {  	s10 =	sld [smem:$0x3FB2];
	_ =	sdelay $0x3  }
0x33: {  	p0 =	seq.s32 s10, $0x1;
	s10 =	sld [smem:$0x3FB4];
	_ =	sdelay $0x3  }
0x34: {  	[smem:$0x3FB4] =	sst s10  }
0x35: {  	s10 =	sld [smem:$0x3FB3];
	_ =	sdelay $0x3  }
0x36: {  	p1 =	seq.s32 s10, $0x1;
	s10 =	sld [smem:$0x3FB4];
	_ =	sdelay $0x3  }
0x37: {  	[smem:$0x3FB4] =	sst s10  }
0x38: {  	s10 =	sld [smem:$0x3FB5]  }
0x39: {  	_ = 	snop;
	(pc) =	sbr.ind lr, $3  }
0x3a: {  	_ = 	snop  }
0x3b: {  	_ = 	snop  }
0x3c: {  	p2 =	seq.s32 s10, $0x1;
	s10 =	sld [smem:$0x3FB4]  }
0x3d: {  	_ =	shalt  }
0x3e: {  	_ =	shalt  }
0x3f: {  	_ =	shalt  }
0x40: {  	_ =	shalt  }
0x41: {  	_ =	shalt  }
0x42: {  	_ =	shalt  }
0x43: {  	_ =	shalt  }
0x44: {  	_ =	shalt  }
0x45: {  	_ =	shalt  }
0x46: {  	_ =	shalt  }
0x47: {  	_ =	shalt  }
0x48: {  	_ =	shalt  }
0x49: {  	_ =	shalt  }
0x4a: {  	_ =	shalt  }
0x4b: {  	_ =	shalt  }
0x4c: {  	_ =	shalt  }
0x4d: {  	_ =	shalt  }
0x4e: {  	_ =	shalt  }
0x4f: {  	_ =	shalt  }
0x50: {  	_ =	shalt  }
0x51: {  	_ =	shalt  }
0x52: {  	_ =	shalt  }
0x53: {  	_ =	shalt  }
0x54: {  	_ =	shalt  }
0x55: {  	_ =	shalt  }
0x56: {  	_ =	shalt  }
0x57: {  	_ =	shalt  }
0x58: {  	_ =	shalt  }
0x59: {  	_ =	shalt  }
0x5a: {  	_ =	shalt  }
0x5b: {  	_ =	shalt  }
0x5c: {  	_ =	shalt  }
0x5d: {  	_ =	shalt  }
0x5e: {  	_ =	shalt  }
0x5f: {  	_ =	shalt  }
0x60: {  	_ =	shalt  }
0x61: {  	_ =	shalt  }
0x62: {  	_ =	shalt  }
0x63: {  	_ =	shalt  }
0x64: {  	_ =	shalt  }
0x65: {  	_ =	shalt  }
0x66: {  	_ =	shalt  }
0x67: {  	_ =	shalt  }
0x68: {  	_ =	shalt  }
0x69: {  	_ =	shalt  }
0x6a: {  	_ =	shalt  }
0x6b: {  	_ =	shalt  }
0x6c: {  	_ =	shalt  }
0x6d: {  	_ =	shalt  }
0x6e: {  	_ =	shalt  }
0x6f: {  	_ =	shalt  }
0x70: {  	_ =	shalt  }
0x71: {  	_ =	shalt  }
0x72: {  	_ =	shalt  }
0x73: {  	_ =	shalt  }
0x74: {  	_ =	shalt  }
0x75: {  	_ =	shalt  }
0x76: {  	_ =	shalt  }
0x77: {  	_ =	shalt  }
0x78: {  	_ =	shalt  }
0x79: {  	_ =	shalt  }
0x7a: {  	_ =	shalt  }
0x7b: {  	_ =	shalt  }
0x7c: {  	_ =	shalt  }
0x7d: {  	_ =	shalt  }
0x7e: {  	_ =	shalt  }
0x7f: {  	_ =	shalt  }
0x80: {  	_ =	shalt  }
0x81: {  	_ =	shalt  }
0x82: {  	_ =	shalt  }
0x83: {  	_ =	shalt  }
0x84: {  	_ =	shalt  }
0x85: {  	_ =	shalt  }
0x86: {  	_ =	shalt  }
0x87: {  	_ =	shalt  }
.Lfunc_end0:
.L_simem_size_0:
called_computation_lowered:
.L_overlay_start_0:
0x88: {  	s2 =	sld [smem:$0x3FD9]  }
0x89: {  	s3 =	sld [smem:$0x3FFE];
	_ =	sdelay $0x1  }
0x8a: {  	s1 =	srdreg.scid  }
0x8b: {  	s0 =	sand.u32 $0x1, s1  }
0x8c: {  	s14 =	sshll.u32 s0, $0xA;
	s2 =	sadd.s32 s3, s2  }
0x8d: {  	s2 =	sadd.s32 s2, s14  }
0x8e: {  	[smem:$0x3FC0] =	sst s2  }
0x8f: {  	_ = 	snop  }
0x90: {  	s2 =	sld [smem:$0x3FD0];
	_ =	sdelay $0x1  }
0x91: {  	s15 =	sld [smem:$0x3FC5]  }
0x92: {  	s5 =	simm.s32 $0xA;
	s6 =	simm.s32 $0x10;
	s4 =	sld [smem:$0x3FC4]  }
0x93: {  	[smem:s6], [sflag:s5] =	dma.local [hbm:s2], $0x1  }
0x94: {  	_ =	swait.eq [sflag:s5], $0x1  }
0x95: {  	[sflag:s5] =	ssyncset.done $0x0  }
0x96: {  	[sflag:s5] =	ssyncadd.s32 $0xFFFFFFFF  }
0x97: {  	s16 =	sld [smem:$0x10];
	(tm) =	ssettm $0x1  }
0x98: {  	s17 =	sld [smem:$0x3FFB];
	_ =	sdelay $0x3  }
0x99: {  	_ =	strace s17  }
0x9a: {  	s5 =	sld [smem:$0x3FFC];
	_ =	sdelay $0x3  }
0x9b: {  	_ =	strace s5  }
0x9c: {  	s5 =	sld [smem:$0x3FFD];
	_ =	sdelay $0x3  }
0x9d: {  	_ =	strace s5  }
0x9e: {  	_ =	strace $0x8FFFFFFF  }
0x9f: {  	s18 =	sld [smem:$0x3FDB];
	_ =	sdelay $0x1  }
0xa0: {  	s19 =	simm.s32 $_scs_section_size  }
0xa1: {  	s7 =	simm.s32 $_size__tile_overlayer_lowered;
	s8 =	simm.s32 $_tile_overlayer_lowered  }
0xa2: {  	s22 =	simm.s32 $0x1BFF;
	s21 =	sshll.u32 s8, $0x1;
	s5 =	sadd.s32 s19, s18  }
0xa3: {  	s9 =	simm.s32 $0x0;
	s20 =	sshll.u32 s7, $0x1;
	s7 =	sadd.s32 s21, s5  }
0xa4: {  	[timem:s9], [sflag:s22] =	dma.local [hbm:s7], s20  }
0xa5: {  	_ =	swait.ge [sflag:s22], s20  }
0xa6: {  	s6 =	ssub.s32 $0x0, s20;
	[sflag:s22] =	ssyncset.done $0x0  }
0xa7: {  	[sflag:s22] =	ssyncadd.s32 s6;
	_ =	sdelay $0x1  }
0xa8: {  	s23 =	simm.s32 $0x1B8B  }
0xa9: {  	_ =	swait.ge [sflag:s23], $0x1  }
0xaa: {  	[sflag:s23] =	ssyncset.done $0x0  }
0xab: {  	s25 =	simm.s32 $0x1B8E;
	s24 =	sld [smem:$0x3FFE];
	[sflag:s23] =	ssyncadd.s32 $0xFFFFFFFF  }
0xac: {  	s26 =	simm.s32 $execute0_lowered;
	[smem:$0x3FD2] =	sst s25  }
0xad: {  	s7 =	sshll.u32 s26, $0x1;
	_ =	strace $0x80000046;
	[dreg:$0x1] =	wrdreg $0xFFFFFFFF  }
0xae: {  	s28 =	simm.s32 $_size_execute0_lowered;
	s5 =	sadd.s32 s5, s7;
	[dreg:$0x0] =	wrdreg $0x0  }
0xaf: {  	s7 =	sshll.u32 s28, $0x1;
	[dreg:$0x2] =	wrdreg s5  }
0xb0: {  	[dreg:$0x3] =	wrdreg s7  }
0xb1: {  	[dreg:$0x4] =	wrdreg $0xC0  }
0xb2: {  	_ =	task [dreg:s9], $0x5FFFF  }
0xb3: {  	[dreg:$0x1] =	wrdreg $0xFFFFFFFF  }
0xb4: {  	[dreg:$0x0] =	wrdreg $0x60  }
0xb5: {  	[dreg:$0x2] =	wrdreg s15  }
0xb6: {  	[dreg:$0x3] =	wrdreg s4  }
0xb7: {  	[dreg:$0x4] =	wrdreg s24  }
0xb8: {  	[dreg:$0x5] =	wrdreg s16  }
0xb9: {  	[dreg:$0x6] =	wrdreg $0x9  }
0xba: {  	_ =	task.clear_ibuf [dreg:s9], $0x7FFFF;
	_ =	strace $0x90000046  }
0xbb: {  	s29 =	simm.s32 $0x9;
	_ =	strace $0x80000048  }
0xbc: {  	_ =	swait.ge [sflag:s29], $0x1  }
0xbd: {  	[sflag:s29] =	ssyncadd.s32 $0xFFFFFFFF  }
0xbe: {  	_ =	strace $0x90000048  }
0xbf: {  	_ =	sfence  }
0xc0: {  	s30 =	sld [smem:$0x0];
	_ =	sdelay $0x2  }
0xc1: {  	s31 =	sshll.u32 s1, $0xD;
	s1 =	sshrl.u32 s1, $0x2  }
0xc2: {  	s3 =	sand.u32 $0x4000, s31;
	s1 =	sadd.s32 s1, s30  }
0xc3: {  	s0 =	sor.u32 s3, s0;
	s1 =	sshll.u32 s1, $0x11  }
0xc4: {  	s0 =	sor.u32 s1, s0  }
0xc5: {  	s0 =	sadd.s32 $0x8F2B, s0  }
0xc6: {  	[sflag:s0] =	ssyncadd.remote.s32 $0x1  }
0xc7: {  	_ =	sfence.sel $0xFFFF  }
0xc8: {  	[dreg:$0x0] =	wrdreg $0xFFFFFFFF;
	(pc) =	sbr.abs _section_cstart, $3  }
0xc9: {  	[dreg:$0x1] =	wrdreg $0xFFFFFFFF  }
0xca: {  	_ =	task.clear_ibuf [dreg:s9], $0x2FFFF;
	_ =	strace $0x9FFFFFFF  }
0xcb: {  	(tm) =	ssettm $0x7FFFFFFF  }
tec
execute0_lowered:
.L_overlay_start_1:
0x0: {  	(tag) =	ssettag $0x1  }
0x1: {  	s12 =	rddreg [dreg:$0x0]  }
0x2: {  	s11 =	rddreg [dreg:$0x1]  }
0x3: {  	s3 =	rddreg [dreg:$0x2]  }
0x4: {  	s10 =	rddreg [dreg:$0x3];
	s1 =	simm.s32 $0x0  }
0x5: {  	s2 =	srdreg.scid;
	s0 =	stileid.u32;
	s23 =	simm.s32 $0x19180  }
0x6: {  	s24 =	simm.s32 $0x1;
	s25 =	simm.s32 $0x19100;
	s26 =	simm.s32 $0x0  }
0x7: {  	[smem:$0x7FF] =	sst s1;
	s13 =	sadd.s32 $0x1400, s3;
	s14 =	sadd.s32 $0x1800, s3  }
0x8: {  	s4 =	sand.u32 $0x1, s2;
	s15 =	sadd.s32 $0x1C00, s3;
	s7 =	sshll.u32 s0, $0x9  }
0x9: {  	s8 =	sshrl.u32 s0, $0x1;
	s17 =	sadd.s32 $0x2000, s3;
	_ =	strace $0x80000047  }
0xa: {  	s5 =	ssub.s32 $0x2, s4;
	s4 =	sshll.u32 s4, $0x8;
	s7 =	sand.u32 $0x200, s7  }
0xb: {  	s16 =	smul.u32 $0xC3800, s8;
	s19 =	sshll.u32 s8, $0xC;
	s6 =	sshrl.u32 s5, $0x1  }
0xc: {  	s20 =	sshll.u32 s8, $0xA;
	s9 =	sor.u32 s4, s7;
	s18 =	ssub.s32 s5, s6  }
0xd: {  	s28 =	sor.u32 s16, s9;
	s4 =	sor.u32 s19, s9;
	s29 =	sor.u32 s20, s9  }
0xe: {  	s22 =	sor.u32 $0x80, s9;
	s3 =	sshrl.u32 s28, $0x3;
	s30 =	sshrl.u32 s4, $0x3  }
0xf: {  	s21 =	sshrl.u32 s29, $0x3;
	s16 =	sor.u32 s16, s22;
	s19 =	sor.u32 s19, s22  }
0x10: {  	s20 =	sor.u32 s20, s22;
	s22 =	simm.s32 $0x200;
	s3 =	sadd.s32 s10, s3  }
0x11: {  	s4 =	sadd.s32 s11, s30;
	s5 =	sadd.s32 s12, s30;
	s6 =	sadd.s32 s13, s21  }
0x12: {  	s7 =	sadd.s32 s14, s21;
	s8 =	sadd.s32 s15, s21;
	s9 =	sadd.s32 s17, s21  }
0x13: {  	s16 =	sshrl.u32 s16, $0x3;
	s19 =	sshrl.u32 s19, $0x3;
	s31 =	sshrl.u32 s20, $0x3  }
0x14: {  	s20 =	simm.s32 $0xA00;
	s21 =	simm.s32 $0x2;
	s10 =	sadd.s32 s10, s16  }
0x15: {  	s11 =	sadd.s32 s11, s19;
	s12 =	sadd.s32 s12, s19;
	s13 =	sadd.s32 s13, s31  }
0x16: {  	s14 =	sadd.s32 s14, s31;
	s15 =	sadd.s32 s15, s31;
	s16 =	sadd.s32 s17, s31  }
0x17: {  	v0 =	vimm.f32 $0.0e+00;
	v1 =	vimm.s32 $0xFFFFFF81;
	s17 =	smax.u32 s18, $0x1;
	s18 =	simm.s32 $0x80;
	s19 =	simm.s32 $0x400  }
.LBB2_1:
0x18: {  	[tilespmem:s20], [sflag:$0x2] =	stream.strided.gather [hbm4b:s3+s18], $0x18700, s19, s18, $0x38;
	[tilespmem:$0x19200] =	vst v63  }
0x19: {  	_ =	swait.ge [sflag:s21], $0x18700  }
0x1a: {  	[sflag:s21] =	ssyncset.done $0x0  }
0x1b: {  	[sflag:s21] =	ssyncadd.s32 $0xFFFE7900  }
0x1c: {  	[tilespmem:s1], [sflag:$0x2] =	stream.strided.gather [hbm4b:s4+s18], $0x200, s19, s18, $0x38;
	[tilespmem:$0x19200] =	vst v63  }
0x1d: {  	_ =	swait.ge [sflag:s21], $0x200  }
0x1e: {  	[sflag:s21] =	ssyncset.done $0x0  }
0x1f: {  	[sflag:s21] =	ssyncadd.s32 $0xFFFFFE00  }
0x20: {  	[tilespmem:s22], [sflag:$0x2] =	stream.strided.gather [hbm4b:s5+s18], $0x200, s19, s18, $0x38;
	[tilespmem:$0x19200] =	vst v63  }
0x21: {  	_ =	swait.ge [sflag:s21], $0x200  }
0x22: {  	[sflag:s21] =	ssyncset.done $0x0  }
0x23: {  	s28 =	simm.s32 $0x0;
	[sflag:s21] =	ssyncadd.s32 $0xFFFFFE00  }
0x24: {  	v2 =	vld [tilespmem:s28+$0x0];
	_ =	sdelay $0x7  }
0x25: {  	s29 =	simm.s32 $0x10;
	s30 =	simm.s32 $0x80;
	v2 =	vld.idx.msk [tilespmem:v2+s20+$0x0], $0xffff  }
.LBB2_2:
0x26: {  	p0 =	sne.s32 s30, $0x600;
	v3 =	vld [tilespmem:s29+$0x0];
	_ =	sdelay $0x3  }
.Ltmp0:
0x27: {  	(pc) =	sbr.rel @p0 .LBB2_2-.Ltmp0, $2  }
0x28: {  	[tilespmem:s28+$0x400] =	vst v2;
	s28 =	smov.u32 s29;
	_ =	sdelay $0x2  }
0x29: {  	s29 =	sshra.s32 s30, $0x2;
	s30 =	sadd.s32 $0x40, s30;
	v2 =	vld.idx.msk [tilespmem:v3+s20+$0x0], $0xffff  }
0x2a: {  	v3 =	vld [tilespmem:s29+$0x0];
	_ =	sdelay $0x6  }
0x2b: {  	[tilespmem:s28+$0x400] =	vst v2  }
0x2c: {  	v2 =	vld.idx.msk [tilespmem:v3+s20+$0x0], $0xffff;
	_ =	sdelay $0x4  }
0x2d: {  	[tilespmem:s29+$0x400] =	vst v2  }
0x2e: {  	v2 =	vld [tilespmem:$0x0];
	_ =	sdelay $0x7  }
0x2f: {  	[tilespmem:v2+s20+$0x0] =	vst.idx.msk $0xffff, v0  }
0x30: {  	v2 =	vld [tilespmem:$0x10];
	_ =	sdelay $0x7  }
0x31: {  	[tilespmem:v2+s20+$0x0] =	vst.idx.msk $0xffff, v0  }
0x32: {  	v2 =	vld [tilespmem:$0x20];
	_ =	sdelay $0x7  }
0x33: {  	[tilespmem:v2+s20+$0x0] =	vst.idx.msk $0xffff, v0  }
0x34: {  	v2 =	vld [tilespmem:$0x30];
	_ =	sdelay $0x7  }
0x35: {  	[tilespmem:v2+s20+$0x0] =	vst.idx.msk $0xffff, v0  }
0x36: {  	v2 =	vld [tilespmem:$0x40];
	_ =	sdelay $0x7  }
0x37: {  	[tilespmem:v2+s20+$0x0] =	vst.idx.msk $0xffff, v0  }
0x38: {  	v2 =	vld [tilespmem:$0x50];
	_ =	sdelay $0x7  }
0x39: {  	[tilespmem:v2+s20+$0x0] =	vst.idx.msk $0xffff, v0  }
0x3a: {  	v2 =	vld [tilespmem:$0x60];
	_ =	sdelay $0x7  }
0x3b: {  	[tilespmem:v2+s20+$0x0] =	vst.idx.msk $0xffff, v0  }
0x3c: {  	v2 =	vld [tilespmem:$0x70];
	_ =	sdelay $0x7  }
0x3d: {  	[tilespmem:v2+s20+$0x0] =	vst.idx.msk $0xffff, v0  }
0x3e: {  	v2 =	vld [tilespmem:$0x80];
	_ =	sdelay $0x7  }
0x3f: {  	[tilespmem:v2+s20+$0x0] =	vst.idx.msk $0xffff, v0  }
0x40: {  	v2 =	vld [tilespmem:$0x90];
	_ =	sdelay $0x7  }
0x41: {  	[tilespmem:v2+s20+$0x0] =	vst.idx.msk $0xffff, v0  }
0x42: {  	v2 =	vld [tilespmem:$0xA0];
	_ =	sdelay $0x7  }
0x43: {  	[tilespmem:v2+s20+$0x0] =	vst.idx.msk $0xffff, v0  }
0x44: {  	v2 =	vld [tilespmem:$0xB0];
	_ =	sdelay $0x7  }
0x45: {  	[tilespmem:v2+s20+$0x0] =	vst.idx.msk $0xffff, v0  }
0x46: {  	v2 =	vld [tilespmem:$0xC0];
	_ =	sdelay $0x7  }
0x47: {  	[tilespmem:v2+s20+$0x0] =	vst.idx.msk $0xffff, v0  }
0x48: {  	v2 =	vld [tilespmem:$0xD0];
	_ =	sdelay $0x7  }
0x49: {  	[tilespmem:v2+s20+$0x0] =	vst.idx.msk $0xffff, v0  }
0x4a: {  	v2 =	vld [tilespmem:$0xE0];
	_ =	sdelay $0x7  }
0x4b: {  	[tilespmem:v2+s20+$0x0] =	vst.idx.msk $0xffff, v0  }
0x4c: {  	v2 =	vld [tilespmem:$0xF0];
	_ =	sdelay $0x7  }
0x4d: {  	[tilespmem:v2+s20+$0x0] =	vst.idx.msk $0xffff, v0  }
0x4e: {  	v2 =	vld [tilespmem:$0x100];
	_ =	sdelay $0x7  }
0x4f: {  	[tilespmem:v2+s20+$0x0] =	vst.idx.msk $0xffff, v0  }
0x50: {  	v2 =	vld [tilespmem:$0x110];
	_ =	sdelay $0x7  }
0x51: {  	[tilespmem:v2+s20+$0x0] =	vst.idx.msk $0xffff, v0  }
0x52: {  	v2 =	vld [tilespmem:$0x120];
	_ =	sdelay $0x7  }
0x53: {  	[tilespmem:v2+s20+$0x0] =	vst.idx.msk $0xffff, v0  }
0x54: {  	v2 =	vld [tilespmem:$0x130];
	_ =	sdelay $0x7  }
0x55: {  	[tilespmem:v2+s20+$0x0] =	vst.idx.msk $0xffff, v0  }
0x56: {  	v2 =	vld [tilespmem:$0x140];
	_ =	sdelay $0x7  }
0x57: {  	[tilespmem:v2+s20+$0x0] =	vst.idx.msk $0xffff, v0  }
0x58: {  	v2 =	vld [tilespmem:$0x150];
	_ =	sdelay $0x7  }
0x59: {  	[tilespmem:v2+s20+$0x0] =	vst.idx.msk $0xffff, v0  }
0x5a: {  	v2 =	vld [tilespmem:$0x160];
	_ =	sdelay $0x7  }
0x5b: {  	[tilespmem:v2+s20+$0x0] =	vst.idx.msk $0xffff, v0  }
0x5c: {  	v2 =	vld [tilespmem:$0x170];
	_ =	sdelay $0x7  }
0x5d: {  	[tilespmem:v2+s20+$0x0] =	vst.idx.msk $0xffff, v0  }
0x5e: {  	v2 =	vld [tilespmem:$0x180];
	_ =	sdelay $0x7  }
0x5f: {  	s28 =	simm.s32 $0x40;
	s29 =	simm.s32 $0x0;
	[tilespmem:v2+s20+$0x0] =	vst.idx.msk $0xffff, v0  }
.LBB2_4:
0x60: {  	p0 =	sne.s32 s28, $0x600;
	v2 =	vld [tilespmem:s29+$0x0];
	_ =	sdelay $0x2  }
0x61: {  	v3 =	vld [tilespmem:s29+$0x200]  }
.Ltmp1:
0x62: {  	(pc) =	sbr.rel @p0 .LBB2_4-.Ltmp1, $2  }
0x63: {  	_ =	sdelay $0x2  }
0x64: {  	s29 =	sshra.s32 s28, $0x2;
	s28 =	sadd.s32 $0x40, s28;
	[tilespmem:v2+s20+$0x0] =	vst.idx.add.f32.msk $0xffff, v3  }
0x65: {  	v2 =	vld [tilespmem:s29+$0x0];
	_ =	sdelay $0x2  }
0x66: {  	v3 =	vld [tilespmem:s29+$0x200];
	_ =	sdelay $0x4  }
0x67: {  	s28 =	simm.s32 $0x0;
	[tilespmem:v2+s20+$0x0] =	vst.idx.add.f32.msk $0xffff, v3  }
0x68: {  	v2 =	vld [tilespmem:s28+$0x0];
	_ =	sdelay $0x7  }
0x69: {  	s29 =	simm.s32 $0x10;
	s30 =	simm.s32 $0x80;
	v2 =	vld.idx.msk [tilespmem:v2+s20+$0x0], $0xffff  }
.LBB2_6:
0x6a: {  	p0 =	sne.s32 s30, $0x600;
	v3 =	vld [tilespmem:s29+$0x0];
	_ =	sdelay $0x3  }
.Ltmp2:
0x6b: {  	(pc) =	sbr.rel @p0 .LBB2_6-.Ltmp2, $2  }
0x6c: {  	[tilespmem:s28+$0x600] =	vst v2;
	s28 =	smov.u32 s29;
	_ =	sdelay $0x2  }
0x6d: {  	s29 =	sshra.s32 s30, $0x2;
	s30 =	sadd.s32 $0x40, s30;
	v2 =	vld.idx.msk [tilespmem:v3+s20+$0x0], $0xffff  }
0x6e: {  	v3 =	vld [tilespmem:s29+$0x0];
	_ =	sdelay $0x6  }
0x6f: {  	[tilespmem:s28+$0x600] =	vst v2  }
0x70: {  	v2 =	vld.idx.msk [tilespmem:v3+s20+$0x0], $0xffff;
	_ =	sdelay $0x4  }
0x71: {  	s28 =	simm.s32 $0x0;
	[tilespmem:s29+$0x600] =	vst v2  }
0x72: {  	[tilespmem:s23], [sflag:$0x2] =	stream.linear.gather [hbm4b:s6+s28], $0x80, $0x38;
	[tilespmem:$0x19200] =	vst v63  }
0x73: {  	_ =	swait.ge [sflag:s21], $0x80  }
0x74: {  	[sflag:s21] =	ssyncset.done $0x0  }
0x75: {  	[sflag:s21] =	ssyncadd.s32 $0xFFFFFF80  }
0x76: {  	v3 =	vimm.f32 $-1.000000020e+30;
	s29 =	simm.s32 $0x40;
	s28 =	simm.s32 $0x0;
	v2 =	vld [tilespmem:$0x19180]  }
.LBB2_8:
0x77: {  	p0 =	sne.s32 s29, $0x600;
	v4 =	vld [tilespmem:s28+$0x400];
	_ =	sdelay $0x4  }
0x78: {  	v4 =	vmul.f32 $1.442695020e+00, v4;
	_ =	sdelay $0x1  }
0x79: {  	(erf) = vpow2.f32 v4;
	_ =	sdelay $0x2  }
0x7a: {  	v4 =	vld [tilespmem:s28+$0x600];
	_ =	sdelay $0x4  }
0x7b: {  	v4 =	vmul.f32 v4, v2  }
0x7c: {  	v5 =	vpop (erf)  }
0x7d: {  	v4 =	vadd.f32 v4, v5;
	_ =	sdelay $0x1  }
0x7e: {  	v5 =	vand.u32 $0x7FFFFF, v4;
	v3 =	vmax.f32 v3, v4  }
0x7f: {  	v5 =	vor.u32 $0x3F800000, v5  }
0x80: {  	v6 =	vmul.f32 $5.000000000e-01, v5  }
0x81: {  	vm0 =	vgt.f32 v5, $1.414213540e+00  }
0x82: {  	v5 =	vsel vm0, v6, v5  }
0x83: {  	v5 =	vadd.f32 $-1.000000000e+00, v5;
	_ =	sdelay $0x1  }
0x84: {  	v6 =	vadd.f32 $2.000000000e+00, v5;
	_ =	sdelay $0x1  }
0x85: {  	(erf) = vrcp.f32 v6;
	_ =	sdelay $0x8  }
0x86: {  	v6 =	vpop (erf)  }
0x87: {  	v5 =	vmul.f32 v6, v5;
	_ =	sdelay $0x1  }
0x88: {  	v6 =	vmul.f32 v5, v5;
	_ =	sdelay $0x1  }
0x89: {  	v7 =	vmul.f32 $2.857142980e-01, v6;
	_ =	sdelay $0x1  }
0x8a: {  	v7 =	vadd.f32 $4.000000060e-01, v7;
	_ =	sdelay $0x1  }
0x8b: {  	v7 =	vmul.f32 v7, v6;
	_ =	sdelay $0x1  }
0x8c: {  	v7 =	vadd.f32 $6.666666860e-01, v7;
	_ =	sdelay $0x1  }
0x8d: {  	v9 =	vshra.s32 v4, $0x17;
	v10 =	vsel vm0, $0xFFFFFF82, v1;
	v8 =	vld [tilespmem:s28+$0x0];
	v6 =	vmul.f32 v7, v6  }
0x8e: {  	v7 =	vadd.s32 v9, v10  }
0x8f: {  	v7 =	vcvt.s32.f32 v7;
	v6 =	vadd.f32 $2.000000000e+00, v6;
	_ =	sdelay $0x1  }
.Ltmp3:
0x90: {  	v5 =	vmul.f32 v6, v5;
	v6 =	vmul.f32 $6.931471820e-01, v7;
	(pc) =	sbr.rel @p0 .LBB2_8-.Ltmp3, $4  }
0x91: {  	_ = 	snop  }
0x92: {  	v5 =	vadd.f32 v5, v6  }
0x93: {  	[tilespmem:s28+$0x800] =	vst v4  }
0x94: {  	s28 =	sshra.s32 s29, $0x2;
	s29 =	sadd.s32 $0x40, s29;
	[tilespmem:v8+s20+$0x0] =	vst.idx.msk $0xffff, v5  }
0x95: {  	v4 =	vld [tilespmem:s28+$0x400];
	_ =	sdelay $0x4  }
0x96: {  	v4 =	vmul.f32 $1.442695020e+00, v4;
	_ =	sdelay $0x1  }
0x97: {  	(erf) = vpow2.f32 v4;
	_ =	sdelay $0x2  }
0x98: {  	v4 =	vld [tilespmem:s28+$0x600];
	_ =	sdelay $0x4  }
0x99: {  	v4 =	vmul.f32 v4, v2  }
0x9a: {  	v5 =	vpop (erf)  }
0x9b: {  	v4 =	vadd.f32 v4, v5;
	_ =	sdelay $0x1  }
0x9c: {  	v5 =	vand.u32 $0x7FFFFF, v4  }
0x9d: {  	v5 =	vor.u32 $0x3F800000, v5  }
0x9e: {  	v6 =	vmul.f32 $5.000000000e-01, v5  }
0x9f: {  	vm0 =	vgt.f32 v5, $1.414213540e+00  }
0xa0: {  	v5 =	vsel vm0, v6, v5  }
0xa1: {  	v5 =	vadd.f32 $-1.000000000e+00, v5;
	_ =	sdelay $0x1  }
0xa2: {  	v6 =	vadd.f32 $2.000000000e+00, v5;
	_ =	sdelay $0x1  }
0xa3: {  	(erf) = vrcp.f32 v6;
	_ =	sdelay $0x8  }
0xa4: {  	v6 =	vpop (erf)  }
0xa5: {  	v5 =	vmul.f32 v6, v5;
	_ =	sdelay $0x1  }
0xa6: {  	v6 =	vmul.f32 v5, v5;
	_ =	sdelay $0x1  }
0xa7: {  	v7 =	vmul.f32 $2.857142980e-01, v6;
	_ =	sdelay $0x1  }
0xa8: {  	v7 =	vadd.f32 $4.000000060e-01, v7;
	_ =	sdelay $0x1  }
0xa9: {  	v7 =	vmul.f32 v7, v6;
	_ =	sdelay $0x1  }
0xaa: {  	v7 =	vadd.f32 $6.666666860e-01, v7;
	_ =	sdelay $0x1  }
0xab: {  	v9 =	vshra.s32 v4, $0x17;
	v10 =	vsel vm0, $0xFFFFFF82, v1;
	v6 =	vmul.f32 v7, v6  }
0xac: {  	v8 =	vld [tilespmem:s28+$0x0];
	v7 =	vadd.s32 v9, v10  }
0xad: {  	v7 =	vcvt.s32.f32 v7;
	v6 =	vadd.f32 $2.000000000e+00, v6  }
0xae: {  	v3 =	vmax.f32 v3, v4  }
0xaf: {  	(xrf0) =	vmax.scan.msk.f32 $0xffff, v3;
	v3 =	vmul.f32 v6, v5;
	v5 =	vmul.f32 $6.931471820e-01, v7;
	_ =	sdelay $0x1  }
0xb0: {  	v3 =	vadd.f32 v3, v5;
	_ =	sdelay $0x1  }
0xb1: {  	[tilespmem:s28+$0x800] =	vst v4  }
0xb2: {  	s30 =	simm.s32 $0x0;
	[tilespmem:v8+s20+$0x0] =	vst.idx.msk $0xffff, v3  }
0xb3: {  	v5 =	vld [tilespmem:s30+$0x800];
	v3, _, _ =	vpop (xrf0)  }
0xb4: {  	s29 =	simm.s32 $0x40;
	v4 =	vimm.s32 $0x7FFFFFFF;
	s28 =	simm.s32 $0x0;
	v6 =	vld [tilespmem:s30+$0x0];
	v3 =	vbroadcast v3, $0xF  }
.LBB2_10:
0xb5: {  	_ = 	snop  }
0xb6: {  	p0 =	sne.s32 s29, $0x600  }
.Ltmp4:
0xb7: {  	_ = 	snop;
	(pc) =	sbr.rel @p0 .LBB2_10-.Ltmp4, $4  }
0xb8: {  	vm0 =	veq.f32 v5, v3  }
0xb9: {  	s30 =	sshra.s32 s29, $0x2;
	v7 =	vnsel vm0, $0x7FFFFFFF, v6  }
0xba: {  	v5 =	vld [tilespmem:s30+$0x800];
	vm0 =	vlt.s32 v4, v7  }
0xbb: {  	s29 =	sadd.s32 $0x40, s29;
	v6 =	vld [tilespmem:s30+$0x0];
	v4 =	vsel vm0, v4, v7  }
0xbc: {  	_ =	sdelay $0x2  }
0xbd: {  	vm0 =	veq.f32 v5, v3  }
0xbe: {  	v5 =	vnsel vm0, $0x7FFFFFFF, v6  }
0xbf: {  	vm0 =	vlt.s32 v4, v5  }
0xc0: {  	s29 =	simm.s32 $0x0;
	v4 =	vsel vm0, v4, v5  }
.LBB2_12:
0xc1: {  	p0 =	sgt.u32 s29, $0x18  }
0xc2: {  	v5 =	vld @!p0 [tilespmem:s28+$0x0];
	_ =	sdelay $0x4  }
0xc3: {  	v5 =	vand.u32 @!p0 $0xFFFFFFF0, v5  }
0xc4: {  	(v2sf) =	vpush @!p0 v5, $0x0;
	_ =	sdelay $0x6  }
0xc5: {  	(v2sf) =	vpush @!p0 v5, $0x1;
	_ =	sdelay $0x6  }
0xc6: {  	(v2sf) =	vpush @!p0 v5, $0x2  }
0xc7: {  	s30 =	spop @!p0 (v2sf)  }
0xc8: {  	s31 =	sshll.u32 @!p0 s30, $0x3  }
0xc9: {  	s0 =	sand.u32 @!p0 $0x70, s30;
	s31 =	sand.u32 @!p0 $0xFFFFFC00, s31  }
0xca: {  	s0 =	sor.u32 @!p0 s0, s31  }
0xcb: {  	s0 =	sshrl.u32 @!p0 s0, $0x3  }
0xcc: {  	s31 =	sadd.s32 @!p0 $0xA00, s30;
	s30 =	simm.s32 @!p0 $0x0;
	s0 =	sadd.s32 @!p0 s3, s0  }
0xcd: {  	(v2sf) =	vpush @!p0 v5, $0x3;
	[hbm4b:s0+s30] =	stream.linear.scatter @!p0 [tilespmem:s31], [sflag:$0x1], $0x10, $0x38;
	[tilespmem:$0x19200] =	vst v63  }
0xce: {  	s0 =	spop @!p0 (v2sf)  }
0xcf: {  	s31 =	sshll.u32 @!p0 s0, $0x3  }
0xd0: {  	s2 =	sand.u32 @!p0 $0x70, s0;
	s31 =	sand.u32 @!p0 $0xFFFFFC00, s31  }
0xd1: {  	s2 =	sor.u32 @!p0 s2, s31  }
0xd2: {  	s2 =	sshrl.u32 @!p0 s2, $0x3  }
0xd3: {  	s0 =	sadd.s32 @!p0 $0xA00, s0;
	s2 =	sadd.s32 @!p0 s3, s2  }
0xd4: {  	(v2sf) =	vpush @!p0 v5, $0x4;
	[hbm4b:s2+s30] =	stream.linear.scatter @!p0 [tilespmem:s0], [sflag:$0x1], $0x10, $0x38;
	[tilespmem:$0x19200] =	vst v63  }
0xd5: {  	s0 =	spop @!p0 (v2sf)  }
0xd6: {  	s2 =	sshll.u32 @!p0 s0, $0x3  }
0xd7: {  	s31 =	sand.u32 @!p0 $0x70, s0;
	s2 =	sand.u32 @!p0 $0xFFFFFC00, s2  }
0xd8: {  	s2 =	sor.u32 @!p0 s31, s2  }
0xd9: {  	s2 =	sshrl.u32 @!p0 s2, $0x3  }
0xda: {  	s0 =	sadd.s32 @!p0 $0xA00, s0;
	s2 =	sadd.s32 @!p0 s3, s2  }
0xdb: {  	(v2sf) =	vpush @!p0 v5, $0x5;
	[hbm4b:s2+s30] =	stream.linear.scatter @!p0 [tilespmem:s0], [sflag:$0x1], $0x10, $0x38;
	[tilespmem:$0x19200] =	vst v63  }
0xdc: {  	s0 =	spop @!p0 (v2sf)  }
0xdd: {  	s2 =	sshll.u32 @!p0 s0, $0x3  }
0xde: {  	s31 =	sand.u32 @!p0 $0x70, s0;
	s2 =	sand.u32 @!p0 $0xFFFFFC00, s2  }
0xdf: {  	s2 =	sor.u32 @!p0 s31, s2  }
0xe0: {  	s2 =	sshrl.u32 @!p0 s2, $0x3  }
0xe1: {  	s0 =	sadd.s32 @!p0 $0xA00, s0;
	s2 =	sadd.s32 @!p0 s3, s2  }
0xe2: {  	(v2sf) =	vpush @!p0 v5, $0x6;
	[hbm4b:s2+s30] =	stream.linear.scatter @!p0 [tilespmem:s0], [sflag:$0x1], $0x10, $0x38;
	[tilespmem:$0x19200] =	vst v63  }
0xe3: {  	s0 =	spop @!p0 (v2sf)  }
0xe4: {  	s2 =	sshll.u32 @!p0 s0, $0x3  }
0xe5: {  	s31 =	sand.u32 @!p0 $0x70, s0;
	s2 =	sand.u32 @!p0 $0xFFFFFC00, s2  }
0xe6: {  	s2 =	sor.u32 @!p0 s31, s2  }
0xe7: {  	s2 =	sshrl.u32 @!p0 s2, $0x3  }
0xe8: {  	s0 =	sadd.s32 @!p0 $0xA00, s0;
	s2 =	sadd.s32 @!p0 s3, s2  }
0xe9: {  	(v2sf) =	vpush @!p0 v5, $0x7;
	[hbm4b:s2+s30] =	stream.linear.scatter @!p0 [tilespmem:s0], [sflag:$0x1], $0x10, $0x38;
	[tilespmem:$0x19200] =	vst v63  }
0xea: {  	s0 =	spop @!p0 (v2sf)  }
0xeb: {  	s2 =	sshll.u32 @!p0 s0, $0x3  }
0xec: {  	s31 =	sand.u32 @!p0 $0x70, s0;
	s2 =	sand.u32 @!p0 $0xFFFFFC00, s2  }
0xed: {  	s2 =	sor.u32 @!p0 s31, s2  }
0xee: {  	s2 =	sshrl.u32 @!p0 s2, $0x3  }
0xef: {  	s0 =	sadd.s32 @!p0 $0xA00, s0;
	s2 =	sadd.s32 @!p0 s3, s2  }
0xf0: {  	(v2sf) =	vpush @!p0 v5, $0x8;
	[hbm4b:s2+s30] =	stream.linear.scatter @!p0 [tilespmem:s0], [sflag:$0x1], $0x10, $0x38;
	[tilespmem:$0x19200] =	vst v63  }
0xf1: {  	s0 =	spop @!p0 (v2sf)  }
0xf2: {  	s2 =	sshll.u32 @!p0 s0, $0x3  }
0xf3: {  	s31 =	sand.u32 @!p0 $0x70, s0;
	s2 =	sand.u32 @!p0 $0xFFFFFC00, s2  }
0xf4: {  	s2 =	sor.u32 @!p0 s31, s2  }
0xf5: {  	s2 =	sshrl.u32 @!p0 s2, $0x3  }
0xf6: {  	s0 =	sadd.s32 @!p0 $0xA00, s0;
	s2 =	sadd.s32 @!p0 s3, s2  }
0xf7: {  	(v2sf) =	vpush @!p0 v5, $0x9;
	[hbm4b:s2+s30] =	stream.linear.scatter @!p0 [tilespmem:s0], [sflag:$0x1], $0x10, $0x38;
	[tilespmem:$0x19200] =	vst v63  }
0xf8: {  	s0 =	spop @!p0 (v2sf)  }
0xf9: {  	s2 =	sshll.u32 @!p0 s0, $0x3  }
0xfa: {  	s31 =	sand.u32 @!p0 $0x70, s0;
	s2 =	sand.u32 @!p0 $0xFFFFFC00, s2  }
0xfb: {  	s2 =	sor.u32 @!p0 s31, s2  }
0xfc: {  	s2 =	sshrl.u32 @!p0 s2, $0x3  }
0xfd: {  	s0 =	sadd.s32 @!p0 $0xA00, s0;
	s2 =	sadd.s32 @!p0 s3, s2  }
0xfe: {  	(v2sf) =	vpush @!p0 v5, $0xA;
	[hbm4b:s2+s30] =	stream.linear.scatter @!p0 [tilespmem:s0], [sflag:$0x1], $0x10, $0x38;
	[tilespmem:$0x19200] =	vst v63  }
0xff: {  	s0 =	spop @!p0 (v2sf)  }
0x100: {  	s2 =	sshll.u32 @!p0 s0, $0x3  }
0x101: {  	s31 =	sand.u32 @!p0 $0x70, s0;
	s2 =	sand.u32 @!p0 $0xFFFFFC00, s2  }
0x102: {  	s2 =	sor.u32 @!p0 s31, s2  }
0x103: {  	s2 =	sshrl.u32 @!p0 s2, $0x3  }
0x104: {  	s0 =	sadd.s32 @!p0 $0xA00, s0;
	s2 =	sadd.s32 @!p0 s3, s2  }
0x105: {  	(v2sf) =	vpush @!p0 v5, $0xB;
	[hbm4b:s2+s30] =	stream.linear.scatter @!p0 [tilespmem:s0], [sflag:$0x1], $0x10, $0x38;
	[tilespmem:$0x19200] =	vst v63  }
0x106: {  	s0 =	spop @!p0 (v2sf)  }
0x107: {  	s2 =	sshll.u32 @!p0 s0, $0x3  }
0x108: {  	s31 =	sand.u32 @!p0 $0x70, s0;
	s2 =	sand.u32 @!p0 $0xFFFFFC00, s2  }
0x109: {  	s2 =	sor.u32 @!p0 s31, s2  }
0x10a: {  	s2 =	sshrl.u32 @!p0 s2, $0x3  }
0x10b: {  	s0 =	sadd.s32 @!p0 $0xA00, s0;
	s2 =	sadd.s32 @!p0 s3, s2  }
0x10c: {  	(v2sf) =	vpush @!p0 v5, $0xC;
	[hbm4b:s2+s30] =	stream.linear.scatter @!p0 [tilespmem:s0], [sflag:$0x1], $0x10, $0x38;
	[tilespmem:$0x19200] =	vst v63  }
0x10d: {  	s0 =	spop @!p0 (v2sf)  }
0x10e: {  	s2 =	sshll.u32 @!p0 s0, $0x3  }
0x10f: {  	s31 =	sand.u32 @!p0 $0x70, s0;
	s2 =	sand.u32 @!p0 $0xFFFFFC00, s2  }
0x110: {  	s2 =	sor.u32 @!p0 s31, s2  }
0x111: {  	(v2sf) =	vpush @!p0 v5, $0xD;
	s2 =	sshrl.u32 @!p0 s2, $0x3  }
0x112: {  	s0 =	sadd.s32 @!p0 $0xA00, s0;
	s2 =	sadd.s32 @!p0 s3, s2  }
0x113: {  	[hbm4b:s2+s30] =	stream.linear.scatter @!p0 [tilespmem:s0], [sflag:$0x1], $0x10, $0x38;
	[tilespmem:$0x19200] =	vst v63  }
0x114: {  	s0 =	spop @!p0 (v2sf)  }
0x115: {  	s2 =	sshll.u32 @!p0 s0, $0x3  }
0x116: {  	s31 =	sand.u32 @!p0 $0x70, s0;
	s2 =	sand.u32 @!p0 $0xFFFFFC00, s2  }
0x117: {  	(v2sf) =	vpush @!p0 v5, $0xE;
	s2 =	sor.u32 @!p0 s31, s2  }
0x118: {  	s2 =	sshrl.u32 @!p0 s2, $0x3  }
0x119: {  	s0 =	sadd.s32 @!p0 $0xA00, s0;
	s2 =	sadd.s32 @!p0 s3, s2  }
0x11a: {  	[hbm4b:s2+s30] =	stream.linear.scatter @!p0 [tilespmem:s0], [sflag:$0x1], $0x10, $0x38;
	[tilespmem:$0x19200] =	vst v63  }
0x11b: {  	s0 =	spop @!p0 (v2sf)  }
0x11c: {  	s2 =	sshll.u32 @!p0 s0, $0x3  }
0x11d: {  	s31 =	sand.u32 @!p0 $0x70, s0;
	s2 =	sand.u32 @!p0 $0xFFFFFC00, s2  }
0x11e: {  	s2 =	sor.u32 @!p0 s31, s2  }
0x11f: {  	(v2sf) =	vpush @!p0 v5, $0xF;
	s2 =	sshrl.u32 @!p0 s2, $0x3  }
0x120: {  	s0 =	sadd.s32 @!p0 $0xA00, s0;
	s31 =	spop @!p0 (v2sf);
	s2 =	sadd.s32 @!p0 s3, s2  }
0x121: {  	[hbm4b:s2+s30] =	stream.linear.scatter @!p0 [tilespmem:s0], [sflag:$0x1], $0x10, $0x38;
	[tilespmem:$0x19200] =	vst v63  }
0x122: {  	s0 =	sshll.u32 @!p0 s31, $0x3  }
0x123: {  	s2 =	sand.u32 @!p0 $0x70, s31;
	s0 =	sand.u32 @!p0 $0xFFFFFC00, s0  }
0x124: {  	s0 =	sor.u32 @!p0 s2, s0  }
0x125: {  	s0 =	sshrl.u32 @!p0 s0, $0x3  }
0x126: {  	s31 =	sadd.s32 @!p0 $0xA00, s31;
	s2 =	spop @!p0 (v2sf);
	s0 =	sadd.s32 @!p0 s3, s0  }
0x127: {  	[hbm4b:s0+s30] =	stream.linear.scatter @!p0 [tilespmem:s31], [sflag:$0x1], $0x10, $0x38;
	[tilespmem:$0x19200] =	vst v63  }
0x128: {  	s0 =	sshll.u32 @!p0 s2, $0x3  }
0x129: {  	s31 =	sand.u32 @!p0 $0x70, s2;
	s0 =	sand.u32 @!p0 $0xFFFFFC00, s0  }
0x12a: {  	s0 =	sor.u32 @!p0 s31, s0  }
0x12b: {  	s0 =	sshrl.u32 @!p0 s0, $0x3  }
0x12c: {  	s2 =	sadd.s32 @!p0 $0xA00, s2;
	s0 =	sadd.s32 @!p0 s3, s0  }
0x12d: {  	[hbm4b:s0+s30] =	stream.linear.scatter @!p0 [tilespmem:s2], [sflag:$0x1], $0x10, $0x38;
	[tilespmem:$0x19200] =	vst v63  }
0x12e: {  	s0 =	spop @!p0 (v2sf)  }
0x12f: {  	s2 =	sshll.u32 @!p0 s0, $0x3  }
0x130: {  	s31 =	sand.u32 @!p0 $0x70, s0;
	s2 =	sand.u32 @!p0 $0xFFFFFC00, s2  }
0x131: {  	s2 =	sor.u32 @!p0 s31, s2  }
0x132: {  	s2 =	sshrl.u32 @!p0 s2, $0x3  }
0x133: {  	p1 =	slt.u32 @!p0 s29, $0x2;
	s0 =	sadd.s32 @!p0 $0xA00, s0;
	s2 =	sadd.s32 @!p0 s3, s2  }
0x134: {  	[hbm4b:s2+s30] =	stream.linear.scatter @!p0 [tilespmem:s0], [sflag:$0x1], $0x10, $0x38;
	[tilespmem:$0x19200] =	vst v63  }
0x135: {  	p0 =	por p0, !p1  }
0x136: {  	_ =	swait.ge @p0 [sflag:s24], $0x10  }
0x137: {  	[sflag:s24] =	ssyncset.done @p0 $0x0  }
0x138: {  	[sflag:s24] =	ssyncadd.s32 @p0 $0xFFFFFFF0  }
0x139: {  	_ =	swait.ge @p0 [sflag:s24], $0x10  }
0x13a: {  	[sflag:s24] =	ssyncset.done @p0 $0x0  }
0x13b: {  	[sflag:s24] =	ssyncadd.s32 @p0 $0xFFFFFFF0  }
0x13c: {  	_ =	swait.ge @p0 [sflag:s24], $0x10  }
0x13d: {  	[sflag:s24] =	ssyncset.done @p0 $0x0  }
0x13e: {  	[sflag:s24] =	ssyncadd.s32 @p0 $0xFFFFFFF0  }
0x13f: {  	_ =	swait.ge @p0 [sflag:s24], $0x10  }
0x140: {  	[sflag:s24] =	ssyncset.done @p0 $0x0  }
0x141: {  	[sflag:s24] =	ssyncadd.s32 @p0 $0xFFFFFFF0  }
0x142: {  	_ =	swait.ge @p0 [sflag:s24], $0x10  }
0x143: {  	[sflag:s24] =	ssyncset.done @p0 $0x0  }
0x144: {  	[sflag:s24] =	ssyncadd.s32 @p0 $0xFFFFFFF0  }
0x145: {  	_ =	swait.ge @p0 [sflag:s24], $0x10  }
0x146: {  	[sflag:s24] =	ssyncset.done @p0 $0x0  }
0x147: {  	[sflag:s24] =	ssyncadd.s32 @p0 $0xFFFFFFF0  }
0x148: {  	_ =	swait.ge @p0 [sflag:s24], $0x10  }
0x149: {  	[sflag:s24] =	ssyncset.done @p0 $0x0  }
0x14a: {  	[sflag:s24] =	ssyncadd.s32 @p0 $0xFFFFFFF0  }
0x14b: {  	_ =	swait.ge @p0 [sflag:s24], $0x10  }
0x14c: {  	[sflag:s24] =	ssyncset.done @p0 $0x0  }
0x14d: {  	[sflag:s24] =	ssyncadd.s32 @p0 $0xFFFFFFF0  }
0x14e: {  	_ =	swait.ge @p0 [sflag:s24], $0x10  }
0x14f: {  	[sflag:s24] =	ssyncset.done @p0 $0x0  }
0x150: {  	[sflag:s24] =	ssyncadd.s32 @p0 $0xFFFFFFF0  }
0x151: {  	_ =	swait.ge @p0 [sflag:s24], $0x10  }
0x152: {  	[sflag:s24] =	ssyncset.done @p0 $0x0  }
0x153: {  	[sflag:s24] =	ssyncadd.s32 @p0 $0xFFFFFFF0  }
0x154: {  	_ =	swait.ge @p0 [sflag:s24], $0x10  }
0x155: {  	[sflag:s24] =	ssyncset.done @p0 $0x0  }
0x156: {  	[sflag:s24] =	ssyncadd.s32 @p0 $0xFFFFFFF0  }
0x157: {  	_ =	swait.ge @p0 [sflag:s24], $0x10  }
0x158: {  	[sflag:s24] =	ssyncset.done @p0 $0x0  }
0x159: {  	[sflag:s24] =	ssyncadd.s32 @p0 $0xFFFFFFF0  }
0x15a: {  	_ =	swait.ge @p0 [sflag:s24], $0x10  }
0x15b: {  	[sflag:s24] =	ssyncset.done @p0 $0x0  }
0x15c: {  	[sflag:s24] =	ssyncadd.s32 @p0 $0xFFFFFFF0  }
0x15d: {  	_ =	swait.ge @p0 [sflag:s24], $0x10  }
0x15e: {  	[sflag:s24] =	ssyncset.done @p0 $0x0  }
0x15f: {  	[sflag:s24] =	ssyncadd.s32 @p0 $0xFFFFFFF0  }
0x160: {  	_ =	swait.ge @p0 [sflag:s24], $0x10  }
0x161: {  	[sflag:s24] =	ssyncset.done @p0 $0x0  }
0x162: {  	[sflag:s24] =	ssyncadd.s32 @p0 $0xFFFFFFF0  }
0x163: {  	_ =	swait.ge @p0 [sflag:s24], $0x10  }
0x164: {  	s29 =	sadd.s32 $0x1, s29;
	[sflag:s24] =	ssyncset.done @p0 $0x0  }
0x165: {  	[sflag:s24] =	ssyncadd.s32 @p0 $0xFFFFFFF0;
	p0 =	sne.s32 s29, $0x1B  }
.Ltmp5:
0x166: {  	_ = 	snop;
	(pc) =	sbr.rel @p0 .LBB2_12-.Ltmp5, $2  }
0x167: {  	_ =	sdelay $0x2  }
0x168: {  	s28 =	sadd.s32 $0x10, s28  }
0x169: {  	v4 =	vxor.u32 $0x80000000, v4  }
0x16a: {  	(xrf0) =	vmin.scan.msk.u32 $0xffff, v4;
	_ =	sdelay $0x5  }
0x16b: {  	v4, _, _ =	vpop (xrf0)  }
0x16c: {  	(v2sf) =	vpush v4, $0xF;
	_ =	sdelay $0xc  }
0x16d: {  	s2 =	simm.s32 $0x0  }
0x16e: {  	[tilespmem:s23], [sflag:$0x2] =	stream.linear.gather [hbm4b:s7+s2], $0x80, $0x38;
	[tilespmem:$0x19200] =	vst v63  }
0x16f: {  	s0 =	spop (v2sf)  }
0x170: {  	_ =	swait.ge [sflag:s21], $0x80  }
0x171: {  	[sflag:s21] =	ssyncset.done $0x0  }
0x172: {  	[sflag:s21] =	ssyncadd.s32 $0xFFFFFF80  }
0x173: {  	v62 =	vld [tilespmem:$0x19180];
	_ =	sdelay $0x4  }
0x174: {  	v4 =	vmul.f32 $1.442695020e+00, v62;
	_ =	sdelay $0x1  }
0x175: {  	(erf) = vpow2.f32 v4;
	_ =	sdelay $0x8  }
0x176: {  	[tilespmem:s25], [sflag:$0x2] =	stream.linear.gather [hbm4b:s8+s2], $0x80, $0x38;
	v4 =	vpop (erf);
	[tilespmem:$0x19200] =	vst v63  }
0x177: {  	_ =	swait.ge [sflag:s21], $0x80  }
0x178: {  	v2 =	vsub.f32 $1.000000000e+00, v2;
	[sflag:s21] =	ssyncset.done $0x0  }
0x179: {  	[sflag:s21] =	ssyncadd.s32 $0xFFFFFF80  }
0x17a: {  	v2 =	vmul.f32 v4, v2;
	v63 =	vld [tilespmem:$0x19100];
	_ =	sdelay $0x1  }
0x17b: {  	v2 =	vadd.f32 $1.000000010e-10, v2;
	_ =	sdelay $0x1  }
0x17c: {  	s0 =	sxor.u32 $0x80000000, s0;
	vm0 =	vge.f32 v3, v2  }
0x17d: {  	v2 =	vsel vm0, s0, v63  }
0x17e: {  	[tilespmem:$0x19100] =	vst v2  }
0x17f: {  	[hbm4b:s9+s2] =	stream.linear.scatter [tilespmem:s25], [sflag:$0x2], $0x80, $0x38;
	[tilespmem:$0x19200] =	vst v63  }
0x180: {  	_ =	swait.ge [sflag:s21], $0x80  }
0x181: {  	[sflag:s21] =	ssyncset.done $0x0  }
0x182: {  	[sflag:s21] =	ssyncadd.s32 $0xFFFFFF80  }
0x183: {  	[tilespmem:s20], [sflag:$0x2] =	stream.strided.gather [hbm4b:s10+s18], $0x18700, s19, s18, $0x38;
	[tilespmem:$0x19200] =	vst v63  }
0x184: {  	_ =	swait.ge [sflag:s21], $0x18700  }
0x185: {  	[sflag:s21] =	ssyncset.done $0x0  }
0x186: {  	[sflag:s21] =	ssyncadd.s32 $0xFFFE7900  }
0x187: {  	[tilespmem:s2], [sflag:$0x2] =	stream.strided.gather [hbm4b:s11+s18], $0x200, s19, s18, $0x38;
	[tilespmem:$0x19200] =	vst v63  }
0x188: {  	_ =	swait.ge [sflag:s21], $0x200  }
0x189: {  	[sflag:s21] =	ssyncset.done $0x0  }
0x18a: {  	[sflag:s21] =	ssyncadd.s32 $0xFFFFFE00  }
0x18b: {  	[tilespmem:s22], [sflag:$0x2] =	stream.strided.gather [hbm4b:s12+s18], $0x200, s19, s18, $0x38;
	[tilespmem:$0x19200] =	vst v63  }
0x18c: {  	_ =	swait.ge [sflag:s21], $0x200  }
0x18d: {  	[sflag:s21] =	ssyncset.done $0x0  }
0x18e: {  	s28 =	simm.s32 $0x0;
	[sflag:s21] =	ssyncadd.s32 $0xFFFFFE00  }
0x18f: {  	v2 =	vld [tilespmem:s28+$0x0];
	_ =	sdelay $0x7  }
0x190: {  	s29 =	simm.s32 $0x10;
	s30 =	simm.s32 $0x80;
	v2 =	vld.idx.msk [tilespmem:v2+s20+$0x0], $0xffff  }
.LBB2_14:
0x191: {  	p0 =	sne.s32 s30, $0x600;
	v3 =	vld [tilespmem:s29+$0x0];
	_ =	sdelay $0x3  }
.Ltmp6:
0x192: {  	(pc) =	sbr.rel @p0 .LBB2_14-.Ltmp6, $2  }
0x193: {  	[tilespmem:s28+$0x400] =	vst v2;
	s28 =	smov.u32 s29;
	_ =	sdelay $0x2  }
0x194: {  	s29 =	sshra.s32 s30, $0x2;
	s30 =	sadd.s32 $0x40, s30;
	v2 =	vld.idx.msk [tilespmem:v3+s20+$0x0], $0xffff  }
0x195: {  	v3 =	vld [tilespmem:s29+$0x0];
	_ =	sdelay $0x6  }
0x196: {  	[tilespmem:s28+$0x400] =	vst v2  }
0x197: {  	v2 =	vld.idx.msk [tilespmem:v3+s20+$0x0], $0xffff;
	_ =	sdelay $0x4  }
0x198: {  	[tilespmem:s29+$0x400] =	vst v2  }
0x199: {  	v2 =	vld [tilespmem:$0x0];
	_ =	sdelay $0x7  }
0x19a: {  	[tilespmem:v2+s20+$0x0] =	vst.idx.msk $0xffff, v0  }
0x19b: {  	v2 =	vld [tilespmem:$0x10];
	_ =	sdelay $0x7  }
0x19c: {  	[tilespmem:v2+s20+$0x0] =	vst.idx.msk $0xffff, v0  }
0x19d: {  	v2 =	vld [tilespmem:$0x20];
	_ =	sdelay $0x7  }
0x19e: {  	[tilespmem:v2+s20+$0x0] =	vst.idx.msk $0xffff, v0  }
0x19f: {  	v2 =	vld [tilespmem:$0x30];
	_ =	sdelay $0x7  }
0x1a0: {  	[tilespmem:v2+s20+$0x0] =	vst.idx.msk $0xffff, v0  }
0x1a1: {  	v2 =	vld [tilespmem:$0x40];
	_ =	sdelay $0x7  }
0x1a2: {  	[tilespmem:v2+s20+$0x0] =	vst.idx.msk $0xffff, v0  }
0x1a3: {  	v2 =	vld [tilespmem:$0x50];
	_ =	sdelay $0x7  }
0x1a4: {  	[tilespmem:v2+s20+$0x0] =	vst.idx.msk $0xffff, v0  }
0x1a5: {  	v2 =	vld [tilespmem:$0x60];
	_ =	sdelay $0x7  }
0x1a6: {  	[tilespmem:v2+s20+$0x0] =	vst.idx.msk $0xffff, v0  }
0x1a7: {  	v2 =	vld [tilespmem:$0x70];
	_ =	sdelay $0x7  }
0x1a8: {  	[tilespmem:v2+s20+$0x0] =	vst.idx.msk $0xffff, v0  }
0x1a9: {  	v2 =	vld [tilespmem:$0x80];
	_ =	sdelay $0x7  }
0x1aa: {  	[tilespmem:v2+s20+$0x0] =	vst.idx.msk $0xffff, v0  }
0x1ab: {  	v2 =	vld [tilespmem:$0x90];
	_ =	sdelay $0x7  }
0x1ac: {  	[tilespmem:v2+s20+$0x0] =	vst.idx.msk $0xffff, v0  }
0x1ad: {  	v2 =	vld [tilespmem:$0xA0];
	_ =	sdelay $0x7  }
0x1ae: {  	[tilespmem:v2+s20+$0x0] =	vst.idx.msk $0xffff, v0  }
0x1af: {  	v2 =	vld [tilespmem:$0xB0];
	_ =	sdelay $0x7  }
0x1b0: {  	[tilespmem:v2+s20+$0x0] =	vst.idx.msk $0xffff, v0  }
0x1b1: {  	v2 =	vld [tilespmem:$0xC0];
	_ =	sdelay $0x7  }
0x1b2: {  	[tilespmem:v2+s20+$0x0] =	vst.idx.msk $0xffff, v0  }
0x1b3: {  	v2 =	vld [tilespmem:$0xD0];
	_ =	sdelay $0x7  }
0x1b4: {  	[tilespmem:v2+s20+$0x0] =	vst.idx.msk $0xffff, v0  }
0x1b5: {  	v2 =	vld [tilespmem:$0xE0];
	_ =	sdelay $0x7  }
0x1b6: {  	[tilespmem:v2+s20+$0x0] =	vst.idx.msk $0xffff, v0  }
0x1b7: {  	v2 =	vld [tilespmem:$0xF0];
	_ =	sdelay $0x7  }
0x1b8: {  	[tilespmem:v2+s20+$0x0] =	vst.idx.msk $0xffff, v0  }
0x1b9: {  	v2 =	vld [tilespmem:$0x100];
	_ =	sdelay $0x7  }
0x1ba: {  	[tilespmem:v2+s20+$0x0] =	vst.idx.msk $0xffff, v0  }
0x1bb: {  	v2 =	vld [tilespmem:$0x110];
	_ =	sdelay $0x7  }
0x1bc: {  	[tilespmem:v2+s20+$0x0] =	vst.idx.msk $0xffff, v0  }
0x1bd: {  	v2 =	vld [tilespmem:$0x120];
	_ =	sdelay $0x7  }
0x1be: {  	[tilespmem:v2+s20+$0x0] =	vst.idx.msk $0xffff, v0  }
0x1bf: {  	v2 =	vld [tilespmem:$0x130];
	_ =	sdelay $0x7  }
0x1c0: {  	[tilespmem:v2+s20+$0x0] =	vst.idx.msk $0xffff, v0  }
0x1c1: {  	v2 =	vld [tilespmem:$0x140];
	_ =	sdelay $0x7  }
0x1c2: {  	[tilespmem:v2+s20+$0x0] =	vst.idx.msk $0xffff, v0  }
0x1c3: {  	v2 =	vld [tilespmem:$0x150];
	_ =	sdelay $0x7  }
0x1c4: {  	[tilespmem:v2+s20+$0x0] =	vst.idx.msk $0xffff, v0  }
0x1c5: {  	v2 =	vld [tilespmem:$0x160];
	_ =	sdelay $0x7  }
0x1c6: {  	[tilespmem:v2+s20+$0x0] =	vst.idx.msk $0xffff, v0  }
0x1c7: {  	v2 =	vld [tilespmem:$0x170];
	_ =	sdelay $0x7  }
0x1c8: {  	[tilespmem:v2+s20+$0x0] =	vst.idx.msk $0xffff, v0  }
0x1c9: {  	v2 =	vld [tilespmem:$0x180];
	_ =	sdelay $0x7  }
0x1ca: {  	s28 =	simm.s32 $0x40;
	s29 =	simm.s32 $0x0;
	[tilespmem:v2+s20+$0x0] =	vst.idx.msk $0xffff, v0  }
.LBB2_16:
0x1cb: {  	p0 =	sne.s32 s28, $0x600;
	v2 =	vld [tilespmem:s29+$0x0];
	_ =	sdelay $0x2  }
0x1cc: {  	v3 =	vld [tilespmem:s29+$0x200]  }
.Ltmp7:
0x1cd: {  	(pc) =	sbr.rel @p0 .LBB2_16-.Ltmp7, $2  }
0x1ce: {  	_ =	sdelay $0x2  }
0x1cf: {  	s29 =	sshra.s32 s28, $0x2;
	s28 =	sadd.s32 $0x40, s28;
	[tilespmem:v2+s20+$0x0] =	vst.idx.add.f32.msk $0xffff, v3  }
0x1d0: {  	v2 =	vld [tilespmem:s29+$0x0];
	_ =	sdelay $0x2  }
0x1d1: {  	v3 =	vld [tilespmem:s29+$0x200];
	_ =	sdelay $0x4  }
0x1d2: {  	s28 =	simm.s32 $0x0;
	[tilespmem:v2+s20+$0x0] =	vst.idx.add.f32.msk $0xffff, v3  }
0x1d3: {  	v2 =	vld [tilespmem:s28+$0x0];
	_ =	sdelay $0x7  }
0x1d4: {  	s29 =	simm.s32 $0x10;
	s30 =	simm.s32 $0x80;
	v2 =	vld.idx.msk [tilespmem:v2+s20+$0x0], $0xffff  }
.LBB2_18:
0x1d5: {  	p0 =	sne.s32 s30, $0x600;
	v3 =	vld [tilespmem:s29+$0x0];
	_ =	sdelay $0x3  }
.Ltmp8:
0x1d6: {  	(pc) =	sbr.rel @p0 .LBB2_18-.Ltmp8, $2  }
0x1d7: {  	[tilespmem:s28+$0x600] =	vst v2;
	s28 =	smov.u32 s29;
	_ =	sdelay $0x2  }
0x1d8: {  	s29 =	sshra.s32 s30, $0x2;
	s30 =	sadd.s32 $0x40, s30;
	v2 =	vld.idx.msk [tilespmem:v3+s20+$0x0], $0xffff  }
0x1d9: {  	v3 =	vld [tilespmem:s29+$0x0];
	_ =	sdelay $0x6  }
0x1da: {  	[tilespmem:s28+$0x600] =	vst v2  }
0x1db: {  	v2 =	vld.idx.msk [tilespmem:v3+s20+$0x0], $0xffff;
	_ =	sdelay $0x4  }
0x1dc: {  	s0 =	simm.s32 $0x0;
	[tilespmem:s29+$0x600] =	vst v2  }
0x1dd: {  	[tilespmem:s23], [sflag:$0x2] =	stream.linear.gather [hbm4b:s13+s0], $0x80, $0x38;
	[tilespmem:$0x19200] =	vst v63  }
0x1de: {  	_ =	swait.ge [sflag:s21], $0x80  }
0x1df: {  	[sflag:s21] =	ssyncset.done $0x0  }
0x1e0: {  	[sflag:s21] =	ssyncadd.s32 $0xFFFFFF80  }
0x1e1: {  	s28 =	simm.s32 $0x0;
	v3 =	vimm.f32 $-1.000000020e+30;
	s29 =	simm.s32 $0x40;
	v2 =	vld [tilespmem:$0x19180]  }
.LBB2_20:
0x1e2: {  	p0 =	sne.s32 s29, $0x600;
	v4 =	vld [tilespmem:s28+$0x400];
	_ =	sdelay $0x4  }
0x1e3: {  	v4 =	vmul.f32 $1.442695020e+00, v4;
	_ =	sdelay $0x1  }
0x1e4: {  	(erf) = vpow2.f32 v4;
	_ =	sdelay $0x2  }
0x1e5: {  	v4 =	vld [tilespmem:s28+$0x600];
	_ =	sdelay $0x4  }
0x1e6: {  	v4 =	vmul.f32 v4, v2  }
0x1e7: {  	v5 =	vpop (erf)  }
0x1e8: {  	v4 =	vadd.f32 v4, v5;
	_ =	sdelay $0x1  }
0x1e9: {  	v5 =	vand.u32 $0x7FFFFF, v4;
	v3 =	vmax.f32 v3, v4  }
0x1ea: {  	v5 =	vor.u32 $0x3F800000, v5  }
0x1eb: {  	v6 =	vmul.f32 $5.000000000e-01, v5  }
0x1ec: {  	vm0 =	vgt.f32 v5, $1.414213540e+00  }
0x1ed: {  	v5 =	vsel vm0, v6, v5  }
0x1ee: {  	v5 =	vadd.f32 $-1.000000000e+00, v5;
	_ =	sdelay $0x1  }
0x1ef: {  	v6 =	vadd.f32 $2.000000000e+00, v5;
	_ =	sdelay $0x1  }
0x1f0: {  	(erf) = vrcp.f32 v6;
	_ =	sdelay $0x8  }
0x1f1: {  	v6 =	vpop (erf)  }
0x1f2: {  	v5 =	vmul.f32 v6, v5;
	_ =	sdelay $0x1  }
0x1f3: {  	v6 =	vmul.f32 v5, v5;
	_ =	sdelay $0x1  }
0x1f4: {  	v7 =	vmul.f32 $2.857142980e-01, v6;
	_ =	sdelay $0x1  }
0x1f5: {  	v7 =	vadd.f32 $4.000000060e-01, v7;
	_ =	sdelay $0x1  }
0x1f6: {  	v7 =	vmul.f32 v7, v6;
	_ =	sdelay $0x1  }
0x1f7: {  	v7 =	vadd.f32 $6.666666860e-01, v7;
	_ =	sdelay $0x1  }
0x1f8: {  	v9 =	vshra.s32 v4, $0x17;
	v10 =	vsel vm0, $0xFFFFFF82, v1;
	v8 =	vld [tilespmem:s28+$0x0];
	v6 =	vmul.f32 v7, v6  }
0x1f9: {  	v7 =	vadd.s32 v9, v10  }
0x1fa: {  	v7 =	vcvt.s32.f32 v7;
	v6 =	vadd.f32 $2.000000000e+00, v6;
	_ =	sdelay $0x1  }
.Ltmp9:
0x1fb: {  	v5 =	vmul.f32 v6, v5;
	v6 =	vmul.f32 $6.931471820e-01, v7;
	(pc) =	sbr.rel @p0 .LBB2_20-.Ltmp9, $4  }
0x1fc: {  	_ = 	snop  }
0x1fd: {  	v5 =	vadd.f32 v5, v6  }
0x1fe: {  	[tilespmem:s28+$0x800] =	vst v4  }
0x1ff: {  	s28 =	sshra.s32 s29, $0x2;
	s29 =	sadd.s32 $0x40, s29;
	[tilespmem:v8+s20+$0x0] =	vst.idx.msk $0xffff, v5  }
0x200: {  	v4 =	vld [tilespmem:s28+$0x400];
	_ =	sdelay $0x4  }
0x201: {  	v4 =	vmul.f32 $1.442695020e+00, v4;
	_ =	sdelay $0x1  }
0x202: {  	(erf) = vpow2.f32 v4;
	_ =	sdelay $0x2  }
0x203: {  	v4 =	vld [tilespmem:s28+$0x600];
	_ =	sdelay $0x4  }
0x204: {  	v4 =	vmul.f32 v4, v2  }
0x205: {  	v5 =	vpop (erf)  }
0x206: {  	v4 =	vadd.f32 v4, v5;
	_ =	sdelay $0x1  }
0x207: {  	v5 =	vand.u32 $0x7FFFFF, v4  }
0x208: {  	v5 =	vor.u32 $0x3F800000, v5  }
0x209: {  	v6 =	vmul.f32 $5.000000000e-01, v5  }
0x20a: {  	vm0 =	vgt.f32 v5, $1.414213540e+00  }
0x20b: {  	v5 =	vsel vm0, v6, v5  }
0x20c: {  	v5 =	vadd.f32 $-1.000000000e+00, v5;
	_ =	sdelay $0x1  }
0x20d: {  	v6 =	vadd.f32 $2.000000000e+00, v5;
	_ =	sdelay $0x1  }
0x20e: {  	(erf) = vrcp.f32 v6;
	_ =	sdelay $0x8  }
0x20f: {  	v6 =	vpop (erf)  }
0x210: {  	v5 =	vmul.f32 v6, v5;
	_ =	sdelay $0x1  }
0x211: {  	v6 =	vmul.f32 v5, v5;
	_ =	sdelay $0x1  }
0x212: {  	v7 =	vmul.f32 $2.857142980e-01, v6;
	_ =	sdelay $0x1  }
0x213: {  	v7 =	vadd.f32 $4.000000060e-01, v7;
	_ =	sdelay $0x1  }
0x214: {  	v7 =	vmul.f32 v7, v6;
	_ =	sdelay $0x1  }
0x215: {  	v7 =	vadd.f32 $6.666666860e-01, v7;
	_ =	sdelay $0x1  }
0x216: {  	v9 =	vshra.s32 v4, $0x17;
	v10 =	vsel vm0, $0xFFFFFF82, v1;
	v6 =	vmul.f32 v7, v6  }
0x217: {  	v8 =	vld [tilespmem:s28+$0x0];
	v7 =	vadd.s32 v9, v10  }
0x218: {  	v7 =	vcvt.s32.f32 v7;
	v6 =	vadd.f32 $2.000000000e+00, v6  }
0x219: {  	v3 =	vmax.f32 v3, v4  }
0x21a: {  	(xrf0) =	vmax.scan.msk.f32 $0xffff, v3;
	v3 =	vmul.f32 v6, v5;
	v5 =	vmul.f32 $6.931471820e-01, v7;
	_ =	sdelay $0x1  }
0x21b: {  	v3 =	vadd.f32 v3, v5;
	_ =	sdelay $0x1  }
0x21c: {  	[tilespmem:s28+$0x800] =	vst v4  }
0x21d: {  	s0 =	simm.s32 $0x0;
	[tilespmem:v8+s20+$0x0] =	vst.idx.msk $0xffff, v3  }
0x21e: {  	v5 =	vld [tilespmem:s0+$0x800];
	v3, _, _ =	vpop (xrf0)  }
0x21f: {  	s29 =	simm.s32 $0x40;
	v4 =	vimm.s32 $0x7FFFFFFF;
	s28 =	simm.s32 $0x0;
	v6 =	vld [tilespmem:s0+$0x0];
	v3 =	vbroadcast v3, $0xF  }
.LBB2_22:
0x220: {  	_ = 	snop  }
0x221: {  	p0 =	sne.s32 s29, $0x600  }
.Ltmp10:
0x222: {  	_ = 	snop;
	(pc) =	sbr.rel @p0 .LBB2_22-.Ltmp10, $4  }
0x223: {  	vm0 =	veq.f32 v5, v3  }
0x224: {  	s0 =	sshra.s32 s29, $0x2;
	v7 =	vnsel vm0, $0x7FFFFFFF, v6  }
0x225: {  	v5 =	vld [tilespmem:s0+$0x800];
	vm0 =	vlt.s32 v4, v7  }
0x226: {  	s29 =	sadd.s32 $0x40, s29;
	v6 =	vld [tilespmem:s0+$0x0];
	v4 =	vsel vm0, v4, v7  }
0x227: {  	_ =	sdelay $0x2  }
0x228: {  	vm0 =	veq.f32 v5, v3  }
0x229: {  	v5 =	vnsel vm0, $0x7FFFFFFF, v6  }
0x22a: {  	vm0 =	vlt.s32 v4, v5  }
0x22b: {  	s29 =	simm.s32 $0x0;
	v4 =	vsel vm0, v4, v5  }
.LBB2_24:
0x22c: {  	p0 =	sgt.u32 s29, $0x18  }
0x22d: {  	v5 =	vld @!p0 [tilespmem:s28+$0x0];
	_ =	sdelay $0x4  }
0x22e: {  	v5 =	vand.u32 @!p0 $0xFFFFFFF0, v5  }
0x22f: {  	(v2sf) =	vpush @!p0 v5, $0x0;
	_ =	sdelay $0x6  }
0x230: {  	(v2sf) =	vpush @!p0 v5, $0x1;
	_ =	sdelay $0x6  }
0x231: {  	(v2sf) =	vpush @!p0 v5, $0x2  }
0x232: {  	s0 =	spop @!p0 (v2sf)  }
0x233: {  	s2 =	sshll.u32 @!p0 s0, $0x3  }
0x234: {  	s30 =	sand.u32 @!p0 $0x70, s0;
	s2 =	sand.u32 @!p0 $0xFFFFFC00, s2  }
0x235: {  	s2 =	sor.u32 @!p0 s30, s2  }
0x236: {  	s2 =	sshrl.u32 @!p0 s2, $0x3  }
0x237: {  	s0 =	sadd.s32 @!p0 $0xA00, s0;
	s30 =	simm.s32 @!p0 $0x0;
	s2 =	sadd.s32 @!p0 s10, s2  }
0x238: {  	(v2sf) =	vpush @!p0 v5, $0x3;
	[hbm4b:s2+s30] =	stream.linear.scatter @!p0 [tilespmem:s0], [sflag:$0x1], $0x10, $0x38;
	[tilespmem:$0x19200] =	vst v63  }
0x239: {  	s0 =	spop @!p0 (v2sf)  }
0x23a: {  	s2 =	sshll.u32 @!p0 s0, $0x3  }
0x23b: {  	s31 =	sand.u32 @!p0 $0x70, s0;
	s2 =	sand.u32 @!p0 $0xFFFFFC00, s2  }
0x23c: {  	s2 =	sor.u32 @!p0 s31, s2  }
0x23d: {  	s2 =	sshrl.u32 @!p0 s2, $0x3  }
0x23e: {  	s0 =	sadd.s32 @!p0 $0xA00, s0;
	s2 =	sadd.s32 @!p0 s10, s2  }
0x23f: {  	(v2sf) =	vpush @!p0 v5, $0x4;
	[hbm4b:s2+s30] =	stream.linear.scatter @!p0 [tilespmem:s0], [sflag:$0x1], $0x10, $0x38;
	[tilespmem:$0x19200] =	vst v63  }
0x240: {  	s0 =	spop @!p0 (v2sf)  }
0x241: {  	s2 =	sshll.u32 @!p0 s0, $0x3  }
0x242: {  	s31 =	sand.u32 @!p0 $0x70, s0;
	s2 =	sand.u32 @!p0 $0xFFFFFC00, s2  }
0x243: {  	s2 =	sor.u32 @!p0 s31, s2  }
0x244: {  	s2 =	sshrl.u32 @!p0 s2, $0x3  }
0x245: {  	s0 =	sadd.s32 @!p0 $0xA00, s0;
	s2 =	sadd.s32 @!p0 s10, s2  }
0x246: {  	(v2sf) =	vpush @!p0 v5, $0x5;
	[hbm4b:s2+s30] =	stream.linear.scatter @!p0 [tilespmem:s0], [sflag:$0x1], $0x10, $0x38;
	[tilespmem:$0x19200] =	vst v63  }
0x247: {  	s0 =	spop @!p0 (v2sf)  }
0x248: {  	s2 =	sshll.u32 @!p0 s0, $0x3  }
0x249: {  	s31 =	sand.u32 @!p0 $0x70, s0;
	s2 =	sand.u32 @!p0 $0xFFFFFC00, s2  }
0x24a: {  	s2 =	sor.u32 @!p0 s31, s2  }
0x24b: {  	s2 =	sshrl.u32 @!p0 s2, $0x3  }
0x24c: {  	s0 =	sadd.s32 @!p0 $0xA00, s0;
	s2 =	sadd.s32 @!p0 s10, s2  }
0x24d: {  	(v2sf) =	vpush @!p0 v5, $0x6;
	[hbm4b:s2+s30] =	stream.linear.scatter @!p0 [tilespmem:s0], [sflag:$0x1], $0x10, $0x38;
	[tilespmem:$0x19200] =	vst v63  }
0x24e: {  	s0 =	spop @!p0 (v2sf)  }
0x24f: {  	s2 =	sshll.u32 @!p0 s0, $0x3  }
0x250: {  	s31 =	sand.u32 @!p0 $0x70, s0;
	s2 =	sand.u32 @!p0 $0xFFFFFC00, s2  }
0x251: {  	s2 =	sor.u32 @!p0 s31, s2  }
0x252: {  	s2 =	sshrl.u32 @!p0 s2, $0x3  }
0x253: {  	s0 =	sadd.s32 @!p0 $0xA00, s0;
	s2 =	sadd.s32 @!p0 s10, s2  }
0x254: {  	(v2sf) =	vpush @!p0 v5, $0x7;
	[hbm4b:s2+s30] =	stream.linear.scatter @!p0 [tilespmem:s0], [sflag:$0x1], $0x10, $0x38;
	[tilespmem:$0x19200] =	vst v63  }
0x255: {  	s0 =	spop @!p0 (v2sf)  }
0x256: {  	s2 =	sshll.u32 @!p0 s0, $0x3  }
0x257: {  	s31 =	sand.u32 @!p0 $0x70, s0;
	s2 =	sand.u32 @!p0 $0xFFFFFC00, s2  }
0x258: {  	s2 =	sor.u32 @!p0 s31, s2  }
0x259: {  	s2 =	sshrl.u32 @!p0 s2, $0x3  }
0x25a: {  	s0 =	sadd.s32 @!p0 $0xA00, s0;
	s2 =	sadd.s32 @!p0 s10, s2  }
0x25b: {  	(v2sf) =	vpush @!p0 v5, $0x8;
	[hbm4b:s2+s30] =	stream.linear.scatter @!p0 [tilespmem:s0], [sflag:$0x1], $0x10, $0x38;
	[tilespmem:$0x19200] =	vst v63  }
0x25c: {  	s0 =	spop @!p0 (v2sf)  }
0x25d: {  	s2 =	sshll.u32 @!p0 s0, $0x3  }
0x25e: {  	s31 =	sand.u32 @!p0 $0x70, s0;
	s2 =	sand.u32 @!p0 $0xFFFFFC00, s2  }
0x25f: {  	s2 =	sor.u32 @!p0 s31, s2  }
0x260: {  	s2 =	sshrl.u32 @!p0 s2, $0x3  }
0x261: {  	s0 =	sadd.s32 @!p0 $0xA00, s0;
	s2 =	sadd.s32 @!p0 s10, s2  }
0x262: {  	(v2sf) =	vpush @!p0 v5, $0x9;
	[hbm4b:s2+s30] =	stream.linear.scatter @!p0 [tilespmem:s0], [sflag:$0x1], $0x10, $0x38;
	[tilespmem:$0x19200] =	vst v63  }
0x263: {  	s0 =	spop @!p0 (v2sf)  }
0x264: {  	s2 =	sshll.u32 @!p0 s0, $0x3  }
0x265: {  	s31 =	sand.u32 @!p0 $0x70, s0;
	s2 =	sand.u32 @!p0 $0xFFFFFC00, s2  }
0x266: {  	s2 =	sor.u32 @!p0 s31, s2  }
0x267: {  	s2 =	sshrl.u32 @!p0 s2, $0x3  }
0x268: {  	s0 =	sadd.s32 @!p0 $0xA00, s0;
	s2 =	sadd.s32 @!p0 s10, s2  }
0x269: {  	(v2sf) =	vpush @!p0 v5, $0xA;
	[hbm4b:s2+s30] =	stream.linear.scatter @!p0 [tilespmem:s0], [sflag:$0x1], $0x10, $0x38;
	[tilespmem:$0x19200] =	vst v63  }
0x26a: {  	s0 =	spop @!p0 (v2sf)  }
0x26b: {  	s2 =	sshll.u32 @!p0 s0, $0x3  }
0x26c: {  	s31 =	sand.u32 @!p0 $0x70, s0;
	s2 =	sand.u32 @!p0 $0xFFFFFC00, s2  }
0x26d: {  	s2 =	sor.u32 @!p0 s31, s2  }
0x26e: {  	s2 =	sshrl.u32 @!p0 s2, $0x3  }
0x26f: {  	s0 =	sadd.s32 @!p0 $0xA00, s0;
	s2 =	sadd.s32 @!p0 s10, s2  }
0x270: {  	(v2sf) =	vpush @!p0 v5, $0xB;
	[hbm4b:s2+s30] =	stream.linear.scatter @!p0 [tilespmem:s0], [sflag:$0x1], $0x10, $0x38;
	[tilespmem:$0x19200] =	vst v63  }
0x271: {  	s0 =	spop @!p0 (v2sf)  }
0x272: {  	s2 =	sshll.u32 @!p0 s0, $0x3  }
0x273: {  	s31 =	sand.u32 @!p0 $0x70, s0;
	s2 =	sand.u32 @!p0 $0xFFFFFC00, s2  }
0x274: {  	s2 =	sor.u32 @!p0 s31, s2  }
0x275: {  	s2 =	sshrl.u32 @!p0 s2, $0x3  }
0x276: {  	s0 =	sadd.s32 @!p0 $0xA00, s0;
	s2 =	sadd.s32 @!p0 s10, s2  }
0x277: {  	(v2sf) =	vpush @!p0 v5, $0xC;
	[hbm4b:s2+s30] =	stream.linear.scatter @!p0 [tilespmem:s0], [sflag:$0x1], $0x10, $0x38;
	[tilespmem:$0x19200] =	vst v63  }
0x278: {  	s0 =	spop @!p0 (v2sf)  }
0x279: {  	s2 =	sshll.u32 @!p0 s0, $0x3  }
0x27a: {  	s31 =	sand.u32 @!p0 $0x70, s0;
	s2 =	sand.u32 @!p0 $0xFFFFFC00, s2  }
0x27b: {  	s2 =	sor.u32 @!p0 s31, s2  }
0x27c: {  	(v2sf) =	vpush @!p0 v5, $0xD;
	s2 =	sshrl.u32 @!p0 s2, $0x3  }
0x27d: {  	s0 =	sadd.s32 @!p0 $0xA00, s0;
	s2 =	sadd.s32 @!p0 s10, s2  }
0x27e: {  	[hbm4b:s2+s30] =	stream.linear.scatter @!p0 [tilespmem:s0], [sflag:$0x1], $0x10, $0x38;
	[tilespmem:$0x19200] =	vst v63  }
0x27f: {  	s0 =	spop @!p0 (v2sf)  }
0x280: {  	s2 =	sshll.u32 @!p0 s0, $0x3  }
0x281: {  	s31 =	sand.u32 @!p0 $0x70, s0;
	s2 =	sand.u32 @!p0 $0xFFFFFC00, s2  }
0x282: {  	(v2sf) =	vpush @!p0 v5, $0xE;
	s2 =	sor.u32 @!p0 s31, s2  }
0x283: {  	s2 =	sshrl.u32 @!p0 s2, $0x3  }
0x284: {  	s0 =	sadd.s32 @!p0 $0xA00, s0;
	s2 =	sadd.s32 @!p0 s10, s2  }
0x285: {  	[hbm4b:s2+s30] =	stream.linear.scatter @!p0 [tilespmem:s0], [sflag:$0x1], $0x10, $0x38;
	[tilespmem:$0x19200] =	vst v63  }
0x286: {  	s0 =	spop @!p0 (v2sf)  }
0x287: {  	s2 =	sshll.u32 @!p0 s0, $0x3  }
0x288: {  	s31 =	sand.u32 @!p0 $0x70, s0;
	s2 =	sand.u32 @!p0 $0xFFFFFC00, s2  }
0x289: {  	s2 =	sor.u32 @!p0 s31, s2  }
0x28a: {  	(v2sf) =	vpush @!p0 v5, $0xF;
	s2 =	sshrl.u32 @!p0 s2, $0x3  }
0x28b: {  	s0 =	sadd.s32 @!p0 $0xA00, s0;
	s31 =	spop @!p0 (v2sf);
	s2 =	sadd.s32 @!p0 s10, s2  }
0x28c: {  	[hbm4b:s2+s30] =	stream.linear.scatter @!p0 [tilespmem:s0], [sflag:$0x1], $0x10, $0x38;
	[tilespmem:$0x19200] =	vst v63  }
0x28d: {  	s0 =	sshll.u32 @!p0 s31, $0x3  }
0x28e: {  	s2 =	sand.u32 @!p0 $0x70, s31;
	s0 =	sand.u32 @!p0 $0xFFFFFC00, s0  }
0x28f: {  	s0 =	sor.u32 @!p0 s2, s0  }
0x290: {  	s0 =	sshrl.u32 @!p0 s0, $0x3  }
0x291: {  	s31 =	sadd.s32 @!p0 $0xA00, s31;
	s2 =	spop @!p0 (v2sf);
	s0 =	sadd.s32 @!p0 s10, s0  }
0x292: {  	[hbm4b:s0+s30] =	stream.linear.scatter @!p0 [tilespmem:s31], [sflag:$0x1], $0x10, $0x38;
	[tilespmem:$0x19200] =	vst v63  }
0x293: {  	s0 =	sshll.u32 @!p0 s2, $0x3  }
0x294: {  	s31 =	sand.u32 @!p0 $0x70, s2;
	s0 =	sand.u32 @!p0 $0xFFFFFC00, s0  }
0x295: {  	s0 =	sor.u32 @!p0 s31, s0  }
0x296: {  	s0 =	sshrl.u32 @!p0 s0, $0x3  }
0x297: {  	s2 =	sadd.s32 @!p0 $0xA00, s2;
	s0 =	sadd.s32 @!p0 s10, s0  }
0x298: {  	[hbm4b:s0+s30] =	stream.linear.scatter @!p0 [tilespmem:s2], [sflag:$0x1], $0x10, $0x38;
	[tilespmem:$0x19200] =	vst v63  }
0x299: {  	s0 =	spop @!p0 (v2sf)  }
0x29a: {  	s2 =	sshll.u32 @!p0 s0, $0x3  }
0x29b: {  	s31 =	sand.u32 @!p0 $0x70, s0;
	s2 =	sand.u32 @!p0 $0xFFFFFC00, s2  }
0x29c: {  	s2 =	sor.u32 @!p0 s31, s2  }
0x29d: {  	s2 =	sshrl.u32 @!p0 s2, $0x3  }
0x29e: {  	p1 =	slt.u32 @!p0 s29, $0x2;
	s0 =	sadd.s32 @!p0 $0xA00, s0;
	s2 =	sadd.s32 @!p0 s10, s2  }
0x29f: {  	[hbm4b:s2+s30] =	stream.linear.scatter @!p0 [tilespmem:s0], [sflag:$0x1], $0x10, $0x38;
	[tilespmem:$0x19200] =	vst v63  }
0x2a0: {  	p0 =	por p0, !p1  }
0x2a1: {  	_ =	swait.ge @p0 [sflag:s24], $0x10  }
0x2a2: {  	[sflag:s24] =	ssyncset.done @p0 $0x0  }
0x2a3: {  	[sflag:s24] =	ssyncadd.s32 @p0 $0xFFFFFFF0  }
0x2a4: {  	_ =	swait.ge @p0 [sflag:s24], $0x10  }
0x2a5: {  	[sflag:s24] =	ssyncset.done @p0 $0x0  }
0x2a6: {  	[sflag:s24] =	ssyncadd.s32 @p0 $0xFFFFFFF0  }
0x2a7: {  	_ =	swait.ge @p0 [sflag:s24], $0x10  }
0x2a8: {  	[sflag:s24] =	ssyncset.done @p0 $0x0  }
0x2a9: {  	[sflag:s24] =	ssyncadd.s32 @p0 $0xFFFFFFF0  }
0x2aa: {  	_ =	swait.ge @p0 [sflag:s24], $0x10  }
0x2ab: {  	[sflag:s24] =	ssyncset.done @p0 $0x0  }
0x2ac: {  	[sflag:s24] =	ssyncadd.s32 @p0 $0xFFFFFFF0  }
0x2ad: {  	_ =	swait.ge @p0 [sflag:s24], $0x10  }
0x2ae: {  	[sflag:s24] =	ssyncset.done @p0 $0x0  }
0x2af: {  	[sflag:s24] =	ssyncadd.s32 @p0 $0xFFFFFFF0  }
0x2b0: {  	_ =	swait.ge @p0 [sflag:s24], $0x10  }
0x2b1: {  	[sflag:s24] =	ssyncset.done @p0 $0x0  }
0x2b2: {  	[sflag:s24] =	ssyncadd.s32 @p0 $0xFFFFFFF0  }
0x2b3: {  	_ =	swait.ge @p0 [sflag:s24], $0x10  }
0x2b4: {  	[sflag:s24] =	ssyncset.done @p0 $0x0  }
0x2b5: {  	[sflag:s24] =	ssyncadd.s32 @p0 $0xFFFFFFF0  }
0x2b6: {  	_ =	swait.ge @p0 [sflag:s24], $0x10  }
0x2b7: {  	[sflag:s24] =	ssyncset.done @p0 $0x0  }
0x2b8: {  	[sflag:s24] =	ssyncadd.s32 @p0 $0xFFFFFFF0  }
0x2b9: {  	_ =	swait.ge @p0 [sflag:s24], $0x10  }
0x2ba: {  	[sflag:s24] =	ssyncset.done @p0 $0x0  }
0x2bb: {  	[sflag:s24] =	ssyncadd.s32 @p0 $0xFFFFFFF0  }
0x2bc: {  	_ =	swait.ge @p0 [sflag:s24], $0x10  }
0x2bd: {  	[sflag:s24] =	ssyncset.done @p0 $0x0  }
0x2be: {  	[sflag:s24] =	ssyncadd.s32 @p0 $0xFFFFFFF0  }
0x2bf: {  	_ =	swait.ge @p0 [sflag:s24], $0x10  }
0x2c0: {  	[sflag:s24] =	ssyncset.done @p0 $0x0  }
0x2c1: {  	[sflag:s24] =	ssyncadd.s32 @p0 $0xFFFFFFF0  }
0x2c2: {  	_ =	swait.ge @p0 [sflag:s24], $0x10  }
0x2c3: {  	[sflag:s24] =	ssyncset.done @p0 $0x0  }
0x2c4: {  	[sflag:s24] =	ssyncadd.s32 @p0 $0xFFFFFFF0  }
0x2c5: {  	_ =	swait.ge @p0 [sflag:s24], $0x10  }
0x2c6: {  	[sflag:s24] =	ssyncset.done @p0 $0x0  }
0x2c7: {  	[sflag:s24] =	ssyncadd.s32 @p0 $0xFFFFFFF0  }
0x2c8: {  	_ =	swait.ge @p0 [sflag:s24], $0x10  }
0x2c9: {  	[sflag:s24] =	ssyncset.done @p0 $0x0  }
0x2ca: {  	[sflag:s24] =	ssyncadd.s32 @p0 $0xFFFFFFF0  }
0x2cb: {  	_ =	swait.ge @p0 [sflag:s24], $0x10  }
0x2cc: {  	[sflag:s24] =	ssyncset.done @p0 $0x0  }
0x2cd: {  	[sflag:s24] =	ssyncadd.s32 @p0 $0xFFFFFFF0  }
0x2ce: {  	_ =	swait.ge @p0 [sflag:s24], $0x10  }
0x2cf: {  	s29 =	sadd.s32 $0x1, s29;
	[sflag:s24] =	ssyncset.done @p0 $0x0  }
0x2d0: {  	[sflag:s24] =	ssyncadd.s32 @p0 $0xFFFFFFF0;
	p0 =	sne.s32 s29, $0x1B  }
.Ltmp11:
0x2d1: {  	_ = 	snop;
	(pc) =	sbr.rel @p0 .LBB2_24-.Ltmp11, $2  }
0x2d2: {  	_ =	sdelay $0x2  }
0x2d3: {  	s28 =	sadd.s32 $0x10, s28  }
0x2d4: {  	v4 =	vxor.u32 $0x80000000, v4  }
0x2d5: {  	(xrf0) =	vmin.scan.msk.u32 $0xffff, v4;
	_ =	sdelay $0x5  }
0x2d6: {  	v4, _, _ =	vpop (xrf0)  }
0x2d7: {  	(v2sf) =	vpush v4, $0xF;
	_ =	sdelay $0xd  }
0x2d8: {  	[tilespmem:s23], [sflag:$0x2] =	stream.linear.gather [hbm4b:s14+s1], $0x80, $0x38;
	[tilespmem:$0x19200] =	vst v63  }
0x2d9: {  	s0 =	spop (v2sf)  }
0x2da: {  	_ =	swait.ge [sflag:s21], $0x80  }
0x2db: {  	[sflag:s21] =	ssyncset.done $0x0  }
0x2dc: {  	[sflag:s21] =	ssyncadd.s32 $0xFFFFFF80  }
0x2dd: {  	v62 =	vld [tilespmem:$0x19180];
	_ =	sdelay $0x4  }
0x2de: {  	v4 =	vmul.f32 $1.442695020e+00, v62;
	_ =	sdelay $0x1  }
0x2df: {  	(erf) = vpow2.f32 v4;
	_ =	sdelay $0x8  }
0x2e0: {  	[tilespmem:s25], [sflag:$0x2] =	stream.linear.gather [hbm4b:s15+s1], $0x80, $0x38;
	v4 =	vpop (erf);
	[tilespmem:$0x19200] =	vst v63  }
0x2e1: {  	_ =	swait.ge [sflag:s21], $0x80  }
0x2e2: {  	v2 =	vsub.f32 $1.000000000e+00, v2;
	[sflag:s21] =	ssyncset.done $0x0  }
0x2e3: {  	[sflag:s21] =	ssyncadd.s32 $0xFFFFFF80  }
0x2e4: {  	v2 =	vmul.f32 v4, v2;
	v63 =	vld [tilespmem:$0x19100];
	_ =	sdelay $0x1  }
0x2e5: {  	v2 =	vadd.f32 $1.000000010e-10, v2;
	_ =	sdelay $0x1  }
0x2e6: {  	s26 =	sadd.s32 $0x1, s26;
	s0 =	sxor.u32 $0x80000000, s0;
	vm0 =	vge.f32 v3, v2  }
0x2e7: {  	p0 =	sne.s32 s26, s17;
	v2 =	vsel vm0, s0, v63  }
.Ltmp12:
0x2e8: {  	[tilespmem:$0x19100] =	vst v2;
	(pc) =	sbr.rel @p0 .LBB2_1-.Ltmp12, $4  }
0x2e9: {  	[hbm4b:s16+s1] =	stream.linear.scatter [tilespmem:s25], [sflag:$0x2], $0x80, $0x38;
	[tilespmem:$0x19200] =	vst v63  }
0x2ea: {  	_ =	swait.ge [sflag:s21], $0x80  }
0x2eb: {  	[sflag:s21] =	ssyncset.done $0x0  }
0x2ec: {  	[sflag:s21] =	ssyncadd.s32 $0xFFFFFF80  }
0x2ed: {  	_ =	sfence.sel $0x180000  }
0x2ee: {  	[bflag:$0x0] =	sbarrier.arrive $0xFFFF  }
0x2ef: {  	_ =	strace $0x90000047  }
0x2f0: {  	s0 =	stileid.u32;
	[bflag:$0x2] =	sbarrier.arrive $0xFFFF  }
0x2f1: {  	p0 =	sne.s32 s0, $0x0;
	s0 =	rddreg [dreg:$0x4]  }
0x2f2: {  	s0 =	sadd.s32 @!p0 $0x100000, s0  }
0x2f3: {  	[sflag:s0] =	ssyncadd.tile.s32 @!p0 $0x1;
	_ =	shalt  }
.Lfunc_end2:
_tile_overlayer_lowered:
.L_overlay_start_2:
0x2f4: {  	(tag) =	ssettag $0x2  }
0x2f5: {  	s0 =	rddreg [dreg:$0x0];
	s2 =	stileid.u32  }
0x2f6: {  	s1 =	rddreg [dreg:$0x1];
	p0 =	sne.s32 s2, $0x0  }
0x2f7: {  	s3 =	rddreg [dreg:$0x2];
	[bflag:$0x3] =	sbarrier.arrive $0xFFFF;
	s2 =	simm.s32 @!p0 $0x1C02  }
0x2f8: {  	[timem:s3], [sflag:s2] =	dma.local @!p0 [hbm:s0], s1  }
0x2f9: {  	s0 =	simm.s32 @!p0 $0x2  }
0x2fa: {  	_ =	swait.ge @!p0 [sflag:s0], s1  }
0x2fb: {  	s1 =	ssub.s32 @!p0 $0x0, s1;
	[sflag:s0] =	ssyncset.done @!p0 $0x0  }
0x2fc: {  	[sflag:s0] =	ssyncadd.s32 @!p0 s1  }
0x2fd: {  	[bflag:$0x3] =	sbarrier.arrive $0xFFFF  }
0x2fe: {  	_ =	shalt  }

</sc_bundles>
